<compile_context>
chip_gen: v7x
topology: tpu7x:2x2x1
jax: 0.10.2.dev20260603
libtpu: 0.0.44.dev20260713+nightly
codegen_flags: <defaults>
</compile_context>

<pallas_src>
import functools

import jax
import jax.numpy as jnp
from jax import lax
from jax.experimental import pallas as pl
from jax.experimental.pallas import tpu as pltpu
from jax.experimental.pallas import tpu_sc as plsc

B = 16384
D = 32
_NC = 2
_NS = 16
_NW = _NC * _NS
_BPW = B // _NW
_CHUNK = 128
_NCH = _BPW // _CHUNK
_L = 16
_NG = _BPW // _L
_EB = 4
_NSTEP = _BPW // _EB

_LN2 = 0.6931471805599453
_SQRT2H = 1.4142135


def _rsqrt(x):
    i = plsc.bitcast(x, jnp.int32)
    i = jnp.int32(0x5F3759DF) - (i >> 1)
    y = plsc.bitcast(i, jnp.float32)
    for _ in range(3):
        y = y * (1.5 - 0.5 * x * y * y)
    return y


def _sqrt(x):
    xs = x + 1e-30
    return xs * _rsqrt(xs)


def _log(w):
    iw = plsc.bitcast(w, jnp.int32)
    e = ((iw >> 23) & jnp.int32(0xFF)) - jnp.int32(127)
    m = plsc.bitcast((iw & jnp.int32(0x007FFFFF)) | jnp.int32(0x3F800000),
                     jnp.float32)
    big = m > _SQRT2H
    m = jnp.where(big, m * 0.5, m)
    e = jnp.where(big, e + 1, e)
    z = (m - 1.0) / (m + 1.0)
    z2 = z * z
    p = 2.0 * z * (1.0 + z2 * (1.0 / 3.0 + z2 * (0.2 + z2 * (1.0 / 7.0))))
    return e.astype(jnp.float32) * _LN2 + p


def _sc_fused(u2, i2, u1, i1, ue_t, ie_t, ub1, ib1, scal):
    mesh = plsc.VectorSubcoreMesh(core_axis_name="c", subcore_axis_name="s")

    @functools.partial(
        pl.kernel,
        mesh=mesh,
        compiler_params=pltpu.CompilerParams(
            use_tc_tiling_on_sc=True, needs_layout_passes=False),
        out_type=jax.ShapeDtypeStruct((B,), jnp.float32),
        scratch_types=[
            pltpu.VMEM((_NCH, _CHUNK), jnp.int32),
            pltpu.VMEM((_NCH, _CHUNK), jnp.int32),
            pltpu.VMEM((_BPW + _L,), jnp.int32),
            pltpu.VMEM((_BPW + _L,), jnp.int32),
            pltpu.VMEM((_EB, D, _CHUNK), jnp.float32),
            pltpu.VMEM((_EB, D, _CHUNK), jnp.float32),
            pltpu.VMEM((_BPW // 4, _CHUNK), jnp.float32),
            pltpu.VMEM((_BPW // 4, _CHUNK), jnp.float32),
            pltpu.VMEM((_BPW,), jnp.float32),
            pltpu.VMEM((_BPW,), jnp.float32),
            pltpu.VMEM((_BPW,), jnp.float32),
            pltpu.VMEM((16,), jnp.float32),
            pltpu.SemaphoreType.DMA,
            pltpu.SemaphoreType.DMA,
        ],
    )
    def fused_k(u_hbm, i_hbm, u1_hbm, i1_hbm, ue_hbm, ie_hbm, ub_hbm, ib_hbm,
                scal_hbm, out_hbm,
                uidx, iidx, u1d, i1d, ublk, iblk, vu_v, vi_v,
                bu_v, bi_v, sc_v, scal_v, sem, bsem):
        wid = lax.axis_index("s") * _NC + lax.axis_index("c")
        base = wid * _BPW
        pltpu.sync_copy(u_hbm.at[pl.ds(wid * _NCH, _NCH)], uidx)
        pltpu.sync_copy(i_hbm.at[pl.ds(wid * _NCH, _NCH)], iidx)
        pltpu.sync_copy(u1_hbm.at[pl.ds(base, _BPW + _L)], u1d)
        pltpu.sync_copy(i1_hbm.at[pl.ds(base, _BPW + _L)], i1d)
        pltpu.sync_copy(scal_hbm, scal_v)
        bcps = []
        for t in range(_NCH):
            sl = pl.ds(t * _CHUNK, _CHUNK)
            bcps.append(pltpu.async_copy(ub_hbm.at[uidx.at[t]], bu_v.at[sl], bsem))
            bcps.append(pltpu.async_copy(ib_hbm.at[iidx.at[t]], bi_v.at[sl], bsem))

        lane = lax.iota(jnp.int32, _L)

        def fetch(g, _):
            for b in range(_EB):
                k = g * _EB + b
                uk = u1d[pl.ds(k, _L)][0]
                ik = i1d[pl.ds(k, _L)][0]
                uoff = pl.multiple_of((uk >> 7) << 7, _CHUNK)
                ioff = pl.multiple_of((ik >> 7) << 7, _CHUNK)
                pltpu.async_copy(ue_hbm.at[:, pl.ds(uoff, _CHUNK)],
                                 ublk.at[b], sem)
                pltpu.async_copy(ie_hbm.at[:, pl.ds(ioff, _CHUNK)],
                                 iblk.at[b], sem)
            for b in range(_EB):
                pltpu.make_async_copy(ue_hbm.at[:, pl.ds(0, _CHUNK)],
                                      ublk.at[b], sem).wait()
                pltpu.make_async_copy(ie_hbm.at[:, pl.ds(0, _CHUNK)],
                                      iblk.at[b], sem).wait()
            for b in range(_EB):
                k = g * _EB + b
                uk = u1d[pl.ds(k, _L)][0]
                ik = i1d[pl.ds(k, _L)][0]
                uc = jnp.full((_L,), uk & 127, jnp.int32)
                ic = jnp.full((_L,), ik & 127, jnp.int32)
                kr = jnp.full((_L,), k >> 2, jnp.int32)
                kc = (k & 3) * 32
                for h in range(2):
                    rows = lane + h * _L
                    gu = plsc.load_gather(ublk.at[b], [rows, uc])
                    gi = plsc.load_gather(iblk.at[b], [rows, ic])
                    plsc.store_scatter(vu_v, [kr, kc + rows], gu)
                    plsc.store_scatter(vi_v, [kr, kc + rows], gi)
            return ()

        lax.fori_loop(0, _NSTEP, fetch, (), unroll=False)
        for c in bcps:
            c.wait()

        sv = scal_v[...]
        c1 = sv[0]
        c0 = sv[1]

        def group(g, _):
            e = g * _L + lane
            er = e >> 2
            ec = (e & 3) * 32
            nu = jnp.zeros((_L,), jnp.float32)
            nv = jnp.zeros((_L,), jnp.float32)
            dot = jnp.zeros((_L,), jnp.float32)
            for d in range(D):
                col = ec + d
                gu = plsc.load_gather(vu_v, [er, col])
                gi = plsc.load_gather(vi_v, [er, col])
                nu = nu + gu * gu
                nv = nv + gi * gi
                dot = dot + gu * gi
            ru = _rsqrt(nu + 1e-30)
            rv = _rsqrt(nv + 1e-30)
            lu = nu * ru
            lv = nv * rv
            s1u = 1.0 / (1.0 + lu)
            s1v = 1.0 / (1.0 + lv)
            au = s1u / (1.0 + lu * s1u)
            av = s1v / (1.0 + lv * s1v)
            nuu = nu * au * au
            nvv = nv * av * av
            d2 = nuu + nvv - 2.0 * (au * av) * dot
            den = (1.0 - nuu) * (1.0 - nvv) + 1e-12
            arg = 1.0 + 2.0 * d2 / den
            arg = jnp.maximum(arg, 1.0 + 1e-12)
            s = _sqrt(arg * arg - 1.0)
            dist = _log(arg + s)
            gs = pl.ds(g * _L, _L)
            x = bu_v[gs] + bi_v[gs] + dist
            sc_v[gs] = x * c1 + c0
            return ()

        lax.fori_loop(0, _NG, group, (), unroll=False)
        pltpu.sync_copy(sc_v, out_hbm.at[pl.ds(base, _BPW)])

    return fused_k(u2, i2, u1, i1, ue_t, ie_t, ub1, ib1, scal)


def kernel(u, i, user_emb, item_emb, user_bias, item_bias, offset, lin_w, lin_b):
    u32 = u.astype(jnp.int32)
    i32 = i.astype(jnp.int32)
    u2 = u32.reshape(_NW * _NCH, _CHUNK)
    i2 = i32.reshape(_NW * _NCH, _CHUNK)
    u1 = jnp.concatenate([u32, jnp.zeros((_L,), jnp.int32)])
    i1 = jnp.concatenate([i32, jnp.zeros((_L,), jnp.int32)])
    w00 = lin_w[0, 0]
    c0 = offset[0] * w00 + lin_b[0]
    scal = jnp.zeros((16,), jnp.float32).at[0].set(w00).at[1].set(c0)
    return _sc_fused(u2, i2, u1, i1, user_emb.T, item_emb.T,
                     user_bias[:, 0], item_bias[:, 0], scal)

# --- scband reference (transcript-rebuilt; emitter-appended) ---
"""Pipeline reference for scband-poincare-mf-56727928046359 (READ-ONLY COPY).

The authoritative reference and input builder live on the scoring server;
editing this copy changes nothing except your own understanding.
"""

import jax, jax.numpy as jnp
import numpy as np

N_USERS = 1000000
N_ITEMS = 1000000
N_DIM = 32
BATCH = 16384


def l2(x):
    return jnp.sqrt(jnp.sum(x * x, axis=-1))


def transform(x):
    # Project toward the open unit (Poincare) ball: ||transform(x)|| < 1
    return x / (1.0 + l2(x)[..., None])


def distance_simple(u, v):
    # Poincare distance: arccosh(1 + 2||u-v||^2 / ((1-||u||^2)(1-||v||^2)))
    nu = jnp.sum(u * u, axis=-1)
    nv = jnp.sum(v * v, axis=-1)
    d2 = jnp.sum((u - v) ** 2, axis=-1)
    arg = 1.0 + 2.0 * d2 / ((1.0 - nu) * (1.0 - nv) + 1e-12)
    return jnp.arccosh(jnp.maximum(arg, 1.0 + 1e-12))


def setup_inputs(seed: int = 0):
    key = jax.random.key(seed)
    ks = jax.random.split(key, 8)
    u = jax.random.randint(ks[0], (BATCH,), 0, N_USERS)
    i = jax.random.randint(ks[1], (BATCH,), 0, N_ITEMS)
    user_emb = 0.1 * jax.random.normal(ks[2], (N_USERS, N_DIM), dtype=jnp.float32)
    item_emb = 0.1 * jax.random.normal(ks[3], (N_ITEMS, N_DIM), dtype=jnp.float32)
    user_bias = 0.1 * jax.random.normal(ks[4], (N_USERS, 1), dtype=jnp.float32)
    item_bias = 0.1 * jax.random.normal(ks[5], (N_ITEMS, 1), dtype=jnp.float32)
    offset = jnp.ones((1,), dtype=jnp.float32)
    lin_w = jax.random.normal(ks[6], (1, 1), dtype=jnp.float32)
    lin_b = jax.random.normal(ks[7], (1,), dtype=jnp.float32)
    return {"u": u, "i": i, "user_emb": user_emb, "item_emb": item_emb,
            "user_bias": user_bias, "item_bias": item_bias,
            "offset": offset, "lin_w": lin_w, "lin_b": lin_b}


def reference(u, i, user_emb, item_emb, user_bias, item_bias, offset, lin_w, lin_b):
    vu = jnp.take(user_emb, u, axis=0)
    vi = jnp.take(item_emb, i, axis=0)
    bu = jnp.take(user_bias, u, axis=0)[:, 0]
    bi = jnp.take(item_bias, i, axis=0)[:, 0]
    off = jnp.broadcast_to(offset, (u.shape[0],))
    pu = transform(transform(vu))
    pi = transform(transform(vi))
    dist = distance_simple(pu, pi)
    x = (bu + bi + off + dist)[:, None]
    score = (x @ lin_w.T + lin_b)[:, 0]
    return score

if __name__ == "__main__":
    import jax
    _d = setup_inputs()
    print(jax.jit(kernel)(*tuple(_d.values())))

</pallas_src>

<mosaic_0001>
#map = affine_map<(d0, d1) -> (0, 0)>
#map1 = affine_map<(d0, d1) -> (0)>
module attributes {stable_mosaic.version = 14 : i64} {
  func.func @fused_k(%arg0: i32, %arg1: i32, %arg2: memref<128x128xi32, #tpu.memory_space<hbm>>, %arg3: memref<128x128xi32, #tpu.memory_space<hbm>>, %arg4: memref<16400xi32, #tpu.memory_space<hbm>>, %arg5: memref<16400xi32, #tpu.memory_space<hbm>>, %arg6: memref<32x1000000xf32, #tpu.memory_space<hbm>>, %arg7: memref<32x1000000xf32, #tpu.memory_space<hbm>>, %arg8: memref<1000000xf32, #tpu.memory_space<hbm>>, %arg9: memref<1000000xf32, #tpu.memory_space<hbm>>, %arg10: memref<16xf32, #tpu.memory_space<hbm>>, %arg11: memref<16384xf32, #tpu.memory_space<hbm>>, %arg12: memref<4x128xi32, #tpu.memory_space<vmem>>, %arg13: memref<4x128xi32, #tpu.memory_space<vmem>>, %arg14: memref<528xi32, #tpu.memory_space<vmem>>, %arg15: memref<528xi32, #tpu.memory_space<vmem>>, %arg16: memref<4x32x128xf32, #tpu.memory_space<vmem>>, %arg17: memref<4x32x128xf32, #tpu.memory_space<vmem>>, %arg18: memref<128x128xf32, #tpu.memory_space<vmem>>, %arg19: memref<128x128xf32, #tpu.memory_space<vmem>>, %arg20: memref<512xf32, #tpu.memory_space<vmem>>, %arg21: memref<512xf32, #tpu.memory_space<vmem>>, %arg22: memref<512xf32, #tpu.memory_space<vmem>>, %arg23: memref<16xf32, #tpu.memory_space<vmem>>, %arg24: memref<!tpu.dma_semaphore, #tpu.memory_space<semaphore_mem>>, %arg25: memref<!tpu.dma_semaphore, #tpu.memory_space<semaphore_mem>>) attributes {dimension_semantics = [#tpu.dimension_semantics<core_parallel>, #tpu.dimension_semantics<subcore_parallel>], iteration_bounds = array<i64: 2, 16>, scalar_prefetch = 0 : i64, scratch_operands = 14 : i64, tpu.core_type = #tpu.core_type<sc_vector_subcore>, window_params = [{transform_indices = #map}, {transform_indices = #map}, {transform_indices = #map1}, {transform_indices = #map1}, {transform_indices = #map}, {transform_indices = #map}, {transform_indices = #map1}, {transform_indices = #map1}, {transform_indices = #map1}, {transform_indices = #map1}]} {
    %mul3A = arith.constant 2 : i32
    %mul3A_0 = arith.muli %arg1, %mul3A : i32
    %add3A = arith.addi %mul3A_0, %arg0 : i32
    %mul3A_1 = arith.constant 512 : i32
    %mul3A_2 = arith.muli %add3A, %mul3A_1 : i32
    %mul3A_3 = arith.constant 4 : i32
    %mul3A_4 = arith.muli %add3A, %mul3A_3 : i32
    "tpu.region"() ({
      %run_scoped3A = tpu.sem_alloc : memref<!tpu.dma_semaphore, #tpu.memory_space<semaphore_mem>>
      %dma_start3A_145 = arith.constant 0 : i32
      %dma_start3A_146 = tpu.memref_slice %arg2[%mul3A_4, %dma_start3A_145] : memref<128x128xi32, #tpu.memory_space<hbm>> -> memref<4x128xi32, #tpu.memory_space<hbm>>
      %dma_start3A_147 = arith.constant 0 : i32
      %dma_start3A_148 = tpu.memref_slice %arg2[%mul3A_4, %dma_start3A_147] : memref<128x128xi32, #tpu.memory_space<hbm>> -> memref<4x128xi32, #tpu.memory_space<hbm>>
      tpu.enqueue_dma source(%dma_start3A_148 : memref<4x128xi32, #tpu.memory_space<hbm>>) target(%arg12 : memref<4x128xi32, #tpu.memory_space<vmem>>) target_semaphore(%run_scoped3A : memref<!tpu.dma_semaphore, #tpu.memory_space<semaphore_mem>>)
      %dma_wait3A_149 = arith.constant 0 : i32
      %dma_wait3A_150 = tpu.memref_slice %arg2[%mul3A_4, %dma_wait3A_149] : memref<128x128xi32, #tpu.memory_space<hbm>> -> memref<4x128xi32, #tpu.memory_space<hbm>>
      %dma_wait3A_151 = arith.constant 0 : i32
      %dma_wait3A_152 = tpu.memref_slice %arg2[%mul3A_4, %dma_wait3A_151] : memref<128x128xi32, #tpu.memory_space<hbm>> -> memref<4x128xi32, #tpu.memory_space<hbm>>
      tpu.wait_dma2 semaphore(%run_scoped3A : memref<!tpu.dma_semaphore, #tpu.memory_space<semaphore_mem>>) src(%dma_wait3A_152 : memref<4x128xi32, #tpu.memory_space<hbm>>) dst(%arg12 : memref<4x128xi32, #tpu.memory_space<vmem>>)
      tpu.yield
    }) : () -> ()
    %mul3A_5 = arith.constant 4 : i32
    %mul3A_6 = arith.muli %add3A, %mul3A_5 : i32
    "tpu.region"() ({
      %run_scoped3A = tpu.sem_alloc : memref<!tpu.dma_semaphore, #tpu.memory_space<semaphore_mem>>
      %dma_start3A_145 = arith.constant 0 : i32
      %dma_start3A_146 = tpu.memref_slice %arg3[%mul3A_6, %dma_start3A_145] : memref<128x128xi32, #tpu.memory_space<hbm>> -> memref<4x128xi32, #tpu.memory_space<hbm>>
      %dma_start3A_147 = arith.constant 0 : i32
      %dma_start3A_148 = tpu.memref_slice %arg3[%mul3A_6, %dma_start3A_147] : memref<128x128xi32, #tpu.memory_space<hbm>> -> memref<4x128xi32, #tpu.memory_space<hbm>>
      tpu.enqueue_dma source(%dma_start3A_148 : memref<4x128xi32, #tpu.memory_space<hbm>>) target(%arg13 : memref<4x128xi32, #tpu.memory_space<vmem>>) target_semaphore(%run_scoped3A : memref<!tpu.dma_semaphore, #tpu.memory_space<semaphore_mem>>)
      %dma_wait3A_149 = arith.constant 0 : i32
      %dma_wait3A_150 = tpu.memref_slice %arg3[%mul3A_6, %dma_wait3A_149] : memref<128x128xi32, #tpu.memory_space<hbm>> -> memref<4x128xi32, #tpu.memory_space<hbm>>
      %dma_wait3A_151 = arith.constant 0 : i32
      %dma_wait3A_152 = tpu.memref_slice %arg3[%mul3A_6, %dma_wait3A_151] : memref<128x128xi32, #tpu.memory_space<hbm>> -> memref<4x128xi32, #tpu.memory_space<hbm>>
      tpu.wait_dma2 semaphore(%run_scoped3A : memref<!tpu.dma_semaphore, #tpu.memory_space<semaphore_mem>>) src(%dma_wait3A_152 : memref<4x128xi32, #tpu.memory_space<hbm>>) dst(%arg13 : memref<4x128xi32, #tpu.memory_space<vmem>>)
      tpu.yield
    }) : () -> ()
    "tpu.region"() ({
      %run_scoped3A = tpu.sem_alloc : memref<!tpu.dma_semaphore, #tpu.memory_space<semaphore_mem>>
      %dma_start3A_145 = tpu.memref_slice %arg4[%mul3A_2] : memref<16400xi32, #tpu.memory_space<hbm>> -> memref<528xi32, #tpu.memory_space<hbm>>
      %dma_start3A_146 = tpu.memref_slice %arg4[%mul3A_2] : memref<16400xi32, #tpu.memory_space<hbm>> -> memref<528xi32, #tpu.memory_space<hbm>>
      tpu.enqueue_dma source(%dma_start3A_146 : memref<528xi32, #tpu.memory_space<hbm>>) target(%arg14 : memref<528xi32, #tpu.memory_space<vmem>>) target_semaphore(%run_scoped3A : memref<!tpu.dma_semaphore, #tpu.memory_space<semaphore_mem>>)
      %dma_wait3A_147 = tpu.memref_slice %arg4[%mul3A_2] : memref<16400xi32, #tpu.memory_space<hbm>> -> memref<528xi32, #tpu.memory_space<hbm>>
      %dma_wait3A_148 = tpu.memref_slice %arg4[%mul3A_2] : memref<16400xi32, #tpu.memory_space<hbm>> -> memref<528xi32, #tpu.memory_space<hbm>>
      tpu.wait_dma2 semaphore(%run_scoped3A : memref<!tpu.dma_semaphore, #tpu.memory_space<semaphore_mem>>) src(%dma_wait3A_148 : memref<528xi32, #tpu.memory_space<hbm>>) dst(%arg14 : memref<528xi32, #tpu.memory_space<vmem>>)
      tpu.yield
    }) : () -> ()
    "tpu.region"() ({
      %run_scoped3A = tpu.sem_alloc : memref<!tpu.dma_semaphore, #tpu.memory_space<semaphore_mem>>
      %dma_start3A_145 = tpu.memref_slice %arg5[%mul3A_2] : memref<16400xi32, #tpu.memory_space<hbm>> -> memref<528xi32, #tpu.memory_space<hbm>>
      %dma_start3A_146 = tpu.memref_slice %arg5[%mul3A_2] : memref<16400xi32, #tpu.memory_space<hbm>> -> memref<528xi32, #tpu.memory_space<hbm>>
      tpu.enqueue_dma source(%dma_start3A_146 : memref<528xi32, #tpu.memory_space<hbm>>) target(%arg15 : memref<528xi32, #tpu.memory_space<vmem>>) target_semaphore(%run_scoped3A : memref<!tpu.dma_semaphore, #tpu.memory_space<semaphore_mem>>)
      %dma_wait3A_147 = tpu.memref_slice %arg5[%mul3A_2] : memref<16400xi32, #tpu.memory_space<hbm>> -> memref<528xi32, #tpu.memory_space<hbm>>
      %dma_wait3A_148 = tpu.memref_slice %arg5[%mul3A_2] : memref<16400xi32, #tpu.memory_space<hbm>> -> memref<528xi32, #tpu.memory_space<hbm>>
      tpu.wait_dma2 semaphore(%run_scoped3A : memref<!tpu.dma_semaphore, #tpu.memory_space<semaphore_mem>>) src(%dma_wait3A_148 : memref<528xi32, #tpu.memory_space<hbm>>) dst(%arg15 : memref<528xi32, #tpu.memory_space<vmem>>)
      tpu.yield
    }) : () -> ()
    "tpu.region"() ({
      %run_scoped3A = tpu.sem_alloc : memref<!tpu.dma_semaphore, #tpu.memory_space<semaphore_mem>>
      tpu.enqueue_dma source(%arg10 : memref<16xf32, #tpu.memory_space<hbm>>) target(%arg23 : memref<16xf32, #tpu.memory_space<vmem>>) target_semaphore(%run_scoped3A : memref<!tpu.dma_semaphore, #tpu.memory_space<semaphore_mem>>)
      tpu.wait_dma2 semaphore(%run_scoped3A : memref<!tpu.dma_semaphore, #tpu.memory_space<semaphore_mem>>) src(%arg10 : memref<16xf32, #tpu.memory_space<hbm>>) dst(%arg23 : memref<16xf32, #tpu.memory_space<vmem>>)
      tpu.yield
    }) : () -> ()
    %dma_start3A = arith.constant 0 : i32
    %dma_start3A_7 = arith.constant 0 : i32
    %dma_start3A_8 = tpu.memref_slice %arg20[%dma_start3A_7] : memref<512xf32, #tpu.memory_space<vmem>> -> memref<128xf32, #tpu.memory_space<vmem>>
    %dma_start3A_9 = arith.constant 0 : i32
    %dma_start3A_10 = tpu.memref_slice %arg12[%dma_start3A, %dma_start3A_9] : memref<4x128xi32, #tpu.memory_space<vmem>> -> memref<1x128xi32, #tpu.memory_space<vmem>>
    %dma_start3A_11 = tpu.memref_squeeze %dma_start3A_10 : memref<1x128xi32, #tpu.memory_space<vmem>> -> memref<128xi32, #tpu.memory_space<vmem>>
    %dma_start3A_12 = arith.constant 0 : i32
    %dma_start3A_13 = tpu.memref_slice %arg8[%dma_start3A_12] : memref<1000000xf32, #tpu.memory_space<hbm>> -> memref<1000000xf32, #tpu.memory_space<hbm>>
    tpu.enqueue_indirect_dma source(%dma_start3A_13 : memref<1000000xf32, #tpu.memory_space<hbm>>) target(%dma_start3A_8 : memref<128xf32, #tpu.memory_space<vmem>>) offsets(%dma_start3A_11 : memref<128xi32, #tpu.memory_space<vmem>>) semaphore(%arg25 : memref<!tpu.dma_semaphore, #tpu.memory_space<semaphore_mem>>)
    %dma_start3A_14 = arith.constant 0 : i32
    %dma_start3A_15 = arith.constant 0 : i32
    %dma_start3A_16 = tpu.memref_slice %arg21[%dma_start3A_15] : memref<512xf32, #tpu.memory_space<vmem>> -> memref<128xf32, #tpu.memory_space<vmem>>
    %dma_start3A_17 = arith.constant 0 : i32
    %dma_start3A_18 = tpu.memref_slice %arg13[%dma_start3A_14, %dma_start3A_17] : memref<4x128xi32, #tpu.memory_space<vmem>> -> memref<1x128xi32, #tpu.memory_space<vmem>>
    %dma_start3A_19 = tpu.memref_squeeze %dma_start3A_18 : memref<1x128xi32, #tpu.memory_space<vmem>> -> memref<128xi32, #tpu.memory_space<vmem>>
    %dma_start3A_20 = arith.constant 0 : i32
    %dma_start3A_21 = tpu.memref_slice %arg9[%dma_start3A_20] : memref<1000000xf32, #tpu.memory_space<hbm>> -> memref<1000000xf32, #tpu.memory_space<hbm>>
    tpu.enqueue_indirect_dma source(%dma_start3A_21 : memref<1000000xf32, #tpu.memory_space<hbm>>) target(%dma_start3A_16 : memref<128xf32, #tpu.memory_space<vmem>>) offsets(%dma_start3A_19 : memref<128xi32, #tpu.memory_space<vmem>>) semaphore(%arg25 : memref<!tpu.dma_semaphore, #tpu.memory_space<semaphore_mem>>)
    %dma_start3A_22 = arith.constant 1 : i32
    %dma_start3A_23 = arith.constant 128 : i32
    %dma_start3A_24 = tpu.memref_slice %arg20[%dma_start3A_23] : memref<512xf32, #tpu.memory_space<vmem>> -> memref<128xf32, #tpu.memory_space<vmem>>
    %dma_start3A_25 = arith.constant 0 : i32
    %dma_start3A_26 = tpu.memref_slice %arg12[%dma_start3A_22, %dma_start3A_25] : memref<4x128xi32, #tpu.memory_space<vmem>> -> memref<1x128xi32, #tpu.memory_space<vmem>>
    %dma_start3A_27 = tpu.memref_squeeze %dma_start3A_26 : memref<1x128xi32, #tpu.memory_space<vmem>> -> memref<128xi32, #tpu.memory_space<vmem>>
    %dma_start3A_28 = arith.constant 0 : i32
    %dma_start3A_29 = tpu.memref_slice %arg8[%dma_start3A_28] : memref<1000000xf32, #tpu.memory_space<hbm>> -> memref<1000000xf32, #tpu.memory_space<hbm>>
    tpu.enqueue_indirect_dma source(%dma_start3A_29 : memref<1000000xf32, #tpu.memory_space<hbm>>) target(%dma_start3A_24 : memref<128xf32, #tpu.memory_space<vmem>>) offsets(%dma_start3A_27 : memref<128xi32, #tpu.memory_space<vmem>>) semaphore(%arg25 : memref<!tpu.dma_semaphore, #tpu.memory_space<semaphore_mem>>)
    %dma_start3A_30 = arith.constant 1 : i32
    %dma_start3A_31 = arith.constant 128 : i32
    %dma_start3A_32 = tpu.memref_slice %arg21[%dma_start3A_31] : memref<512xf32, #tpu.memory_space<vmem>> -> memref<128xf32, #tpu.memory_space<vmem>>
    %dma_start3A_33 = arith.constant 0 : i32
    %dma_start3A_34 = tpu.memref_slice %arg13[%dma_start3A_30, %dma_start3A_33] : memref<4x128xi32, #tpu.memory_space<vmem>> -> memref<1x128xi32, #tpu.memory_space<vmem>>
    %dma_start3A_35 = tpu.memref_squeeze %dma_start3A_34 : memref<1x128xi32, #tpu.memory_space<vmem>> -> memref<128xi32, #tpu.memory_space<vmem>>
    %dma_start3A_36 = arith.constant 0 : i32
    %dma_start3A_37 = tpu.memref_slice %arg9[%dma_start3A_36] : memref<1000000xf32, #tpu.memory_space<hbm>> -> memref<1000000xf32, #tpu.memory_space<hbm>>
    tpu.enqueue_indirect_dma source(%dma_start3A_37 : memref<1000000xf32, #tpu.memory_space<hbm>>) target(%dma_start3A_32 : memref<128xf32, #tpu.memory_space<vmem>>) offsets(%dma_start3A_35 : memref<128xi32, #tpu.memory_space<vmem>>) semaphore(%arg25 : memref<!tpu.dma_semaphore, #tpu.memory_space<semaphore_mem>>)
    %dma_start3A_38 = arith.constant 2 : i32
    %dma_start3A_39 = arith.constant 256 : i32
    %dma_start3A_40 = tpu.memref_slice %arg20[%dma_start3A_39] : memref<512xf32, #tpu.memory_space<vmem>> -> memref<128xf32, #tpu.memory_space<vmem>>
    %dma_start3A_41 = arith.constant 0 : i32
    %dma_start3A_42 = tpu.memref_slice %arg12[%dma_start3A_38, %dma_start3A_41] : memref<4x128xi32, #tpu.memory_space<vmem>> -> memref<1x128xi32, #tpu.memory_space<vmem>>
    %dma_start3A_43 = tpu.memref_squeeze %dma_start3A_42 : memref<1x128xi32, #tpu.memory_space<vmem>> -> memref<128xi32, #tpu.memory_space<vmem>>
    %dma_start3A_44 = arith.constant 0 : i32
    %dma_start3A_45 = tpu.memref_slice %arg8[%dma_start3A_44] : memref<1000000xf32, #tpu.memory_space<hbm>> -> memref<1000000xf32, #tpu.memory_space<hbm>>
    tpu.enqueue_indirect_dma source(%dma_start3A_45 : memref<1000000xf32, #tpu.memory_space<hbm>>) target(%dma_start3A_40 : memref<128xf32, #tpu.memory_space<vmem>>) offsets(%dma_start3A_43 : memref<128xi32, #tpu.memory_space<vmem>>) semaphore(%arg25 : memref<!tpu.dma_semaphore, #tpu.memory_space<semaphore_mem>>)
    %dma_start3A_46 = arith.constant 2 : i32
    %dma_start3A_47 = arith.constant 256 : i32
    %dma_start3A_48 = tpu.memref_slice %arg21[%dma_start3A_47] : memref<512xf32, #tpu.memory_space<vmem>> -> memref<128xf32, #tpu.memory_space<vmem>>
    %dma_start3A_49 = arith.constant 0 : i32
    %dma_start3A_50 = tpu.memref_slice %arg13[%dma_start3A_46, %dma_start3A_49] : memref<4x128xi32, #tpu.memory_space<vmem>> -> memref<1x128xi32, #tpu.memory_space<vmem>>
    %dma_start3A_51 = tpu.memref_squeeze %dma_start3A_50 : memref<1x128xi32, #tpu.memory_space<vmem>> -> memref<128xi32, #tpu.memory_space<vmem>>
    %dma_start3A_52 = arith.constant 0 : i32
    %dma_start3A_53 = tpu.memref_slice %arg9[%dma_start3A_52] : memref<1000000xf32, #tpu.memory_space<hbm>> -> memref<1000000xf32, #tpu.memory_space<hbm>>
    tpu.enqueue_indirect_dma source(%dma_start3A_53 : memref<1000000xf32, #tpu.memory_space<hbm>>) target(%dma_start3A_48 : memref<128xf32, #tpu.memory_space<vmem>>) offsets(%dma_start3A_51 : memref<128xi32, #tpu.memory_space<vmem>>) semaphore(%arg25 : memref<!tpu.dma_semaphore, #tpu.memory_space<semaphore_mem>>)
    %dma_start3A_54 = arith.constant 3 : i32
    %dma_start3A_55 = arith.constant 384 : i32
    %dma_start3A_56 = tpu.memref_slice %arg20[%dma_start3A_55] : memref<512xf32, #tpu.memory_space<vmem>> -> memref<128xf32, #tpu.memory_space<vmem>>
    %dma_start3A_57 = arith.constant 0 : i32
    %dma_start3A_58 = tpu.memref_slice %arg12[%dma_start3A_54, %dma_start3A_57] : memref<4x128xi32, #tpu.memory_space<vmem>> -> memref<1x128xi32, #tpu.memory_space<vmem>>
    %dma_start3A_59 = tpu.memref_squeeze %dma_start3A_58 : memref<1x128xi32, #tpu.memory_space<vmem>> -> memref<128xi32, #tpu.memory_space<vmem>>
    %dma_start3A_60 = arith.constant 0 : i32
    %dma_start3A_61 = tpu.memref_slice %arg8[%dma_start3A_60] : memref<1000000xf32, #tpu.memory_space<hbm>> -> memref<1000000xf32, #tpu.memory_space<hbm>>
    tpu.enqueue_indirect_dma source(%dma_start3A_61 : memref<1000000xf32, #tpu.memory_space<hbm>>) target(%dma_start3A_56 : memref<128xf32, #tpu.memory_space<vmem>>) offsets(%dma_start3A_59 : memref<128xi32, #tpu.memory_space<vmem>>) semaphore(%arg25 : memref<!tpu.dma_semaphore, #tpu.memory_space<semaphore_mem>>)
    %dma_start3A_62 = arith.constant 3 : i32
    %dma_start3A_63 = arith.constant 384 : i32
    %dma_start3A_64 = tpu.memref_slice %arg21[%dma_start3A_63] : memref<512xf32, #tpu.memory_space<vmem>> -> memref<128xf32, #tpu.memory_space<vmem>>
    %dma_start3A_65 = arith.constant 0 : i32
    %dma_start3A_66 = tpu.memref_slice %arg13[%dma_start3A_62, %dma_start3A_65] : memref<4x128xi32, #tpu.memory_space<vmem>> -> memref<1x128xi32, #tpu.memory_space<vmem>>
    %dma_start3A_67 = tpu.memref_squeeze %dma_start3A_66 : memref<1x128xi32, #tpu.memory_space<vmem>> -> memref<128xi32, #tpu.memory_space<vmem>>
    %dma_start3A_68 = arith.constant 0 : i32
    %dma_start3A_69 = tpu.memref_slice %arg9[%dma_start3A_68] : memref<1000000xf32, #tpu.memory_space<hbm>> -> memref<1000000xf32, #tpu.memory_space<hbm>>
    tpu.enqueue_indirect_dma source(%dma_start3A_69 : memref<1000000xf32, #tpu.memory_space<hbm>>) target(%dma_start3A_64 : memref<128xf32, #tpu.memory_space<vmem>>) offsets(%dma_start3A_67 : memref<128xi32, #tpu.memory_space<vmem>>) semaphore(%arg25 : memref<!tpu.dma_semaphore, #tpu.memory_space<semaphore_mem>>)
    %iota3A = tpu.iota {dimensions = array<i32: 0>} : vector<16xi32>
    %scan3A = arith.constant 0 : i32
    %scan3A_70 = arith.constant 128 : i32
    %scan3A_71 = arith.addi %scan3A, %scan3A_70 : i32
    %scan3A_72 = arith.constant 1 : i32
    scf.for %scan3A_145 = %scan3A to %scan3A_71 step %scan3A_72  : i32 {
      %mul3A_146 = arith.constant 4 : i32
      %mul3A_147 = arith.muli %scan3A_145, %mul3A_146 : i32
      %add3A_148 = arith.constant 0 : i32
      %add3A_149 = arith.addi %mul3A_147, %add3A_148 : i32
      %get3A_150 = arith.index_cast %add3A_149 : i32 to index
      %get3A_151 = tpu.vector_load %arg14[%get3A_150] {strides = array<i32>} : memref<528xi32, #tpu.memory_space<vmem>>, vector<16xi32>,
      %slice3A_152 = vector.extract_strided_slice %get3A_151 {offsets = [0], sizes = [1], strides = [1]} : vector<16xi32> to vector<1xi32>
      %squeeze3A_153 = vector.extract %slice3A_152[0] : i32 from vector<1xi32>
      %get3A_154 = arith.index_cast %add3A_149 : i32 to index
      %get3A_155 = tpu.vector_load %arg15[%get3A_154] {strides = array<i32>} : memref<528xi32, #tpu.memory_space<vmem>>, vector<16xi32>,
      %slice3A_156 = vector.extract_strided_slice %get3A_155 {offsets = [0], sizes = [1], strides = [1]} : vector<16xi32> to vector<1xi32>
      %squeeze3A_157 = vector.extract %slice3A_156[0] : i32 from vector<1xi32>
      %shift_right_arithmetic3A = arith.constant 7 : i32
      %shift_right_arithmetic3A_158 = arith.shrsi %squeeze3A_153, %shift_right_arithmetic3A : i32
      %shift_left3A = arith.constant 7 : i32
      %shift_left3A_159 = arith.shli %shift_right_arithmetic3A_158, %shift_left3A : i32
      %multiple_of3A = tpu.assume_multiple %shift_left3A_159, 128 : i32
      %shift_right_arithmetic3A_160 = arith.constant 7 : i32
      %shift_right_arithmetic3A_161 = arith.shrsi %squeeze3A_157, %shift_right_arithmetic3A_160 : i32
      %shift_left3A_162 = arith.constant 7 : i32
      %shift_left3A_163 = arith.shli %shift_right_arithmetic3A_161, %shift_left3A_162 : i32
      %multiple_of3A_164 = tpu.assume_multiple %shift_left3A_163, 128 : i32
      %dma_start3A_165 = arith.constant 0 : i32
      %dma_start3A_166 = arith.constant 0 : i32
      %dma_start3A_167 = arith.constant 0 : i32
      %dma_start3A_168 = tpu.memref_slice %arg16[%dma_start3A_165, %dma_start3A_166, %dma_start3A_167] : memref<4x32x128xf32, #tpu.memory_space<vmem>> -> memref<1x32x128xf32, #tpu.memory_space<vmem>>
      %dma_start3A_169 = tpu.memref_squeeze %dma_start3A_168 : memref<1x32x128xf32, #tpu.memory_space<vmem>> -> memref<32x128xf32, #tpu.memory_space<vmem>>
      %dma_start3A_170 = arith.constant 0 : i32
      %dma_start3A_171 = tpu.memref_slice %arg6[%dma_start3A_170, %multiple_of3A] : memref<32x1000000xf32, #tpu.memory_space<hbm>> -> memref<32x128xf32, #tpu.memory_space<hbm>>
      %dma_start3A_172 = arith.constant 0 : i32
      %dma_start3A_173 = arith.constant 0 : i32
      %dma_start3A_174 = tpu.memref_slice %arg16[%dma_start3A_165, %dma_start3A_172, %dma_start3A_173] : memref<4x32x128xf32, #tpu.memory_space<vmem>> -> memref<1x32x128xf32, #tpu.memory_space<vmem>>
      %dma_start3A_175 = tpu.memref_squeeze %dma_start3A_174 : memref<1x32x128xf32, #tpu.memory_space<vmem>> -> memref<32x128xf32, #tpu.memory_space<vmem>>
      %dma_start3A_176 = arith.constant 0 : i32
      %dma_start3A_177 = tpu.memref_slice %arg6[%dma_start3A_176, %multiple_of3A] : memref<32x1000000xf32, #tpu.memory_space<hbm>> -> memref<32x128xf32, #tpu.memory_space<hbm>>
      tpu.enqueue_dma source(%dma_start3A_177 : memref<32x128xf32, #tpu.memory_space<hbm>>) target(%dma_start3A_175 : memref<32x128xf32, #tpu.memory_space<vmem>>) target_semaphore(%arg24 : memref<!tpu.dma_semaphore, #tpu.memory_space<semaphore_mem>>)
      %dma_start3A_178 = arith.constant 0 : i32
      %dma_start3A_179 = arith.constant 0 : i32
      %dma_start3A_180 = arith.constant 0 : i32
      %dma_start3A_181 = tpu.memref_slice %arg17[%dma_start3A_178, %dma_start3A_179, %dma_start3A_180] : memref<4x32x128xf32, #tpu.memory_space<vmem>> -> memref<1x32x128xf32, #tpu.memory_space<vmem>>
      %dma_start3A_182 = tpu.memref_squeeze %dma_start3A_181 : memref<1x32x128xf32, #tpu.memory_space<vmem>> -> memref<32x128xf32, #tpu.memory_space<vmem>>
      %dma_start3A_183 = arith.constant 0 : i32
      %dma_start3A_184 = tpu.memref_slice %arg7[%dma_start3A_183, %multiple_of3A_164] : memref<32x1000000xf32, #tpu.memory_space<hbm>> -> memref<32x128xf32, #tpu.memory_space<hbm>>
      %dma_start3A_185 = arith.constant 0 : i32
      %dma_start3A_186 = arith.constant 0 : i32
      %dma_start3A_187 = tpu.memref_slice %arg17[%dma_start3A_178, %dma_start3A_185, %dma_start3A_186] : memref<4x32x128xf32, #tpu.memory_space<vmem>> -> memref<1x32x128xf32, #tpu.memory_space<vmem>>
      %dma_start3A_188 = tpu.memref_squeeze %dma_start3A_187 : memref<1x32x128xf32, #tpu.memory_space<vmem>> -> memref<32x128xf32, #tpu.memory_space<vmem>>
      %dma_start3A_189 = arith.constant 0 : i32
      %dma_start3A_190 = tpu.memref_slice %arg7[%dma_start3A_189, %multiple_of3A_164] : memref<32x1000000xf32, #tpu.memory_space<hbm>> -> memref<32x128xf32, #tpu.memory_space<hbm>>
      tpu.enqueue_dma source(%dma_start3A_190 : memref<32x128xf32, #tpu.memory_space<hbm>>) target(%dma_start3A_188 : memref<32x128xf32, #tpu.memory_space<vmem>>) target_semaphore(%arg24 : memref<!tpu.dma_semaphore, #tpu.memory_space<semaphore_mem>>)
      %mul3A_191 = arith.constant 4 : i32
      %mul3A_192 = arith.muli %scan3A_145, %mul3A_191 : i32
      %add3A_193 = arith.constant 1 : i32
      %add3A_194 = arith.addi %mul3A_192, %add3A_193 : i32
      %get3A_195 = arith.index_cast %add3A_194 : i32 to index
      %get3A_196 = tpu.vector_load %arg14[%get3A_195] {strides = array<i32>} : memref<528xi32, #tpu.memory_space<vmem>>, vector<16xi32>,
      %slice3A_197 = vector.extract_strided_slice %get3A_196 {offsets = [0], sizes = [1], strides = [1]} : vector<16xi32> to vector<1xi32>
      %squeeze3A_198 = vector.extract %slice3A_197[0] : i32 from vector<1xi32>
      %get3A_199 = arith.index_cast %add3A_194 : i32 to index
      %get3A_200 = tpu.vector_load %arg15[%get3A_199] {strides = array<i32>} : memref<528xi32, #tpu.memory_space<vmem>>, vector<16xi32>,
      %slice3A_201 = vector.extract_strided_slice %get3A_200 {offsets = [0], sizes = [1], strides = [1]} : vector<16xi32> to vector<1xi32>
      %squeeze3A_202 = vector.extract %slice3A_201[0] : i32 from vector<1xi32>
      %shift_right_arithmetic3A_203 = arith.constant 7 : i32
      %shift_right_arithmetic3A_204 = arith.shrsi %squeeze3A_198, %shift_right_arithmetic3A_203 : i32
      %shift_left3A_205 = arith.constant 7 : i32
      %shift_left3A_206 = arith.shli %shift_right_arithmetic3A_204, %shift_left3A_205 : i32
      %multiple_of3A_207 = tpu.assume_multiple %shift_left3A_206, 128 : i32
      %shift_right_arithmetic3A_208 = arith.constant 7 : i32
      %shift_right_arithmetic3A_209 = arith.shrsi %squeeze3A_202, %shift_right_arithmetic3A_208 : i32
      %shift_left3A_210 = arith.constant 7 : i32
      %shift_left3A_211 = arith.shli %shift_right_arithmetic3A_209, %shift_left3A_210 : i32
      %multiple_of3A_212 = tpu.assume_multiple %shift_left3A_211, 128 : i32
      %dma_start3A_213 = arith.constant 1 : i32
      %dma_start3A_214 = arith.constant 0 : i32
      %dma_start3A_215 = arith.constant 0 : i32
      %dma_start3A_216 = tpu.memref_slice %arg16[%dma_start3A_213, %dma_start3A_214, %dma_start3A_215] : memref<4x32x128xf32, #tpu.memory_space<vmem>> -> memref<1x32x128xf32, #tpu.memory_space<vmem>>
      %dma_start3A_217 = tpu.memref_squeeze %dma_start3A_216 : memref<1x32x128xf32, #tpu.memory_space<vmem>> -> memref<32x128xf32, #tpu.memory_space<vmem>>
      %dma_start3A_218 = arith.constant 0 : i32
      %dma_start3A_219 = tpu.memref_slice %arg6[%dma_start3A_218, %multiple_of3A_207] : memref<32x1000000xf32, #tpu.memory_space<hbm>> -> memref<32x128xf32, #tpu.memory_space<hbm>>
      %dma_start3A_220 = arith.constant 0 : i32
      %dma_start3A_221 = arith.constant 0 : i32
      %dma_start3A_222 = tpu.memref_slice %arg16[%dma_start3A_213, %dma_start3A_220, %dma_start3A_221] : memref<4x32x128xf32, #tpu.memory_space<vmem>> -> memref<1x32x128xf32, #tpu.memory_space<vmem>>
      %dma_start3A_223 = tpu.memref_squeeze %dma_start3A_222 : memref<1x32x128xf32, #tpu.memory_space<vmem>> -> memref<32x128xf32, #tpu.memory_space<vmem>>
      %dma_start3A_224 = arith.constant 0 : i32
      %dma_start3A_225 = tpu.memref_slice %arg6[%dma_start3A_224, %multiple_of3A_207] : memref<32x1000000xf32, #tpu.memory_space<hbm>> -> memref<32x128xf32, #tpu.memory_space<hbm>>
      tpu.enqueue_dma source(%dma_start3A_225 : memref<32x128xf32, #tpu.memory_space<hbm>>) target(%dma_start3A_223 : memref<32x128xf32, #tpu.memory_space<vmem>>) target_semaphore(%arg24 : memref<!tpu.dma_semaphore, #tpu.memory_space<semaphore_mem>>)
      %dma_start3A_226 = arith.constant 1 : i32
      %dma_start3A_227 = arith.constant 0 : i32
      %dma_start3A_228 = arith.constant 0 : i32
      %dma_start3A_229 = tpu.memref_slice %arg17[%dma_start3A_226, %dma_start3A_227, %dma_start3A_228] : memref<4x32x128xf32, #tpu.memory_space<vmem>> -> memref<1x32x128xf32, #tpu.memory_space<vmem>>
      %dma_start3A_230 = tpu.memref_squeeze %dma_start3A_229 : memref<1x32x128xf32, #tpu.memory_space<vmem>> -> memref<32x128xf32, #tpu.memory_space<vmem>>
      %dma_start3A_231 = arith.constant 0 : i32
      %dma_start3A_232 = tpu.memref_slice %arg7[%dma_start3A_231, %multiple_of3A_212] : memref<32x1000000xf32, #tpu.memory_space<hbm>> -> memref<32x128xf32, #tpu.memory_space<hbm>>
      %dma_start3A_233 = arith.constant 0 : i32
      %dma_start3A_234 = arith.constant 0 : i32
      %dma_start3A_235 = tpu.memref_slice %arg17[%dma_start3A_226, %dma_start3A_233, %dma_start3A_234] : memref<4x32x128xf32, #tpu.memory_space<vmem>> -> memref<1x32x128xf32, #tpu.memory_space<vmem>>
      %dma_start3A_236 = tpu.memref_squeeze %dma_start3A_235 : memref<1x32x128xf32, #tpu.memory_space<vmem>> -> memref<32x128xf32, #tpu.memory_space<vmem>>
      %dma_start3A_237 = arith.constant 0 : i32
      %dma_start3A_238 = tpu.memref_slice %arg7[%dma_start3A_237, %multiple_of3A_212] : memref<32x1000000xf32, #tpu.memory_space<hbm>> -> memref<32x128xf32, #tpu.memory_space<hbm>>
      tpu.enqueue_dma source(%dma_start3A_238 : memref<32x128xf32, #tpu.memory_space<hbm>>) target(%dma_start3A_236 : memref<32x128xf32, #tpu.memory_space<vmem>>) target_semaphore(%arg24 : memref<!tpu.dma_semaphore, #tpu.memory_space<semaphore_mem>>)
      %mul3A_239 = arith.constant 4 : i32
      %mul3A_240 = arith.muli %scan3A_145, %mul3A_239 : i32
      %add3A_241 = arith.constant 2 : i32
      %add3A_242 = arith.addi %mul3A_240, %add3A_241 : i32
      %get3A_243 = arith.index_cast %add3A_242 : i32 to index
      %get3A_244 = tpu.vector_load %arg14[%get3A_243] {strides = array<i32>} : memref<528xi32, #tpu.memory_space<vmem>>, vector<16xi32>,
      %slice3A_245 = vector.extract_strided_slice %get3A_244 {offsets = [0], sizes = [1], strides = [1]} : vector<16xi32> to vector<1xi32>
      %squeeze3A_246 = vector.extract %slice3A_245[0] : i32 from vector<1xi32>
      %get3A_247 = arith.index_cast %add3A_242 : i32 to index
      %get3A_248 = tpu.vector_load %arg15[%get3A_247] {strides = array<i32>} : memref<528xi32, #tpu.memory_space<vmem>>, vector<16xi32>,
      %slice3A_249 = vector.extract_strided_slice %get3A_248 {offsets = [0], sizes = [1], strides = [1]} : vector<16xi32> to vector<1xi32>
      %squeeze3A_250 = vector.extract %slice3A_249[0] : i32 from vector<1xi32>
      %shift_right_arithmetic3A_251 = arith.constant 7 : i32
      %shift_right_arithmetic3A_252 = arith.shrsi %squeeze3A_246, %shift_right_arithmetic3A_251 : i32
      %shift_left3A_253 = arith.constant 7 : i32
      %shift_left3A_254 = arith.shli %shift_right_arithmetic3A_252, %shift_left3A_253 : i32
      %multiple_of3A_255 = tpu.assume_multiple %shift_left3A_254, 128 : i32
      %shift_right_arithmetic3A_256 = arith.constant 7 : i32
      %shift_right_arithmetic3A_257 = arith.shrsi %squeeze3A_250, %shift_right_arithmetic3A_256 : i32
      %shift_left3A_258 = arith.constant 7 : i32
      %shift_left3A_259 = arith.shli %shift_right_arithmetic3A_257, %shift_left3A_258 : i32
      %multiple_of3A_260 = tpu.assume_multiple %shift_left3A_259, 128 : i32
      %dma_start3A_261 = arith.constant 2 : i32
      %dma_start3A_262 = arith.constant 0 : i32
      %dma_start3A_263 = arith.constant 0 : i32
      %dma_start3A_264 = tpu.memref_slice %arg16[%dma_start3A_261, %dma_start3A_262, %dma_start3A_263] : memref<4x32x128xf32, #tpu.memory_space<vmem>> -> memref<1x32x128xf32, #tpu.memory_space<vmem>>
      %dma_start3A_265 = tpu.memref_squeeze %dma_start3A_264 : memref<1x32x128xf32, #tpu.memory_space<vmem>> -> memref<32x128xf32, #tpu.memory_space<vmem>>
      %dma_start3A_266 = arith.constant 0 : i32
      %dma_start3A_267 = tpu.memref_slice %arg6[%dma_start3A_266, %multiple_of3A_255] : memref<32x1000000xf32, #tpu.memory_space<hbm>> -> memref<32x128xf32, #tpu.memory_space<hbm>>
      %dma_start3A_268 = arith.constant 0 : i32
      %dma_start3A_269 = arith.constant 0 : i32
      %dma_start3A_270 = tpu.memref_slice %arg16[%dma_start3A_261, %dma_start3A_268, %dma_start3A_269] : memref<4x32x128xf32, #tpu.memory_space<vmem>> -> memref<1x32x128xf32, #tpu.memory_space<vmem>>
      %dma_start3A_271 = tpu.memref_squeeze %dma_start3A_270 : memref<1x32x128xf32, #tpu.memory_space<vmem>> -> memref<32x128xf32, #tpu.memory_space<vmem>>
      %dma_start3A_272 = arith.constant 0 : i32
      %dma_start3A_273 = tpu.memref_slice %arg6[%dma_start3A_272, %multiple_of3A_255] : memref<32x1000000xf32, #tpu.memory_space<hbm>> -> memref<32x128xf32, #tpu.memory_space<hbm>>
      tpu.enqueue_dma source(%dma_start3A_273 : memref<32x128xf32, #tpu.memory_space<hbm>>) target(%dma_start3A_271 : memref<32x128xf32, #tpu.memory_space<vmem>>) target_semaphore(%arg24 : memref<!tpu.dma_semaphore, #tpu.memory_space<semaphore_mem>>)
      %dma_start3A_274 = arith.constant 2 : i32
      %dma_start3A_275 = arith.constant 0 : i32
      %dma_start3A_276 = arith.constant 0 : i32
      %dma_start3A_277 = tpu.memref_slice %arg17[%dma_start3A_274, %dma_start3A_275, %dma_start3A_276] : memref<4x32x128xf32, #tpu.memory_space<vmem>> -> memref<1x32x128xf32, #tpu.memory_space<vmem>>
      %dma_start3A_278 = tpu.memref_squeeze %dma_start3A_277 : memref<1x32x128xf32, #tpu.memory_space<vmem>> -> memref<32x128xf32, #tpu.memory_space<vmem>>
      %dma_start3A_279 = arith.constant 0 : i32
      %dma_start3A_280 = tpu.memref_slice %arg7[%dma_start3A_279, %multiple_of3A_260] : memref<32x1000000xf32, #tpu.memory_space<hbm>> -> memref<32x128xf32, #tpu.memory_space<hbm>>
      %dma_start3A_281 = arith.constant 0 : i32
      %dma_start3A_282 = arith.constant 0 : i32
      %dma_start3A_283 = tpu.memref_slice %arg17[%dma_start3A_274, %dma_start3A_281, %dma_start3A_282] : memref<4x32x128xf32, #tpu.memory_space<vmem>> -> memref<1x32x128xf32, #tpu.memory_space<vmem>>
      %dma_start3A_284 = tpu.memref_squeeze %dma_start3A_283 : memref<1x32x128xf32, #tpu.memory_space<vmem>> -> memref<32x128xf32, #tpu.memory_space<vmem>>
      %dma_start3A_285 = arith.constant 0 : i32
      %dma_start3A_286 = tpu.memref_slice %arg7[%dma_start3A_285, %multiple_of3A_260] : memref<32x1000000xf32, #tpu.memory_space<hbm>> -> memref<32x128xf32, #tpu.memory_space<hbm>>
      tpu.enqueue_dma source(%dma_start3A_286 : memref<32x128xf32, #tpu.memory_space<hbm>>) target(%dma_start3A_284 : memref<32x128xf32, #tpu.memory_space<vmem>>) target_semaphore(%arg24 : memref<!tpu.dma_semaphore, #tpu.memory_space<semaphore_mem>>)
      %mul3A_287 = arith.constant 4 : i32
      %mul3A_288 = arith.muli %scan3A_145, %mul3A_287 : i32
      %add3A_289 = arith.constant 3 : i32
      %add3A_290 = arith.addi %mul3A_288, %add3A_289 : i32
      %get3A_291 = arith.index_cast %add3A_290 : i32 to index
      %get3A_292 = tpu.vector_load %arg14[%get3A_291] {strides = array<i32>} : memref<528xi32, #tpu.memory_space<vmem>>, vector<16xi32>,
      %slice3A_293 = vector.extract_strided_slice %get3A_292 {offsets = [0], sizes = [1], strides = [1]} : vector<16xi32> to vector<1xi32>
      %squeeze3A_294 = vector.extract %slice3A_293[0] : i32 from vector<1xi32>
      %get3A_295 = arith.index_cast %add3A_290 : i32 to index
      %get3A_296 = tpu.vector_load %arg15[%get3A_295] {strides = array<i32>} : memref<528xi32, #tpu.memory_space<vmem>>, vector<16xi32>,
      %slice3A_297 = vector.extract_strided_slice %get3A_296 {offsets = [0], sizes = [1], strides = [1]} : vector<16xi32> to vector<1xi32>
      %squeeze3A_298 = vector.extract %slice3A_297[0] : i32 from vector<1xi32>
      %shift_right_arithmetic3A_299 = arith.constant 7 : i32
      %shift_right_arithmetic3A_300 = arith.shrsi %squeeze3A_294, %shift_right_arithmetic3A_299 : i32
      %shift_left3A_301 = arith.constant 7 : i32
      %shift_left3A_302 = arith.shli %shift_right_arithmetic3A_300, %shift_left3A_301 : i32
      %multiple_of3A_303 = tpu.assume_multiple %shift_left3A_302, 128 : i32
      %shift_right_arithmetic3A_304 = arith.constant 7 : i32
      %shift_right_arithmetic3A_305 = arith.shrsi %squeeze3A_298, %shift_right_arithmetic3A_304 : i32
      %shift_left3A_306 = arith.constant 7 : i32
      %shift_left3A_307 = arith.shli %shift_right_arithmetic3A_305, %shift_left3A_306 : i32
      %multiple_of3A_308 = tpu.assume_multiple %shift_left3A_307, 128 : i32
      %dma_start3A_309 = arith.constant 3 : i32
      %dma_start3A_310 = arith.constant 0 : i32
      %dma_start3A_311 = arith.constant 0 : i32
      %dma_start3A_312 = tpu.memref_slice %arg16[%dma_start3A_309, %dma_start3A_310, %dma_start3A_311] : memref<4x32x128xf32, #tpu.memory_space<vmem>> -> memref<1x32x128xf32, #tpu.memory_space<vmem>>
      %dma_start3A_313 = tpu.memref_squeeze %dma_start3A_312 : memref<1x32x128xf32, #tpu.memory_space<vmem>> -> memref<32x128xf32, #tpu.memory_space<vmem>>
      %dma_start3A_314 = arith.constant 0 : i32
      %dma_start3A_315 = tpu.memref_slice %arg6[%dma_start3A_314, %multiple_of3A_303] : memref<32x1000000xf32, #tpu.memory_space<hbm>> -> memref<32x128xf32, #tpu.memory_space<hbm>>
      %dma_start3A_316 = arith.constant 0 : i32
      %dma_start3A_317 = arith.constant 0 : i32
      %dma_start3A_318 = tpu.memref_slice %arg16[%dma_start3A_309, %dma_start3A_316, %dma_start3A_317] : memref<4x32x128xf32, #tpu.memory_space<vmem>> -> memref<1x32x128xf32, #tpu.memory_space<vmem>>
      %dma_start3A_319 = tpu.memref_squeeze %dma_start3A_318 : memref<1x32x128xf32, #tpu.memory_space<vmem>> -> memref<32x128xf32, #tpu.memory_space<vmem>>
      %dma_start3A_320 = arith.constant 0 : i32
      %dma_start3A_321 = tpu.memref_slice %arg6[%dma_start3A_320, %multiple_of3A_303] : memref<32x1000000xf32, #tpu.memory_space<hbm>> -> memref<32x128xf32, #tpu.memory_space<hbm>>
      tpu.enqueue_dma source(%dma_start3A_321 : memref<32x128xf32, #tpu.memory_space<hbm>>) target(%dma_start3A_319 : memref<32x128xf32, #tpu.memory_space<vmem>>) target_semaphore(%arg24 : memref<!tpu.dma_semaphore, #tpu.memory_space<semaphore_mem>>)
      %dma_start3A_322 = arith.constant 3 : i32
      %dma_start3A_323 = arith.constant 0 : i32
      %dma_start3A_324 = arith.constant 0 : i32
      %dma_start3A_325 = tpu.memref_slice %arg17[%dma_start3A_322, %dma_start3A_323, %dma_start3A_324] : memref<4x32x128xf32, #tpu.memory_space<vmem>> -> memref<1x32x128xf32, #tpu.memory_space<vmem>>
      %dma_start3A_326 = tpu.memref_squeeze %dma_start3A_325 : memref<1x32x128xf32, #tpu.memory_space<vmem>> -> memref<32x128xf32, #tpu.memory_space<vmem>>
      %dma_start3A_327 = arith.constant 0 : i32
      %dma_start3A_328 = tpu.memref_slice %arg7[%dma_start3A_327, %multiple_of3A_308] : memref<32x1000000xf32, #tpu.memory_space<hbm>> -> memref<32x128xf32, #tpu.memory_space<hbm>>
      %dma_start3A_329 = arith.constant 0 : i32
      %dma_start3A_330 = arith.constant 0 : i32
      %dma_start3A_331 = tpu.memref_slice %arg17[%dma_start3A_322, %dma_start3A_329, %dma_start3A_330] : memref<4x32x128xf32, #tpu.memory_space<vmem>> -> memref<1x32x128xf32, #tpu.memory_space<vmem>>
      %dma_start3A_332 = tpu.memref_squeeze %dma_start3A_331 : memref<1x32x128xf32, #tpu.memory_space<vmem>> -> memref<32x128xf32, #tpu.memory_space<vmem>>
      %dma_start3A_333 = arith.constant 0 : i32
      %dma_start3A_334 = tpu.memref_slice %arg7[%dma_start3A_333, %multiple_of3A_308] : memref<32x1000000xf32, #tpu.memory_space<hbm>> -> memref<32x128xf32, #tpu.memory_space<hbm>>
      tpu.enqueue_dma source(%dma_start3A_334 : memref<32x128xf32, #tpu.memory_space<hbm>>) target(%dma_start3A_332 : memref<32x128xf32, #tpu.memory_space<vmem>>) target_semaphore(%arg24 : memref<!tpu.dma_semaphore, #tpu.memory_space<semaphore_mem>>)
      %dma_wait3A_335 = arith.constant 0 : i32
      %dma_wait3A_336 = arith.constant 0 : i32
      %dma_wait3A_337 = arith.constant 0 : i32
      %dma_wait3A_338 = tpu.memref_slice %arg16[%dma_wait3A_335, %dma_wait3A_336, %dma_wait3A_337] : memref<4x32x128xf32, #tpu.memory_space<vmem>> -> memref<1x32x128xf32, #tpu.memory_space<vmem>>
      %dma_wait3A_339 = tpu.memref_squeeze %dma_wait3A_338 : memref<1x32x128xf32, #tpu.memory_space<vmem>> -> memref<32x128xf32, #tpu.memory_space<vmem>>
      %dma_wait3A_340 = arith.constant 0 : i32
      %dma_wait3A_341 = arith.constant 0 : i32
      %dma_wait3A_342 = tpu.memref_slice %arg6[%dma_wait3A_340, %dma_wait3A_341] : memref<32x1000000xf32, #tpu.memory_space<hbm>> -> memref<32x128xf32, #tpu.memory_space<hbm>>
      %dma_wait3A_343 = arith.constant 0 : i32
      %dma_wait3A_344 = arith.constant 0 : i32
      %dma_wait3A_345 = tpu.memref_slice %arg16[%dma_wait3A_335, %dma_wait3A_343, %dma_wait3A_344] : memref<4x32x128xf32, #tpu.memory_space<vmem>> -> memref<1x32x128xf32, #tpu.memory_space<vmem>>
      %dma_wait3A_346 = tpu.memref_squeeze %dma_wait3A_345 : memref<1x32x128xf32, #tpu.memory_space<vmem>> -> memref<32x128xf32, #tpu.memory_space<vmem>>
      %dma_wait3A_347 = arith.constant 0 : i32
      %dma_wait3A_348 = arith.constant 0 : i32
      %dma_wait3A_349 = tpu.memref_slice %arg6[%dma_wait3A_347, %dma_wait3A_348] : memref<32x1000000xf32, #tpu.memory_space<hbm>> -> memref<32x128xf32, #tpu.memory_space<hbm>>
      tpu.wait_dma2 semaphore(%arg24 : memref<!tpu.dma_semaphore, #tpu.memory_space<semaphore_mem>>) src(%dma_wait3A_349 : memref<32x128xf32, #tpu.memory_space<hbm>>) dst(%dma_wait3A_346 : memref<32x128xf32, #tpu.memory_space<vmem>>)
      %dma_wait3A_350 = arith.constant 0 : i32
      %dma_wait3A_351 = arith.constant 0 : i32
      %dma_wait3A_352 = arith.constant 0 : i32
      %dma_wait3A_353 = tpu.memref_slice %arg17[%dma_wait3A_350, %dma_wait3A_351, %dma_wait3A_352] : memref<4x32x128xf32, #tpu.memory_space<vmem>> -> memref<1x32x128xf32, #tpu.memory_space<vmem>>
      %dma_wait3A_354 = tpu.memref_squeeze %dma_wait3A_353 : memref<1x32x128xf32, #tpu.memory_space<vmem>> -> memref<32x128xf32, #tpu.memory_space<vmem>>
      %dma_wait3A_355 = arith.constant 0 : i32
      %dma_wait3A_356 = arith.constant 0 : i32
      %dma_wait3A_357 = tpu.memref_slice %arg7[%dma_wait3A_355, %dma_wait3A_356] : memref<32x1000000xf32, #tpu.memory_space<hbm>> -> memref<32x128xf32, #tpu.memory_space<hbm>>
      %dma_wait3A_358 = arith.constant 0 : i32
      %dma_wait3A_359 = arith.constant 0 : i32
      %dma_wait3A_360 = tpu.memref_slice %arg17[%dma_wait3A_350, %dma_wait3A_358, %dma_wait3A_359] : memref<4x32x128xf32, #tpu.memory_space<vmem>> -> memref<1x32x128xf32, #tpu.memory_space<vmem>>
      %dma_wait3A_361 = tpu.memref_squeeze %dma_wait3A_360 : memref<1x32x128xf32, #tpu.memory_space<vmem>> -> memref<32x128xf32, #tpu.memory_space<vmem>>
      %dma_wait3A_362 = arith.constant 0 : i32
      %dma_wait3A_363 = arith.constant 0 : i32
      %dma_wait3A_364 = tpu.memref_slice %arg7[%dma_wait3A_362, %dma_wait3A_363] : memref<32x1000000xf32, #tpu.memory_space<hbm>> -> memref<32x128xf32, #tpu.memory_space<hbm>>
      tpu.wait_dma2 semaphore(%arg24 : memref<!tpu.dma_semaphore, #tpu.memory_space<semaphore_mem>>) src(%dma_wait3A_364 : memref<32x128xf32, #tpu.memory_space<hbm>>) dst(%dma_wait3A_361 : memref<32x128xf32, #tpu.memory_space<vmem>>)
      %dma_wait3A_365 = arith.constant 1 : i32
      %dma_wait3A_366 = arith.constant 0 : i32
      %dma_wait3A_367 = arith.constant 0 : i32
      %dma_wait3A_368 = tpu.memref_slice %arg16[%dma_wait3A_365, %dma_wait3A_366, %dma_wait3A_367] : memref<4x32x128xf32, #tpu.memory_space<vmem>> -> memref<1x32x128xf32, #tpu.memory_space<vmem>>
      %dma_wait3A_369 = tpu.memref_squeeze %dma_wait3A_368 : memref<1x32x128xf32, #tpu.memory_space<vmem>> -> memref<32x128xf32, #tpu.memory_space<vmem>>
      %dma_wait3A_370 = arith.constant 0 : i32
      %dma_wait3A_371 = arith.constant 0 : i32
      %dma_wait3A_372 = tpu.memref_slice %arg6[%dma_wait3A_370, %dma_wait3A_371] : memref<32x1000000xf32, #tpu.memory_space<hbm>> -> memref<32x128xf32, #tpu.memory_space<hbm>>
      %dma_wait3A_373 = arith.constant 0 : i32
      %dma_wait3A_374 = arith.constant 0 : i32
      %dma_wait3A_375 = tpu.memref_slice %arg16[%dma_wait3A_365, %dma_wait3A_373, %dma_wait3A_374] : memref<4x32x128xf32, #tpu.memory_space<vmem>> -> memref<1x32x128xf32, #tpu.memory_space<vmem>>
      %dma_wait3A_376 = tpu.memref_squeeze %dma_wait3A_375 : memref<1x32x128xf32, #tpu.memory_space<vmem>> -> memref<32x128xf32, #tpu.memory_space<vmem>>
      %dma_wait3A_377 = arith.constant 0 : i32
      %dma_wait3A_378 = arith.constant 0 : i32
      %dma_wait3A_379 = tpu.memref_slice %arg6[%dma_wait3A_377, %dma_wait3A_378] : memref<32x1000000xf32, #tpu.memory_space<hbm>> -> memref<32x128xf32, #tpu.memory_space<hbm>>
      tpu.wait_dma2 semaphore(%arg24 : memref<!tpu.dma_semaphore, #tpu.memory_space<semaphore_mem>>) src(%dma_wait3A_379 : memref<32x128xf32, #tpu.memory_space<hbm>>) dst(%dma_wait3A_376 : memref<32x128xf32, #tpu.memory_space<vmem>>)
      %dma_wait3A_380 = arith.constant 1 : i32
      %dma_wait3A_381 = arith.constant 0 : i32
      %dma_wait3A_382 = arith.constant 0 : i32
      %dma_wait3A_383 = tpu.memref_slice %arg17[%dma_wait3A_380, %dma_wait3A_381, %dma_wait3A_382] : memref<4x32x128xf32, #tpu.memory_space<vmem>> -> memref<1x32x128xf32, #tpu.memory_space<vmem>>
      %dma_wait3A_384 = tpu.memref_squeeze %dma_wait3A_383 : memref<1x32x128xf32, #tpu.memory_space<vmem>> -> memref<32x128xf32, #tpu.memory_space<vmem>>
      %dma_wait3A_385 = arith.constant 0 : i32
      %dma_wait3A_386 = arith.constant 0 : i32
      %dma_wait3A_387 = tpu.memref_slice %arg7[%dma_wait3A_385, %dma_wait3A_386] : memref<32x1000000xf32, #tpu.memory_space<hbm>> -> memref<32x128xf32, #tpu.memory_space<hbm>>
      %dma_wait3A_388 = arith.constant 0 : i32
      %dma_wait3A_389 = arith.constant 0 : i32
      %dma_wait3A_390 = tpu.memref_slice %arg17[%dma_wait3A_380, %dma_wait3A_388, %dma_wait3A_389] : memref<4x32x128xf32, #tpu.memory_space<vmem>> -> memref<1x32x128xf32, #tpu.memory_space<vmem>>
      %dma_wait3A_391 = tpu.memref_squeeze %dma_wait3A_390 : memref<1x32x128xf32, #tpu.memory_space<vmem>> -> memref<32x128xf32, #tpu.memory_space<vmem>>
      %dma_wait3A_392 = arith.constant 0 : i32
      %dma_wait3A_393 = arith.constant 0 : i32
      %dma_wait3A_394 = tpu.memref_slice %arg7[%dma_wait3A_392, %dma_wait3A_393] : memref<32x1000000xf32, #tpu.memory_space<hbm>> -> memref<32x128xf32, #tpu.memory_space<hbm>>
      tpu.wait_dma2 semaphore(%arg24 : memref<!tpu.dma_semaphore, #tpu.memory_space<semaphore_mem>>) src(%dma_wait3A_394 : memref<32x128xf32, #tpu.memory_space<hbm>>) dst(%dma_wait3A_391 : memref<32x128xf32, #tpu.memory_space<vmem>>)
      %dma_wait3A_395 = arith.constant 2 : i32
      %dma_wait3A_396 = arith.constant 0 : i32
      %dma_wait3A_397 = arith.constant 0 : i32
      %dma_wait3A_398 = tpu.memref_slice %arg16[%dma_wait3A_395, %dma_wait3A_396, %dma_wait3A_397] : memref<4x32x128xf32, #tpu.memory_space<vmem>> -> memref<1x32x128xf32, #tpu.memory_space<vmem>>
      %dma_wait3A_399 = tpu.memref_squeeze %dma_wait3A_398 : memref<1x32x128xf32, #tpu.memory_space<vmem>> -> memref<32x128xf32, #tpu.memory_space<vmem>>
      %dma_wait3A_400 = arith.constant 0 : i32
      %dma_wait3A_401 = arith.constant 0 : i32
      %dma_wait3A_402 = tpu.memref_slice %arg6[%dma_wait3A_400, %dma_wait3A_401] : memref<32x1000000xf32, #tpu.memory_space<hbm>> -> memref<32x128xf32, #tpu.memory_space<hbm>>
      %dma_wait3A_403 = arith.constant 0 : i32
      %dma_wait3A_404 = arith.constant 0 : i32
      %dma_wait3A_405 = tpu.memref_slice %arg16[%dma_wait3A_395, %dma_wait3A_403, %dma_wait3A_404] : memref<4x32x128xf32, #tpu.memory_space<vmem>> -> memref<1x32x128xf32, #tpu.memory_space<vmem>>
      %dma_wait3A_406 = tpu.memref_squeeze %dma_wait3A_405 : memref<1x32x128xf32, #tpu.memory_space<vmem>> -> memref<32x128xf32, #tpu.memory_space<vmem>>
      %dma_wait3A_407 = arith.constant 0 : i32
      %dma_wait3A_408 = arith.constant 0 : i32
      %dma_wait3A_409 = tpu.memref_slice %arg6[%dma_wait3A_407, %dma_wait3A_408] : memref<32x1000000xf32, #tpu.memory_space<hbm>> -> memref<32x128xf32, #tpu.memory_space<hbm>>
      tpu.wait_dma2 semaphore(%arg24 : memref<!tpu.dma_semaphore, #tpu.memory_space<semaphore_mem>>) src(%dma_wait3A_409 : memref<32x128xf32, #tpu.memory_space<hbm>>) dst(%dma_wait3A_406 : memref<32x128xf32, #tpu.memory_space<vmem>>)
      %dma_wait3A_410 = arith.constant 2 : i32
      %dma_wait3A_411 = arith.constant 0 : i32
      %dma_wait3A_412 = arith.constant 0 : i32
      %dma_wait3A_413 = tpu.memref_slice %arg17[%dma_wait3A_410, %dma_wait3A_411, %dma_wait3A_412] : memref<4x32x128xf32, #tpu.memory_space<vmem>> -> memref<1x32x128xf32, #tpu.memory_space<vmem>>
      %dma_wait3A_414 = tpu.memref_squeeze %dma_wait3A_413 : memref<1x32x128xf32, #tpu.memory_space<vmem>> -> memref<32x128xf32, #tpu.memory_space<vmem>>
      %dma_wait3A_415 = arith.constant 0 : i32
      %dma_wait3A_416 = arith.constant 0 : i32
      %dma_wait3A_417 = tpu.memref_slice %arg7[%dma_wait3A_415, %dma_wait3A_416] : memref<32x1000000xf32, #tpu.memory_space<hbm>> -> memref<32x128xf32, #tpu.memory_space<hbm>>
      %dma_wait3A_418 = arith.constant 0 : i32
      %dma_wait3A_419 = arith.constant 0 : i32
      %dma_wait3A_420 = tpu.memref_slice %arg17[%dma_wait3A_410, %dma_wait3A_418, %dma_wait3A_419] : memref<4x32x128xf32, #tpu.memory_space<vmem>> -> memref<1x32x128xf32, #tpu.memory_space<vmem>>
      %dma_wait3A_421 = tpu.memref_squeeze %dma_wait3A_420 : memref<1x32x128xf32, #tpu.memory_space<vmem>> -> memref<32x128xf32, #tpu.memory_space<vmem>>
      %dma_wait3A_422 = arith.constant 0 : i32
      %dma_wait3A_423 = arith.constant 0 : i32
      %dma_wait3A_424 = tpu.memref_slice %arg7[%dma_wait3A_422, %dma_wait3A_423] : memref<32x1000000xf32, #tpu.memory_space<hbm>> -> memref<32x128xf32, #tpu.memory_space<hbm>>
      tpu.wait_dma2 semaphore(%arg24 : memref<!tpu.dma_semaphore, #tpu.memory_space<semaphore_mem>>) src(%dma_wait3A_424 : memref<32x128xf32, #tpu.memory_space<hbm>>) dst(%dma_wait3A_421 : memref<32x128xf32, #tpu.memory_space<vmem>>)
      %dma_wait3A_425 = arith.constant 3 : i32
      %dma_wait3A_426 = arith.constant 0 : i32
      %dma_wait3A_427 = arith.constant 0 : i32
      %dma_wait3A_428 = tpu.memref_slice %arg16[%dma_wait3A_425, %dma_wait3A_426, %dma_wait3A_427] : memref<4x32x128xf32, #tpu.memory_space<vmem>> -> memref<1x32x128xf32, #tpu.memory_space<vmem>>
      %dma_wait3A_429 = tpu.memref_squeeze %dma_wait3A_428 : memref<1x32x128xf32, #tpu.memory_space<vmem>> -> memref<32x128xf32, #tpu.memory_space<vmem>>
      %dma_wait3A_430 = arith.constant 0 : i32
      %dma_wait3A_431 = arith.constant 0 : i32
      %dma_wait3A_432 = tpu.memref_slice %arg6[%dma_wait3A_430, %dma_wait3A_431] : memref<32x1000000xf32, #tpu.memory_space<hbm>> -> memref<32x128xf32, #tpu.memory_space<hbm>>
      %dma_wait3A_433 = arith.constant 0 : i32
      %dma_wait3A_434 = arith.constant 0 : i32
      %dma_wait3A_435 = tpu.memref_slice %arg16[%dma_wait3A_425, %dma_wait3A_433, %dma_wait3A_434] : memref<4x32x128xf32, #tpu.memory_space<vmem>> -> memref<1x32x128xf32, #tpu.memory_space<vmem>>
      %dma_wait3A_436 = tpu.memref_squeeze %dma_wait3A_435 : memref<1x32x128xf32, #tpu.memory_space<vmem>> -> memref<32x128xf32, #tpu.memory_space<vmem>>
      %dma_wait3A_437 = arith.constant 0 : i32
      %dma_wait3A_438 = arith.constant 0 : i32
      %dma_wait3A_439 = tpu.memref_slice %arg6[%dma_wait3A_437, %dma_wait3A_438] : memref<32x1000000xf32, #tpu.memory_space<hbm>> -> memref<32x128xf32, #tpu.memory_space<hbm>>
      tpu.wait_dma2 semaphore(%arg24 : memref<!tpu.dma_semaphore, #tpu.memory_space<semaphore_mem>>) src(%dma_wait3A_439 : memref<32x128xf32, #tpu.memory_space<hbm>>) dst(%dma_wait3A_436 : memref<32x128xf32, #tpu.memory_space<vmem>>)
      %dma_wait3A_440 = arith.constant 3 : i32
      %dma_wait3A_441 = arith.constant 0 : i32
      %dma_wait3A_442 = arith.constant 0 : i32
      %dma_wait3A_443 = tpu.memref_slice %arg17[%dma_wait3A_440, %dma_wait3A_441, %dma_wait3A_442] : memref<4x32x128xf32, #tpu.memory_space<vmem>> -> memref<1x32x128xf32, #tpu.memory_space<vmem>>
      %dma_wait3A_444 = tpu.memref_squeeze %dma_wait3A_443 : memref<1x32x128xf32, #tpu.memory_space<vmem>> -> memref<32x128xf32, #tpu.memory_space<vmem>>
      %dma_wait3A_445 = arith.constant 0 : i32
      %dma_wait3A_446 = arith.constant 0 : i32
      %dma_wait3A_447 = tpu.memref_slice %arg7[%dma_wait3A_445, %dma_wait3A_446] : memref<32x1000000xf32, #tpu.memory_space<hbm>> -> memref<32x128xf32, #tpu.memory_space<hbm>>
      %dma_wait3A_448 = arith.constant 0 : i32
      %dma_wait3A_449 = arith.constant 0 : i32
      %dma_wait3A_450 = tpu.memref_slice %arg17[%dma_wait3A_440, %dma_wait3A_448, %dma_wait3A_449] : memref<4x32x128xf32, #tpu.memory_space<vmem>> -> memref<1x32x128xf32, #tpu.memory_space<vmem>>
      %dma_wait3A_451 = tpu.memref_squeeze %dma_wait3A_450 : memref<1x32x128xf32, #tpu.memory_space<vmem>> -> memref<32x128xf32, #tpu.memory_space<vmem>>
      %dma_wait3A_452 = arith.constant 0 : i32
      %dma_wait3A_453 = arith.constant 0 : i32
      %dma_wait3A_454 = tpu.memref_slice %arg7[%dma_wait3A_452, %dma_wait3A_453] : memref<32x1000000xf32, #tpu.memory_space<hbm>> -> memref<32x128xf32, #tpu.memory_space<hbm>>
      tpu.wait_dma2 semaphore(%arg24 : memref<!tpu.dma_semaphore, #tpu.memory_space<semaphore_mem>>) src(%dma_wait3A_454 : memref<32x128xf32, #tpu.memory_space<hbm>>) dst(%dma_wait3A_451 : memref<32x128xf32, #tpu.memory_space<vmem>>)
      %mul3A_455 = arith.constant 4 : i32
      %mul3A_456 = arith.muli %scan3A_145, %mul3A_455 : i32
      %add3A_457 = arith.constant 0 : i32
      %add3A_458 = arith.addi %mul3A_456, %add3A_457 : i32
      %get3A_459 = arith.index_cast %add3A_458 : i32 to index
      %get3A_460 = tpu.vector_load %arg14[%get3A_459] {strides = array<i32>} : memref<528xi32, #tpu.memory_space<vmem>>, vector<16xi32>,
      %slice3A_461 = vector.extract_strided_slice %get3A_460 {offsets = [0], sizes = [1], strides = [1]} : vector<16xi32> to vector<1xi32>
      %squeeze3A_462 = vector.extract %slice3A_461[0] : i32 from vector<1xi32>
      %get3A_463 = arith.index_cast %add3A_458 : i32 to index
      %get3A_464 = tpu.vector_load %arg15[%get3A_463] {strides = array<i32>} : memref<528xi32, #tpu.memory_space<vmem>>, vector<16xi32>,
      %slice3A_465 = vector.extract_strided_slice %get3A_464 {offsets = [0], sizes = [1], strides = [1]} : vector<16xi32> to vector<1xi32>
      %squeeze3A_466 = vector.extract %slice3A_465[0] : i32 from vector<1xi32>
      %and3A = arith.constant 127 : i32
      %and3A_467 = arith.andi %squeeze3A_462, %and3A : i32
      %broadcast_in_dim3A = vector.broadcast %and3A_467 : i32 to vector<16xi32>
      %and3A_468 = arith.constant 127 : i32
      %and3A_469 = arith.andi %squeeze3A_466, %and3A_468 : i32
      %broadcast_in_dim3A_470 = vector.broadcast %and3A_469 : i32 to vector<16xi32>
      %shift_right_arithmetic3A_471 = arith.constant 2 : i32
      %shift_right_arithmetic3A_472 = arith.shrsi %add3A_458, %shift_right_arithmetic3A_471 : i32
      %broadcast_in_dim3A_473 = vector.broadcast %shift_right_arithmetic3A_472 : i32 to vector<16xi32>
      %and3A_474 = arith.constant 3 : i32
      %and3A_475 = arith.andi %add3A_458, %and3A_474 : i32
      %mul3A_476 = arith.constant 32 : i32
      %mul3A_477 = arith.muli %and3A_475, %mul3A_476 : i32
      %add3A_478 = arith.constant 0 : i32
      %add3A_479 = vector.broadcast %add3A_478 : i32 to vector<16xi32>
      %add3A_480 = arith.addi %iota3A, %add3A_479 : vector<16xi32>
      %gather3A = arith.constant 0 : i32
      %gather3A_481 = arith.constant 0 : i32
      %gather3A_482 = arith.constant 0 : i32
      %gather3A_483 = tpu.memref_slice %arg16[%gather3A, %gather3A_481, %gather3A_482] : memref<4x32x128xf32, #tpu.memory_space<vmem>> -> memref<1x32x128xf32, #tpu.memory_space<vmem>>
      %gather3A_484 = tpu.memref_squeeze %gather3A_483 : memref<1x32x128xf32, #tpu.memory_space<vmem>> -> memref<32x128xf32, #tpu.memory_space<vmem>>
      %gather3A_485 = tpu.vector_load_idx %gather3A_484[%add3A_480, %broadcast_in_dim3A] : memref<32x128xf32, #tpu.memory_space<vmem>>[vector<16xi32>, vector<16xi32>], vector<16xf32>,
      %gather3A_486 = arith.constant 0 : i32
      %gather3A_487 = arith.constant 0 : i32
      %gather3A_488 = arith.constant 0 : i32
      %gather3A_489 = tpu.memref_slice %arg17[%gather3A_486, %gather3A_487, %gather3A_488] : memref<4x32x128xf32, #tpu.memory_space<vmem>> -> memref<1x32x128xf32, #tpu.memory_space<vmem>>
      %gather3A_490 = tpu.memref_squeeze %gather3A_489 : memref<1x32x128xf32, #tpu.memory_space<vmem>> -> memref<32x128xf32, #tpu.memory_space<vmem>>
      %gather3A_491 = tpu.vector_load_idx %gather3A_490[%add3A_480, %broadcast_in_dim3A_470] : memref<32x128xf32, #tpu.memory_space<vmem>>[vector<16xi32>, vector<16xi32>], vector<16xf32>,
      %add3A_492 = vector.broadcast %mul3A_477 : i32 to vector<16xi32>
      %add3A_493 = arith.addi %add3A_492, %add3A_480 : vector<16xi32>
      tpu.vector_store_idx %arg18[%broadcast_in_dim3A_473, %add3A_493], %gather3A_485 : memref<128x128xf32, #tpu.memory_space<vmem>>[vector<16xi32>, vector<16xi32>], vector<16xf32>,
      %add3A_494 = vector.broadcast %mul3A_477 : i32 to vector<16xi32>
      %add3A_495 = arith.addi %add3A_494, %add3A_480 : vector<16xi32>
      tpu.vector_store_idx %arg19[%broadcast_in_dim3A_473, %add3A_495], %gather3A_491 : memref<128x128xf32, #tpu.memory_space<vmem>>[vector<16xi32>, vector<16xi32>], vector<16xf32>,
      %add3A_496 = arith.constant 16 : i32
      %add3A_497 = vector.broadcast %add3A_496 : i32 to vector<16xi32>
      %add3A_498 = arith.addi %iota3A, %add3A_497 : vector<16xi32>
      %gather3A_499 = arith.constant 0 : i32
      %gather3A_500 = arith.constant 0 : i32
      %gather3A_501 = arith.constant 0 : i32
      %gather3A_502 = tpu.memref_slice %arg16[%gather3A_499, %gather3A_500, %gather3A_501] : memref<4x32x128xf32, #tpu.memory_space<vmem>> -> memref<1x32x128xf32, #tpu.memory_space<vmem>>
      %gather3A_503 = tpu.memref_squeeze %gather3A_502 : memref<1x32x128xf32, #tpu.memory_space<vmem>> -> memref<32x128xf32, #tpu.memory_space<vmem>>
      %gather3A_504 = tpu.vector_load_idx %gather3A_503[%add3A_498, %broadcast_in_dim3A] : memref<32x128xf32, #tpu.memory_space<vmem>>[vector<16xi32>, vector<16xi32>], vector<16xf32>,
      %gather3A_505 = arith.constant 0 : i32
      %gather3A_506 = arith.constant 0 : i32
      %gather3A_507 = arith.constant 0 : i32
      %gather3A_508 = tpu.memref_slice %arg17[%gather3A_505, %gather3A_506, %gather3A_507] : memref<4x32x128xf32, #tpu.memory_space<vmem>> -> memref<1x32x128xf32, #tpu.memory_space<vmem>>
      %gather3A_509 = tpu.memref_squeeze %gather3A_508 : memref<1x32x128xf32, #tpu.memory_space<vmem>> -> memref<32x128xf32, #tpu.memory_space<vmem>>
      %gather3A_510 = tpu.vector_load_idx %gather3A_509[%add3A_498, %broadcast_in_dim3A_470] : memref<32x128xf32, #tpu.memory_space<vmem>>[vector<16xi32>, vector<16xi32>], vector<16xf32>,
      %add3A_511 = vector.broadcast %mul3A_477 : i32 to vector<16xi32>
      %add3A_512 = arith.addi %add3A_511, %add3A_498 : vector<16xi32>
      tpu.vector_store_idx %arg18[%broadcast_in_dim3A_473, %add3A_512], %gather3A_504 : memref<128x128xf32, #tpu.memory_space<vmem>>[vector<16xi32>, vector<16xi32>], vector<16xf32>,
      %add3A_513 = vector.broadcast %mul3A_477 : i32 to vector<16xi32>
      %add3A_514 = arith.addi %add3A_513, %add3A_498 : vector<16xi32>
      tpu.vector_store_idx %arg19[%broadcast_in_dim3A_473, %add3A_514], %gather3A_510 : memref<128x128xf32, #tpu.memory_space<vmem>>[vector<16xi32>, vector<16xi32>], vector<16xf32>,
      %mul3A_515 = arith.constant 4 : i32
      %mul3A_516 = arith.muli %scan3A_145, %mul3A_515 : i32
      %add3A_517 = arith.constant 1 : i32
      %add3A_518 = arith.addi %mul3A_516, %add3A_517 : i32
      %get3A_519 = arith.index_cast %add3A_518 : i32 to index
      %get3A_520 = tpu.vector_load %arg14[%get3A_519] {strides = array<i32>} : memref<528xi32, #tpu.memory_space<vmem>>, vector<16xi32>,
      %slice3A_521 = vector.extract_strided_slice %get3A_520 {offsets = [0], sizes = [1], strides = [1]} : vector<16xi32> to vector<1xi32>
      %squeeze3A_522 = vector.extract %slice3A_521[0] : i32 from vector<1xi32>
      %get3A_523 = arith.index_cast %add3A_518 : i32 to index
      %get3A_524 = tpu.vector_load %arg15[%get3A_523] {strides = array<i32>} : memref<528xi32, #tpu.memory_space<vmem>>, vector<16xi32>,
      %slice3A_525 = vector.extract_strided_slice %get3A_524 {offsets = [0], sizes = [1], strides = [1]} : vector<16xi32> to vector<1xi32>
      %squeeze3A_526 = vector.extract %slice3A_525[0] : i32 from vector<1xi32>
      %and3A_527 = arith.constant 127 : i32
      %and3A_528 = arith.andi %squeeze3A_522, %and3A_527 : i32
      %broadcast_in_dim3A_529 = vector.broadcast %and3A_528 : i32 to vector<16xi32>
      %and3A_530 = arith.constant 127 : i32
      %and3A_531 = arith.andi %squeeze3A_526, %and3A_530 : i32
      %broadcast_in_dim3A_532 = vector.broadcast %and3A_531 : i32 to vector<16xi32>
      %shift_right_arithmetic3A_533 = arith.constant 2 : i32
      %shift_right_arithmetic3A_534 = arith.shrsi %add3A_518, %shift_right_arithmetic3A_533 : i32
      %broadcast_in_dim3A_535 = vector.broadcast %shift_right_arithmetic3A_534 : i32 to vector<16xi32>
      %and3A_536 = arith.constant 3 : i32
      %and3A_537 = arith.andi %add3A_518, %and3A_536 : i32
      %mul3A_538 = arith.constant 32 : i32
      %mul3A_539 = arith.muli %and3A_537, %mul3A_538 : i32
      %add3A_540 = arith.constant 0 : i32
      %add3A_541 = vector.broadcast %add3A_540 : i32 to vector<16xi32>
      %add3A_542 = arith.addi %iota3A, %add3A_541 : vector<16xi32>
      %gather3A_543 = arith.constant 1 : i32
      %gather3A_544 = arith.constant 0 : i32
      %gather3A_545 = arith.constant 0 : i32
      %gather3A_546 = tpu.memref_slice %arg16[%gather3A_543, %gather3A_544, %gather3A_545] : memref<4x32x128xf32, #tpu.memory_space<vmem>> -> memref<1x32x128xf32, #tpu.memory_space<vmem>>
      %gather3A_547 = tpu.memref_squeeze %gather3A_546 : memref<1x32x128xf32, #tpu.memory_space<vmem>> -> memref<32x128xf32, #tpu.memory_space<vmem>>
      %gather3A_548 = tpu.vector_load_idx %gather3A_547[%add3A_542, %broadcast_in_dim3A_529] : memref<32x128xf32, #tpu.memory_space<vmem>>[vector<16xi32>, vector<16xi32>], vector<16xf32>,
      %gather3A_549 = arith.constant 1 : i32
      %gather3A_550 = arith.constant 0 : i32
      %gather3A_551 = arith.constant 0 : i32
      %gather3A_552 = tpu.memref_slice %arg17[%gather3A_549, %gather3A_550, %gather3A_551] : memref<4x32x128xf32, #tpu.memory_space<vmem>> -> memref<1x32x128xf32, #tpu.memory_space<vmem>>
      %gather3A_553 = tpu.memref_squeeze %gather3A_552 : memref<1x32x128xf32, #tpu.memory_space<vmem>> -> memref<32x128xf32, #tpu.memory_space<vmem>>
      %gather3A_554 = tpu.vector_load_idx %gather3A_553[%add3A_542, %broadcast_in_dim3A_532] : memref<32x128xf32, #tpu.memory_space<vmem>>[vector<16xi32>, vector<16xi32>], vector<16xf32>,
      %add3A_555 = vector.broadcast %mul3A_539 : i32 to vector<16xi32>
      %add3A_556 = arith.addi %add3A_555, %add3A_542 : vector<16xi32>
      tpu.vector_store_idx %arg18[%broadcast_in_dim3A_535, %add3A_556], %gather3A_548 : memref<128x128xf32, #tpu.memory_space<vmem>>[vector<16xi32>, vector<16xi32>], vector<16xf32>,
      %add3A_557 = vector.broadcast %mul3A_539 : i32 to vector<16xi32>
      %add3A_558 = arith.addi %add3A_557, %add3A_542 : vector<16xi32>
      tpu.vector_store_idx %arg19[%broadcast_in_dim3A_535, %add3A_558], %gather3A_554 : memref<128x128xf32, #tpu.memory_space<vmem>>[vector<16xi32>, vector<16xi32>], vector<16xf32>,
      %add3A_559 = arith.constant 16 : i32
      %add3A_560 = vector.broadcast %add3A_559 : i32 to vector<16xi32>
      %add3A_561 = arith.addi %iota3A, %add3A_560 : vector<16xi32>
      %gather3A_562 = arith.constant 1 : i32
      %gather3A_563 = arith.constant 0 : i32
      %gather3A_564 = arith.constant 0 : i32
      %gather3A_565 = tpu.memref_slice %arg16[%gather3A_562, %gather3A_563, %gather3A_564] : memref<4x32x128xf32, #tpu.memory_space<vmem>> -> memref<1x32x128xf32, #tpu.memory_space<vmem>>
      %gather3A_566 = tpu.memref_squeeze %gather3A_565 : memref<1x32x128xf32, #tpu.memory_space<vmem>> -> memref<32x128xf32, #tpu.memory_space<vmem>>
      %gather3A_567 = tpu.vector_load_idx %gather3A_566[%add3A_561, %broadcast_in_dim3A_529] : memref<32x128xf32, #tpu.memory_space<vmem>>[vector<16xi32>, vector<16xi32>], vector<16xf32>,
      %gather3A_568 = arith.constant 1 : i32
      %gather3A_569 = arith.constant 0 : i32
      %gather3A_570 = arith.constant 0 : i32
      %gather3A_571 = tpu.memref_slice %arg17[%gather3A_568, %gather3A_569, %gather3A_570] : memref<4x32x128xf32, #tpu.memory_space<vmem>> -> memref<1x32x128xf32, #tpu.memory_space<vmem>>
      %gather3A_572 = tpu.memref_squeeze %gather3A_571 : memref<1x32x128xf32, #tpu.memory_space<vmem>> -> memref<32x128xf32, #tpu.memory_space<vmem>>
      %gather3A_573 = tpu.vector_load_idx %gather3A_572[%add3A_561, %broadcast_in_dim3A_532] : memref<32x128xf32, #tpu.memory_space<vmem>>[vector<16xi32>, vector<16xi32>], vector<16xf32>,
      %add3A_574 = vector.broadcast %mul3A_539 : i32 to vector<16xi32>
      %add3A_575 = arith.addi %add3A_574, %add3A_561 : vector<16xi32>
      tpu.vector_store_idx %arg18[%broadcast_in_dim3A_535, %add3A_575], %gather3A_567 : memref<128x128xf32, #tpu.memory_space<vmem>>[vector<16xi32>, vector<16xi32>], vector<16xf32>,
      %add3A_576 = vector.broadcast %mul3A_539 : i32 to vector<16xi32>
      %add3A_577 = arith.addi %add3A_576, %add3A_561 : vector<16xi32>
      tpu.vector_store_idx %arg19[%broadcast_in_dim3A_535, %add3A_577], %gather3A_573 : memref<128x128xf32, #tpu.memory_space<vmem>>[vector<16xi32>, vector<16xi32>], vector<16xf32>,
      %mul3A_578 = arith.constant 4 : i32
      %mul3A_579 = arith.muli %scan3A_145, %mul3A_578 : i32
      %add3A_580 = arith.constant 2 : i32
      %add3A_581 = arith.addi %mul3A_579, %add3A_580 : i32
      %get3A_582 = arith.index_cast %add3A_581 : i32 to index
      %get3A_583 = tpu.vector_load %arg14[%get3A_582] {strides = array<i32>} : memref<528xi32, #tpu.memory_space<vmem>>, vector<16xi32>,
      %slice3A_584 = vector.extract_strided_slice %get3A_583 {offsets = [0], sizes = [1], strides = [1]} : vector<16xi32> to vector<1xi32>
      %squeeze3A_585 = vector.extract %slice3A_584[0] : i32 from vector<1xi32>
      %get3A_586 = arith.index_cast %add3A_581 : i32 to index
      %get3A_587 = tpu.vector_load %arg15[%get3A_586] {strides = array<i32>} : memref<528xi32, #tpu.memory_space<vmem>>, vector<16xi32>,
      %slice3A_588 = vector.extract_strided_slice %get3A_587 {offsets = [0], sizes = [1], strides = [1]} : vector<16xi32> to vector<1xi32>
      %squeeze3A_589 = vector.extract %slice3A_588[0] : i32 from vector<1xi32>
      %and3A_590 = arith.constant 127 : i32
      %and3A_591 = arith.andi %squeeze3A_585, %and3A_590 : i32
      %broadcast_in_dim3A_592 = vector.broadcast %and3A_591 : i32 to vector<16xi32>
      %and3A_593 = arith.constant 127 : i32
      %and3A_594 = arith.andi %squeeze3A_589, %and3A_593 : i32
      %broadcast_in_dim3A_595 = vector.broadcast %and3A_594 : i32 to vector<16xi32>
      %shift_right_arithmetic3A_596 = arith.constant 2 : i32
      %shift_right_arithmetic3A_597 = arith.shrsi %add3A_581, %shift_right_arithmetic3A_596 : i32
      %broadcast_in_dim3A_598 = vector.broadcast %shift_right_arithmetic3A_597 : i32 to vector<16xi32>
      %and3A_599 = arith.constant 3 : i32
      %and3A_600 = arith.andi %add3A_581, %and3A_599 : i32
      %mul3A_601 = arith.constant 32 : i32
      %mul3A_602 = arith.muli %and3A_600, %mul3A_601 : i32
      %add3A_603 = arith.constant 0 : i32
      %add3A_604 = vector.broadcast %add3A_603 : i32 to vector<16xi32>
      %add3A_605 = arith.addi %iota3A, %add3A_604 : vector<16xi32>
      %gather3A_606 = arith.constant 2 : i32
      %gather3A_607 = arith.constant 0 : i32
      %gather3A_608 = arith.constant 0 : i32
      %gather3A_609 = tpu.memref_slice %arg16[%gather3A_606, %gather3A_607, %gather3A_608] : memref<4x32x128xf32, #tpu.memory_space<vmem>> -> memref<1x32x128xf32, #tpu.memory_space<vmem>>
      %gather3A_610 = tpu.memref_squeeze %gather3A_609 : memref<1x32x128xf32, #tpu.memory_space<vmem>> -> memref<32x128xf32, #tpu.memory_space<vmem>>
      %gather3A_611 = tpu.vector_load_idx %gather3A_610[%add3A_605, %broadcast_in_dim3A_592] : memref<32x128xf32, #tpu.memory_space<vmem>>[vector<16xi32>, vector<16xi32>], vector<16xf32>,
      %gather3A_612 = arith.constant 2 : i32
      %gather3A_613 = arith.constant 0 : i32
      %gather3A_614 = arith.constant 0 : i32
      %gather3A_615 = tpu.memref_slice %arg17[%gather3A_612, %gather3A_613, %gather3A_614] : memref<4x32x128xf32, #tpu.memory_space<vmem>> -> memref<1x32x128xf32, #tpu.memory_space<vmem>>
      %gather3A_616 = tpu.memref_squeeze %gather3A_615 : memref<1x32x128xf32, #tpu.memory_space<vmem>> -> memref<32x128xf32, #tpu.memory_space<vmem>>
      %gather3A_617 = tpu.vector_load_idx %gather3A_616[%add3A_605, %broadcast_in_dim3A_595] : memref<32x128xf32, #tpu.memory_space<vmem>>[vector<16xi32>, vector<16xi32>], vector<16xf32>,
      %add3A_618 = vector.broadcast %mul3A_602 : i32 to vector<16xi32>
      %add3A_619 = arith.addi %add3A_618, %add3A_605 : vector<16xi32>
      tpu.vector_store_idx %arg18[%broadcast_in_dim3A_598, %add3A_619], %gather3A_611 : memref<128x128xf32, #tpu.memory_space<vmem>>[vector<16xi32>, vector<16xi32>], vector<16xf32>,
      %add3A_620 = vector.broadcast %mul3A_602 : i32 to vector<16xi32>
      %add3A_621 = arith.addi %add3A_620, %add3A_605 : vector<16xi32>
      tpu.vector_store_idx %arg19[%broadcast_in_dim3A_598, %add3A_621], %gather3A_617 : memref<128x128xf32, #tpu.memory_space<vmem>>[vector<16xi32>, vector<16xi32>], vector<16xf32>,
      %add3A_622 = arith.constant 16 : i32
      %add3A_623 = vector.broadcast %add3A_622 : i32 to vector<16xi32>
      %add3A_624 = arith.addi %iota3A, %add3A_623 : vector<16xi32>
      %gather3A_625 = arith.constant 2 : i32
      %gather3A_626 = arith.constant 0 : i32
      %gather3A_627 = arith.constant 0 : i32
      %gather3A_628 = tpu.memref_slice %arg16[%gather3A_625, %gather3A_626, %gather3A_627] : memref<4x32x128xf32, #tpu.memory_space<vmem>> -> memref<1x32x128xf32, #tpu.memory_space<vmem>>
      %gather3A_629 = tpu.memref_squeeze %gather3A_628 : memref<1x32x128xf32, #tpu.memory_space<vmem>> -> memref<32x128xf32, #tpu.memory_space<vmem>>
      %gather3A_630 = tpu.vector_load_idx %gather3A_629[%add3A_624, %broadcast_in_dim3A_592] : memref<32x128xf32, #tpu.memory_space<vmem>>[vector<16xi32>, vector<16xi32>], vector<16xf32>,
      %gather3A_631 = arith.constant 2 : i32
      %gather3A_632 = arith.constant 0 : i32
      %gather3A_633 = arith.constant 0 : i32
      %gather3A_634 = tpu.memref_slice %arg17[%gather3A_631, %gather3A_632, %gather3A_633] : memref<4x32x128xf32, #tpu.memory_space<vmem>> -> memref<1x32x128xf32, #tpu.memory_space<vmem>>
      %gather3A_635 = tpu.memref_squeeze %gather3A_634 : memref<1x32x128xf32, #tpu.memory_space<vmem>> -> memref<32x128xf32, #tpu.memory_space<vmem>>
      %gather3A_636 = tpu.vector_load_idx %gather3A_635[%add3A_624, %broadcast_in_dim3A_595] : memref<32x128xf32, #tpu.memory_space<vmem>>[vector<16xi32>, vector<16xi32>], vector<16xf32>,
      %add3A_637 = vector.broadcast %mul3A_602 : i32 to vector<16xi32>
      %add3A_638 = arith.addi %add3A_637, %add3A_624 : vector<16xi32>
      tpu.vector_store_idx %arg18[%broadcast_in_dim3A_598, %add3A_638], %gather3A_630 : memref<128x128xf32, #tpu.memory_space<vmem>>[vector<16xi32>, vector<16xi32>], vector<16xf32>,
      %add3A_639 = vector.broadcast %mul3A_602 : i32 to vector<16xi32>
      %add3A_640 = arith.addi %add3A_639, %add3A_624 : vector<16xi32>
      tpu.vector_store_idx %arg19[%broadcast_in_dim3A_598, %add3A_640], %gather3A_636 : memref<128x128xf32, #tpu.memory_space<vmem>>[vector<16xi32>, vector<16xi32>], vector<16xf32>,
      %mul3A_641 = arith.constant 4 : i32
      %mul3A_642 = arith.muli %scan3A_145, %mul3A_641 : i32
      %add3A_643 = arith.constant 3 : i32
      %add3A_644 = arith.addi %mul3A_642, %add3A_643 : i32
      %get3A_645 = arith.index_cast %add3A_644 : i32 to index
      %get3A_646 = tpu.vector_load %arg14[%get3A_645] {strides = array<i32>} : memref<528xi32, #tpu.memory_space<vmem>>, vector<16xi32>,
      %slice3A_647 = vector.extract_strided_slice %get3A_646 {offsets = [0], sizes = [1], strides = [1]} : vector<16xi32> to vector<1xi32>
      %squeeze3A_648 = vector.extract %slice3A_647[0] : i32 from vector<1xi32>
      %get3A_649 = arith.index_cast %add3A_644 : i32 to index
      %get3A_650 = tpu.vector_load %arg15[%get3A_649] {strides = array<i32>} : memref<528xi32, #tpu.memory_space<vmem>>, vector<16xi32>,
      %slice3A_651 = vector.extract_strided_slice %get3A_650 {offsets = [0], sizes = [1], strides = [1]} : vector<16xi32> to vector<1xi32>
      %squeeze3A_652 = vector.extract %slice3A_651[0] : i32 from vector<1xi32>
      %and3A_653 = arith.constant 127 : i32
      %and3A_654 = arith.andi %squeeze3A_648, %and3A_653 : i32
      %broadcast_in_dim3A_655 = vector.broadcast %and3A_654 : i32 to vector<16xi32>
      %and3A_656 = arith.constant 127 : i32
      %and3A_657 = arith.andi %squeeze3A_652, %and3A_656 : i32
      %broadcast_in_dim3A_658 = vector.broadcast %and3A_657 : i32 to vector<16xi32>
      %shift_right_arithmetic3A_659 = arith.constant 2 : i32
      %shift_right_arithmetic3A_660 = arith.shrsi %add3A_644, %shift_right_arithmetic3A_659 : i32
      %broadcast_in_dim3A_661 = vector.broadcast %shift_right_arithmetic3A_660 : i32 to vector<16xi32>
      %and3A_662 = arith.constant 3 : i32
      %and3A_663 = arith.andi %add3A_644, %and3A_662 : i32
      %mul3A_664 = arith.constant 32 : i32
      %mul3A_665 = arith.muli %and3A_663, %mul3A_664 : i32
      %add3A_666 = arith.constant 0 : i32
      %add3A_667 = vector.broadcast %add3A_666 : i32 to vector<16xi32>
      %add3A_668 = arith.addi %iota3A, %add3A_667 : vector<16xi32>
      %gather3A_669 = arith.constant 3 : i32
      %gather3A_670 = arith.constant 0 : i32
      %gather3A_671 = arith.constant 0 : i32
      %gather3A_672 = tpu.memref_slice %arg16[%gather3A_669, %gather3A_670, %gather3A_671] : memref<4x32x128xf32, #tpu.memory_space<vmem>> -> memref<1x32x128xf32, #tpu.memory_space<vmem>>
      %gather3A_673 = tpu.memref_squeeze %gather3A_672 : memref<1x32x128xf32, #tpu.memory_space<vmem>> -> memref<32x128xf32, #tpu.memory_space<vmem>>
      %gather3A_674 = tpu.vector_load_idx %gather3A_673[%add3A_668, %broadcast_in_dim3A_655] : memref<32x128xf32, #tpu.memory_space<vmem>>[vector<16xi32>, vector<16xi32>], vector<16xf32>,
      %gather3A_675 = arith.constant 3 : i32
      %gather3A_676 = arith.constant 0 : i32
      %gather3A_677 = arith.constant 0 : i32
      %gather3A_678 = tpu.memref_slice %arg17[%gather3A_675, %gather3A_676, %gather3A_677] : memref<4x32x128xf32, #tpu.memory_space<vmem>> -> memref<1x32x128xf32, #tpu.memory_space<vmem>>
      %gather3A_679 = tpu.memref_squeeze %gather3A_678 : memref<1x32x128xf32, #tpu.memory_space<vmem>> -> memref<32x128xf32, #tpu.memory_space<vmem>>
      %gather3A_680 = tpu.vector_load_idx %gather3A_679[%add3A_668, %broadcast_in_dim3A_658] : memref<32x128xf32, #tpu.memory_space<vmem>>[vector<16xi32>, vector<16xi32>], vector<16xf32>,
      %add3A_681 = vector.broadcast %mul3A_665 : i32 to vector<16xi32>
      %add3A_682 = arith.addi %add3A_681, %add3A_668 : vector<16xi32>
      tpu.vector_store_idx %arg18[%broadcast_in_dim3A_661, %add3A_682], %gather3A_674 : memref<128x128xf32, #tpu.memory_space<vmem>>[vector<16xi32>, vector<16xi32>], vector<16xf32>,
      %add3A_683 = vector.broadcast %mul3A_665 : i32 to vector<16xi32>
      %add3A_684 = arith.addi %add3A_683, %add3A_668 : vector<16xi32>
      tpu.vector_store_idx %arg19[%broadcast_in_dim3A_661, %add3A_684], %gather3A_680 : memref<128x128xf32, #tpu.memory_space<vmem>>[vector<16xi32>, vector<16xi32>], vector<16xf32>,
      %add3A_685 = arith.constant 16 : i32
      %add3A_686 = vector.broadcast %add3A_685 : i32 to vector<16xi32>
      %add3A_687 = arith.addi %iota3A, %add3A_686 : vector<16xi32>
      %gather3A_688 = arith.constant 3 : i32
      %gather3A_689 = arith.constant 0 : i32
      %gather3A_690 = arith.constant 0 : i32
      %gather3A_691 = tpu.memref_slice %arg16[%gather3A_688, %gather3A_689, %gather3A_690] : memref<4x32x128xf32, #tpu.memory_space<vmem>> -> memref<1x32x128xf32, #tpu.memory_space<vmem>>
      %gather3A_692 = tpu.memref_squeeze %gather3A_691 : memref<1x32x128xf32, #tpu.memory_space<vmem>> -> memref<32x128xf32, #tpu.memory_space<vmem>>
      %gather3A_693 = tpu.vector_load_idx %gather3A_692[%add3A_687, %broadcast_in_dim3A_655] : memref<32x128xf32, #tpu.memory_space<vmem>>[vector<16xi32>, vector<16xi32>], vector<16xf32>,
      %gather3A_694 = arith.constant 3 : i32
      %gather3A_695 = arith.constant 0 : i32
      %gather3A_696 = arith.constant 0 : i32
      %gather3A_697 = tpu.memref_slice %arg17[%gather3A_694, %gather3A_695, %gather3A_696] : memref<4x32x128xf32, #tpu.memory_space<vmem>> -> memref<1x32x128xf32, #tpu.memory_space<vmem>>
      %gather3A_698 = tpu.memref_squeeze %gather3A_697 : memref<1x32x128xf32, #tpu.memory_space<vmem>> -> memref<32x128xf32, #tpu.memory_space<vmem>>
      %gather3A_699 = tpu.vector_load_idx %gather3A_698[%add3A_687, %broadcast_in_dim3A_658] : memref<32x128xf32, #tpu.memory_space<vmem>>[vector<16xi32>, vector<16xi32>], vector<16xf32>,
      %add3A_700 = vector.broadcast %mul3A_665 : i32 to vector<16xi32>
      %add3A_701 = arith.addi %add3A_700, %add3A_687 : vector<16xi32>
      tpu.vector_store_idx %arg18[%broadcast_in_dim3A_661, %add3A_701], %gather3A_693 : memref<128x128xf32, #tpu.memory_space<vmem>>[vector<16xi32>, vector<16xi32>], vector<16xf32>,
      %add3A_702 = vector.broadcast %mul3A_665 : i32 to vector<16xi32>
      %add3A_703 = arith.addi %add3A_702, %add3A_687 : vector<16xi32>
      tpu.vector_store_idx %arg19[%broadcast_in_dim3A_661, %add3A_703], %gather3A_699 : memref<128x128xf32, #tpu.memory_space<vmem>>[vector<16xi32>, vector<16xi32>], vector<16xf32>,
    }
    %scan3A_73 = arith.constant 128 : i32
    %dma_wait3A = arith.constant 0 : i32
    %dma_wait3A_74 = arith.constant 0 : i32
    %dma_wait3A_75 = tpu.memref_slice %arg20[%dma_wait3A_74] : memref<512xf32, #tpu.memory_space<vmem>> -> memref<128xf32, #tpu.memory_space<vmem>>
    %dma_wait3A_76 = arith.constant 0 : i32
    %dma_wait3A_77 = tpu.memref_slice %arg12[%dma_wait3A, %dma_wait3A_76] : memref<4x128xi32, #tpu.memory_space<vmem>> -> memref<1x128xi32, #tpu.memory_space<vmem>>
    %dma_wait3A_78 = tpu.memref_squeeze %dma_wait3A_77 : memref<1x128xi32, #tpu.memory_space<vmem>> -> memref<128xi32, #tpu.memory_space<vmem>>
    %dma_wait3A_79 = arith.constant 0 : i32
    %dma_wait3A_80 = tpu.memref_slice %arg8[%dma_wait3A_79] : memref<1000000xf32, #tpu.memory_space<hbm>> -> memref<1000000xf32, #tpu.memory_space<hbm>>
    tpu.wait_indirect_dma semaphore(%arg25 : memref<!tpu.dma_semaphore, #tpu.memory_space<semaphore_mem>>) src(%dma_wait3A_80 : memref<1000000xf32, #tpu.memory_space<hbm>>) dst(%dma_wait3A_75 : memref<128xf32, #tpu.memory_space<vmem>>)
    %dma_wait3A_81 = arith.constant 0 : i32
    %dma_wait3A_82 = arith.constant 0 : i32
    %dma_wait3A_83 = tpu.memref_slice %arg21[%dma_wait3A_82] : memref<512xf32, #tpu.memory_space<vmem>> -> memref<128xf32, #tpu.memory_space<vmem>>
    %dma_wait3A_84 = arith.constant 0 : i32
    %dma_wait3A_85 = tpu.memref_slice %arg13[%dma_wait3A_81, %dma_wait3A_84] : memref<4x128xi32, #tpu.memory_space<vmem>> -> memref<1x128xi32, #tpu.memory_space<vmem>>
    %dma_wait3A_86 = tpu.memref_squeeze %dma_wait3A_85 : memref<1x128xi32, #tpu.memory_space<vmem>> -> memref<128xi32, #tpu.memory_space<vmem>>
    %dma_wait3A_87 = arith.constant 0 : i32
    %dma_wait3A_88 = tpu.memref_slice %arg9[%dma_wait3A_87] : memref<1000000xf32, #tpu.memory_space<hbm>> -> memref<1000000xf32, #tpu.memory_space<hbm>>
    tpu.wait_indirect_dma semaphore(%arg25 : memref<!tpu.dma_semaphore, #tpu.memory_space<semaphore_mem>>) src(%dma_wait3A_88 : memref<1000000xf32, #tpu.memory_space<hbm>>) dst(%dma_wait3A_83 : memref<128xf32, #tpu.memory_space<vmem>>)
    %dma_wait3A_89 = arith.constant 1 : i32
    %dma_wait3A_90 = arith.constant 128 : i32
    %dma_wait3A_91 = tpu.memref_slice %arg20[%dma_wait3A_90] : memref<512xf32, #tpu.memory_space<vmem>> -> memref<128xf32, #tpu.memory_space<vmem>>
    %dma_wait3A_92 = arith.constant 0 : i32
    %dma_wait3A_93 = tpu.memref_slice %arg12[%dma_wait3A_89, %dma_wait3A_92] : memref<4x128xi32, #tpu.memory_space<vmem>> -> memref<1x128xi32, #tpu.memory_space<vmem>>
    %dma_wait3A_94 = tpu.memref_squeeze %dma_wait3A_93 : memref<1x128xi32, #tpu.memory_space<vmem>> -> memref<128xi32, #tpu.memory_space<vmem>>
    %dma_wait3A_95 = arith.constant 0 : i32
    %dma_wait3A_96 = tpu.memref_slice %arg8[%dma_wait3A_95] : memref<1000000xf32, #tpu.memory_space<hbm>> -> memref<1000000xf32, #tpu.memory_space<hbm>>
    tpu.wait_indirect_dma semaphore(%arg25 : memref<!tpu.dma_semaphore, #tpu.memory_space<semaphore_mem>>) src(%dma_wait3A_96 : memref<1000000xf32, #tpu.memory_space<hbm>>) dst(%dma_wait3A_91 : memref<128xf32, #tpu.memory_space<vmem>>)
    %dma_wait3A_97 = arith.constant 1 : i32
    %dma_wait3A_98 = arith.constant 128 : i32
    %dma_wait3A_99 = tpu.memref_slice %arg21[%dma_wait3A_98] : memref<512xf32, #tpu.memory_space<vmem>> -> memref<128xf32, #tpu.memory_space<vmem>>
    %dma_wait3A_100 = arith.constant 0 : i32
    %dma_wait3A_101 = tpu.memref_slice %arg13[%dma_wait3A_97, %dma_wait3A_100] : memref<4x128xi32, #tpu.memory_space<vmem>> -> memref<1x128xi32, #tpu.memory_space<vmem>>
    %dma_wait3A_102 = tpu.memref_squeeze %dma_wait3A_101 : memref<1x128xi32, #tpu.memory_space<vmem>> -> memref<128xi32, #tpu.memory_space<vmem>>
    %dma_wait3A_103 = arith.constant 0 : i32
    %dma_wait3A_104 = tpu.memref_slice %arg9[%dma_wait3A_103] : memref<1000000xf32, #tpu.memory_space<hbm>> -> memref<1000000xf32, #tpu.memory_space<hbm>>
    tpu.wait_indirect_dma semaphore(%arg25 : memref<!tpu.dma_semaphore, #tpu.memory_space<semaphore_mem>>) src(%dma_wait3A_104 : memref<1000000xf32, #tpu.memory_space<hbm>>) dst(%dma_wait3A_99 : memref<128xf32, #tpu.memory_space<vmem>>)
    %dma_wait3A_105 = arith.constant 2 : i32
    %dma_wait3A_106 = arith.constant 256 : i32
    %dma_wait3A_107 = tpu.memref_slice %arg20[%dma_wait3A_106] : memref<512xf32, #tpu.memory_space<vmem>> -> memref<128xf32, #tpu.memory_space<vmem>>
    %dma_wait3A_108 = arith.constant 0 : i32
    %dma_wait3A_109 = tpu.memref_slice %arg12[%dma_wait3A_105, %dma_wait3A_108] : memref<4x128xi32, #tpu.memory_space<vmem>> -> memref<1x128xi32, #tpu.memory_space<vmem>>
    %dma_wait3A_110 = tpu.memref_squeeze %dma_wait3A_109 : memref<1x128xi32, #tpu.memory_space<vmem>> -> memref<128xi32, #tpu.memory_space<vmem>>
    %dma_wait3A_111 = arith.constant 0 : i32
    %dma_wait3A_112 = tpu.memref_slice %arg8[%dma_wait3A_111] : memref<1000000xf32, #tpu.memory_space<hbm>> -> memref<1000000xf32, #tpu.memory_space<hbm>>
    tpu.wait_indirect_dma semaphore(%arg25 : memref<!tpu.dma_semaphore, #tpu.memory_space<semaphore_mem>>) src(%dma_wait3A_112 : memref<1000000xf32, #tpu.memory_space<hbm>>) dst(%dma_wait3A_107 : memref<128xf32, #tpu.memory_space<vmem>>)
    %dma_wait3A_113 = arith.constant 2 : i32
    %dma_wait3A_114 = arith.constant 256 : i32
    %dma_wait3A_115 = tpu.memref_slice %arg21[%dma_wait3A_114] : memref<512xf32, #tpu.memory_space<vmem>> -> memref<128xf32, #tpu.memory_space<vmem>>
    %dma_wait3A_116 = arith.constant 0 : i32
    %dma_wait3A_117 = tpu.memref_slice %arg13[%dma_wait3A_113, %dma_wait3A_116] : memref<4x128xi32, #tpu.memory_space<vmem>> -> memref<1x128xi32, #tpu.memory_space<vmem>>
    %dma_wait3A_118 = tpu.memref_squeeze %dma_wait3A_117 : memref<1x128xi32, #tpu.memory_space<vmem>> -> memref<128xi32, #tpu.memory_space<vmem>>
    %dma_wait3A_119 = arith.constant 0 : i32
    %dma_wait3A_120 = tpu.memref_slice %arg9[%dma_wait3A_119] : memref<1000000xf32, #tpu.memory_space<hbm>> -> memref<1000000xf32, #tpu.memory_space<hbm>>
    tpu.wait_indirect_dma semaphore(%arg25 : memref<!tpu.dma_semaphore, #tpu.memory_space<semaphore_mem>>) src(%dma_wait3A_120 : memref<1000000xf32, #tpu.memory_space<hbm>>) dst(%dma_wait3A_115 : memref<128xf32, #tpu.memory_space<vmem>>)
    %dma_wait3A_121 = arith.constant 3 : i32
    %dma_wait3A_122 = arith.constant 384 : i32
    %dma_wait3A_123 = tpu.memref_slice %arg20[%dma_wait3A_122] : memref<512xf32, #tpu.memory_space<vmem>> -> memref<128xf32, #tpu.memory_space<vmem>>
    %dma_wait3A_124 = arith.constant 0 : i32
    %dma_wait3A_125 = tpu.memref_slice %arg12[%dma_wait3A_121, %dma_wait3A_124] : memref<4x128xi32, #tpu.memory_space<vmem>> -> memref<1x128xi32, #tpu.memory_space<vmem>>
    %dma_wait3A_126 = tpu.memref_squeeze %dma_wait3A_125 : memref<1x128xi32, #tpu.memory_space<vmem>> -> memref<128xi32, #tpu.memory_space<vmem>>
    %dma_wait3A_127 = arith.constant 0 : i32
    %dma_wait3A_128 = tpu.memref_slice %arg8[%dma_wait3A_127] : memref<1000000xf32, #tpu.memory_space<hbm>> -> memref<1000000xf32, #tpu.memory_space<hbm>>
    tpu.wait_indirect_dma semaphore(%arg25 : memref<!tpu.dma_semaphore, #tpu.memory_space<semaphore_mem>>) src(%dma_wait3A_128 : memref<1000000xf32, #tpu.memory_space<hbm>>) dst(%dma_wait3A_123 : memref<128xf32, #tpu.memory_space<vmem>>)
    %dma_wait3A_129 = arith.constant 3 : i32
    %dma_wait3A_130 = arith.constant 384 : i32
    %dma_wait3A_131 = tpu.memref_slice %arg21[%dma_wait3A_130] : memref<512xf32, #tpu.memory_space<vmem>> -> memref<128xf32, #tpu.memory_space<vmem>>
    %dma_wait3A_132 = arith.constant 0 : i32
    %dma_wait3A_133 = tpu.memref_slice %arg13[%dma_wait3A_129, %dma_wait3A_132] : memref<4x128xi32, #tpu.memory_space<vmem>> -> memref<1x128xi32, #tpu.memory_space<vmem>>
    %dma_wait3A_134 = tpu.memref_squeeze %dma_wait3A_133 : memref<1x128xi32, #tpu.memory_space<vmem>> -> memref<128xi32, #tpu.memory_space<vmem>>
    %dma_wait3A_135 = arith.constant 0 : i32
    %dma_wait3A_136 = tpu.memref_slice %arg9[%dma_wait3A_135] : memref<1000000xf32, #tpu.memory_space<hbm>> -> memref<1000000xf32, #tpu.memory_space<hbm>>
    tpu.wait_indirect_dma semaphore(%arg25 : memref<!tpu.dma_semaphore, #tpu.memory_space<semaphore_mem>>) src(%dma_wait3A_136 : memref<1000000xf32, #tpu.memory_space<hbm>>) dst(%dma_wait3A_131 : memref<128xf32, #tpu.memory_space<vmem>>)
    %get3A = arith.constant 0 : index
    %get3A_137 = tpu.vector_load %arg23[%get3A] {strides = array<i32>} : memref<16xf32, #tpu.memory_space<vmem>>, vector<16xf32>,
    %slice3A = vector.extract_strided_slice %get3A_137 {offsets = [0], sizes = [1], strides = [1]} : vector<16xf32> to vector<1xf32>
    %squeeze3A = vector.extract %slice3A[0] : f32 from vector<1xf32>
    %slice3A_138 = vector.extract_strided_slice %get3A_137 {offsets = [1], sizes = [1], strides = [1]} : vector<16xf32> to vector<1xf32>
    %squeeze3A_139 = vector.extract %slice3A_138[0] : f32 from vector<1xf32>
    %scan3A_140 = arith.constant 0 : i32
    %scan3A_141 = arith.constant 32 : i32
    %scan3A_142 = arith.addi %scan3A_140, %scan3A_141 : i32
    %scan3A_143 = arith.constant 1 : i32
    scf.for %scan3A_145 = %scan3A_140 to %scan3A_142 step %scan3A_143  : i32 {
      %mul3A_146 = arith.constant 16 : i32
      %mul3A_147 = arith.muli %scan3A_145, %mul3A_146 : i32
      %add3A_148 = vector.broadcast %mul3A_147 : i32 to vector<16xi32>
      %add3A_149 = arith.addi %add3A_148, %iota3A : vector<16xi32>
      %shift_right_arithmetic3A = arith.constant 2 : i32
      %shift_right_arithmetic3A_150 = vector.broadcast %shift_right_arithmetic3A : i32 to vector<16xi32>
      %shift_right_arithmetic3A_151 = arith.shrsi %add3A_149, %shift_right_arithmetic3A_150 : vector<16xi32>
      %and3A = arith.constant 3 : i32
      %and3A_152 = vector.broadcast %and3A : i32 to vector<16xi32>
      %and3A_153 = arith.andi %add3A_149, %and3A_152 : vector<16xi32>
      %mul3A_154 = arith.constant 32 : i32
      %mul3A_155 = vector.broadcast %mul3A_154 : i32 to vector<16xi32>
      %mul3A_156 = arith.muli %and3A_153, %mul3A_155 : vector<16xi32>
      %broadcast_in_dim3A = arith.constant 0.000000e+00 : f32
      %broadcast_in_dim3A_157 = vector.broadcast %broadcast_in_dim3A : f32 to vector<16xf32>
      %broadcast_in_dim3A_158 = arith.constant 0.000000e+00 : f32
      %broadcast_in_dim3A_159 = vector.broadcast %broadcast_in_dim3A_158 : f32 to vector<16xf32>
      %broadcast_in_dim3A_160 = arith.constant 0.000000e+00 : f32
      %broadcast_in_dim3A_161 = vector.broadcast %broadcast_in_dim3A_160 : f32 to vector<16xf32>
      %add3A_162 = arith.constant 0 : i32
      %add3A_163 = vector.broadcast %add3A_162 : i32 to vector<16xi32>
      %add3A_164 = arith.addi %mul3A_156, %add3A_163 : vector<16xi32>
      %gather3A = tpu.vector_load_idx %arg18[%shift_right_arithmetic3A_151, %add3A_164] : memref<128x128xf32, #tpu.memory_space<vmem>>[vector<16xi32>, vector<16xi32>], vector<16xf32>,
      %gather3A_165 = tpu.vector_load_idx %arg19[%shift_right_arithmetic3A_151, %add3A_164] : memref<128x128xf32, #tpu.memory_space<vmem>>[vector<16xi32>, vector<16xi32>], vector<16xf32>,
      %mul3A_166 = arith.mulf %gather3A, %gather3A : vector<16xf32>
      %add3A_167 = arith.addf %broadcast_in_dim3A_157, %mul3A_166 : vector<16xf32>
      %mul3A_168 = arith.mulf %gather3A_165, %gather3A_165 : vector<16xf32>
      %add3A_169 = arith.addf %broadcast_in_dim3A_159, %mul3A_168 : vector<16xf32>
      %mul3A_170 = arith.mulf %gather3A, %gather3A_165 : vector<16xf32>
      %add3A_171 = arith.addf %broadcast_in_dim3A_161, %mul3A_170 : vector<16xf32>
      %add3A_172 = arith.constant 1 : i32
      %add3A_173 = vector.broadcast %add3A_172 : i32 to vector<16xi32>
      %add3A_174 = arith.addi %mul3A_156, %add3A_173 : vector<16xi32>
      %gather3A_175 = tpu.vector_load_idx %arg18[%shift_right_arithmetic3A_151, %add3A_174] : memref<128x128xf32, #tpu.memory_space<vmem>>[vector<16xi32>, vector<16xi32>], vector<16xf32>,
      %gather3A_176 = tpu.vector_load_idx %arg19[%shift_right_arithmetic3A_151, %add3A_174] : memref<128x128xf32, #tpu.memory_space<vmem>>[vector<16xi32>, vector<16xi32>], vector<16xf32>,
      %mul3A_177 = arith.mulf %gather3A_175, %gather3A_175 : vector<16xf32>
      %add3A_178 = arith.addf %add3A_167, %mul3A_177 : vector<16xf32>
      %mul3A_179 = arith.mulf %gather3A_176, %gather3A_176 : vector<16xf32>
      %add3A_180 = arith.addf %add3A_169, %mul3A_179 : vector<16xf32>
      %mul3A_181 = arith.mulf %gather3A_175, %gather3A_176 : vector<16xf32>
      %add3A_182 = arith.addf %add3A_171, %mul3A_181 : vector<16xf32>
      %add3A_183 = arith.constant 2 : i32
      %add3A_184 = vector.broadcast %add3A_183 : i32 to vector<16xi32>
      %add3A_185 = arith.addi %mul3A_156, %add3A_184 : vector<16xi32>
      %gather3A_186 = tpu.vector_load_idx %arg18[%shift_right_arithmetic3A_151, %add3A_185] : memref<128x128xf32, #tpu.memory_space<vmem>>[vector<16xi32>, vector<16xi32>], vector<16xf32>,
      %gather3A_187 = tpu.vector_load_idx %arg19[%shift_right_arithmetic3A_151, %add3A_185] : memref<128x128xf32, #tpu.memory_space<vmem>>[vector<16xi32>, vector<16xi32>], vector<16xf32>,
      %mul3A_188 = arith.mulf %gather3A_186, %gather3A_186 : vector<16xf32>
      %add3A_189 = arith.addf %add3A_178, %mul3A_188 : vector<16xf32>
      %mul3A_190 = arith.mulf %gather3A_187, %gather3A_187 : vector<16xf32>
      %add3A_191 = arith.addf %add3A_180, %mul3A_190 : vector<16xf32>
      %mul3A_192 = arith.mulf %gather3A_186, %gather3A_187 : vector<16xf32>
      %add3A_193 = arith.addf %add3A_182, %mul3A_192 : vector<16xf32>
      %add3A_194 = arith.constant 3 : i32
      %add3A_195 = vector.broadcast %add3A_194 : i32 to vector<16xi32>
      %add3A_196 = arith.addi %mul3A_156, %add3A_195 : vector<16xi32>
      %gather3A_197 = tpu.vector_load_idx %arg18[%shift_right_arithmetic3A_151, %add3A_196] : memref<128x128xf32, #tpu.memory_space<vmem>>[vector<16xi32>, vector<16xi32>], vector<16xf32>,
      %gather3A_198 = tpu.vector_load_idx %arg19[%shift_right_arithmetic3A_151, %add3A_196] : memref<128x128xf32, #tpu.memory_space<vmem>>[vector<16xi32>, vector<16xi32>], vector<16xf32>,
      %mul3A_199 = arith.mulf %gather3A_197, %gather3A_197 : vector<16xf32>
      %add3A_200 = arith.addf %add3A_189, %mul3A_199 : vector<16xf32>
      %mul3A_201 = arith.mulf %gather3A_198, %gather3A_198 : vector<16xf32>
      %add3A_202 = arith.addf %add3A_191, %mul3A_201 : vector<16xf32>
      %mul3A_203 = arith.mulf %gather3A_197, %gather3A_198 : vector<16xf32>
      %add3A_204 = arith.addf %add3A_193, %mul3A_203 : vector<16xf32>
      %add3A_205 = arith.constant 4 : i32
      %add3A_206 = vector.broadcast %add3A_205 : i32 to vector<16xi32>
      %add3A_207 = arith.addi %mul3A_156, %add3A_206 : vector<16xi32>
      %gather3A_208 = tpu.vector_load_idx %arg18[%shift_right_arithmetic3A_151, %add3A_207] : memref<128x128xf32, #tpu.memory_space<vmem>>[vector<16xi32>, vector<16xi32>], vector<16xf32>,
      %gather3A_209 = tpu.vector_load_idx %arg19[%shift_right_arithmetic3A_151, %add3A_207] : memref<128x128xf32, #tpu.memory_space<vmem>>[vector<16xi32>, vector<16xi32>], vector<16xf32>,
      %mul3A_210 = arith.mulf %gather3A_208, %gather3A_208 : vector<16xf32>
      %add3A_211 = arith.addf %add3A_200, %mul3A_210 : vector<16xf32>
      %mul3A_212 = arith.mulf %gather3A_209, %gather3A_209 : vector<16xf32>
      %add3A_213 = arith.addf %add3A_202, %mul3A_212 : vector<16xf32>
      %mul3A_214 = arith.mulf %gather3A_208, %gather3A_209 : vector<16xf32>
      %add3A_215 = arith.addf %add3A_204, %mul3A_214 : vector<16xf32>
      %add3A_216 = arith.constant 5 : i32
      %add3A_217 = vector.broadcast %add3A_216 : i32 to vector<16xi32>
      %add3A_218 = arith.addi %mul3A_156, %add3A_217 : vector<16xi32>
      %gather3A_219 = tpu.vector_load_idx %arg18[%shift_right_arithmetic3A_151, %add3A_218] : memref<128x128xf32, #tpu.memory_space<vmem>>[vector<16xi32>, vector<16xi32>], vector<16xf32>,
      %gather3A_220 = tpu.vector_load_idx %arg19[%shift_right_arithmetic3A_151, %add3A_218] : memref<128x128xf32, #tpu.memory_space<vmem>>[vector<16xi32>, vector<16xi32>], vector<16xf32>,
      %mul3A_221 = arith.mulf %gather3A_219, %gather3A_219 : vector<16xf32>
      %add3A_222 = arith.addf %add3A_211, %mul3A_221 : vector<16xf32>
      %mul3A_223 = arith.mulf %gather3A_220, %gather3A_220 : vector<16xf32>
      %add3A_224 = arith.addf %add3A_213, %mul3A_223 : vector<16xf32>
      %mul3A_225 = arith.mulf %gather3A_219, %gather3A_220 : vector<16xf32>
      %add3A_226 = arith.addf %add3A_215, %mul3A_225 : vector<16xf32>
      %add3A_227 = arith.constant 6 : i32
      %add3A_228 = vector.broadcast %add3A_227 : i32 to vector<16xi32>
      %add3A_229 = arith.addi %mul3A_156, %add3A_228 : vector<16xi32>
      %gather3A_230 = tpu.vector_load_idx %arg18[%shift_right_arithmetic3A_151, %add3A_229] : memref<128x128xf32, #tpu.memory_space<vmem>>[vector<16xi32>, vector<16xi32>], vector<16xf32>,
      %gather3A_231 = tpu.vector_load_idx %arg19[%shift_right_arithmetic3A_151, %add3A_229] : memref<128x128xf32, #tpu.memory_space<vmem>>[vector<16xi32>, vector<16xi32>], vector<16xf32>,
      %mul3A_232 = arith.mulf %gather3A_230, %gather3A_230 : vector<16xf32>
      %add3A_233 = arith.addf %add3A_222, %mul3A_232 : vector<16xf32>
      %mul3A_234 = arith.mulf %gather3A_231, %gather3A_231 : vector<16xf32>
      %add3A_235 = arith.addf %add3A_224, %mul3A_234 : vector<16xf32>
      %mul3A_236 = arith.mulf %gather3A_230, %gather3A_231 : vector<16xf32>
      %add3A_237 = arith.addf %add3A_226, %mul3A_236 : vector<16xf32>
      %add3A_238 = arith.constant 7 : i32
      %add3A_239 = vector.broadcast %add3A_238 : i32 to vector<16xi32>
      %add3A_240 = arith.addi %mul3A_156, %add3A_239 : vector<16xi32>
      %gather3A_241 = tpu.vector_load_idx %arg18[%shift_right_arithmetic3A_151, %add3A_240] : memref<128x128xf32, #tpu.memory_space<vmem>>[vector<16xi32>, vector<16xi32>], vector<16xf32>,
      %gather3A_242 = tpu.vector_load_idx %arg19[%shift_right_arithmetic3A_151, %add3A_240] : memref<128x128xf32, #tpu.memory_space<vmem>>[vector<16xi32>, vector<16xi32>], vector<16xf32>,
      %mul3A_243 = arith.mulf %gather3A_241, %gather3A_241 : vector<16xf32>
      %add3A_244 = arith.addf %add3A_233, %mul3A_243 : vector<16xf32>
      %mul3A_245 = arith.mulf %gather3A_242, %gather3A_242 : vector<16xf32>
      %add3A_246 = arith.addf %add3A_235, %mul3A_245 : vector<16xf32>
      %mul3A_247 = arith.mulf %gather3A_241, %gather3A_242 : vector<16xf32>
      %add3A_248 = arith.addf %add3A_237, %mul3A_247 : vector<16xf32>
      %add3A_249 = arith.constant 8 : i32
      %add3A_250 = vector.broadcast %add3A_249 : i32 to vector<16xi32>
      %add3A_251 = arith.addi %mul3A_156, %add3A_250 : vector<16xi32>
      %gather3A_252 = tpu.vector_load_idx %arg18[%shift_right_arithmetic3A_151, %add3A_251] : memref<128x128xf32, #tpu.memory_space<vmem>>[vector<16xi32>, vector<16xi32>], vector<16xf32>,
      %gather3A_253 = tpu.vector_load_idx %arg19[%shift_right_arithmetic3A_151, %add3A_251] : memref<128x128xf32, #tpu.memory_space<vmem>>[vector<16xi32>, vector<16xi32>], vector<16xf32>,
      %mul3A_254 = arith.mulf %gather3A_252, %gather3A_252 : vector<16xf32>
      %add3A_255 = arith.addf %add3A_244, %mul3A_254 : vector<16xf32>
      %mul3A_256 = arith.mulf %gather3A_253, %gather3A_253 : vector<16xf32>
      %add3A_257 = arith.addf %add3A_246, %mul3A_256 : vector<16xf32>
      %mul3A_258 = arith.mulf %gather3A_252, %gather3A_253 : vector<16xf32>
      %add3A_259 = arith.addf %add3A_248, %mul3A_258 : vector<16xf32>
      %add3A_260 = arith.constant 9 : i32
      %add3A_261 = vector.broadcast %add3A_260 : i32 to vector<16xi32>
      %add3A_262 = arith.addi %mul3A_156, %add3A_261 : vector<16xi32>
      %gather3A_263 = tpu.vector_load_idx %arg18[%shift_right_arithmetic3A_151, %add3A_262] : memref<128x128xf32, #tpu.memory_space<vmem>>[vector<16xi32>, vector<16xi32>], vector<16xf32>,
      %gather3A_264 = tpu.vector_load_idx %arg19[%shift_right_arithmetic3A_151, %add3A_262] : memref<128x128xf32, #tpu.memory_space<vmem>>[vector<16xi32>, vector<16xi32>], vector<16xf32>,
      %mul3A_265 = arith.mulf %gather3A_263, %gather3A_263 : vector<16xf32>
      %add3A_266 = arith.addf %add3A_255, %mul3A_265 : vector<16xf32>
      %mul3A_267 = arith.mulf %gather3A_264, %gather3A_264 : vector<16xf32>
      %add3A_268 = arith.addf %add3A_257, %mul3A_267 : vector<16xf32>
      %mul3A_269 = arith.mulf %gather3A_263, %gather3A_264 : vector<16xf32>
      %add3A_270 = arith.addf %add3A_259, %mul3A_269 : vector<16xf32>
      %add3A_271 = arith.constant 10 : i32
      %add3A_272 = vector.broadcast %add3A_271 : i32 to vector<16xi32>
      %add3A_273 = arith.addi %mul3A_156, %add3A_272 : vector<16xi32>
      %gather3A_274 = tpu.vector_load_idx %arg18[%shift_right_arithmetic3A_151, %add3A_273] : memref<128x128xf32, #tpu.memory_space<vmem>>[vector<16xi32>, vector<16xi32>], vector<16xf32>,
      %gather3A_275 = tpu.vector_load_idx %arg19[%shift_right_arithmetic3A_151, %add3A_273] : memref<128x128xf32, #tpu.memory_space<vmem>>[vector<16xi32>, vector<16xi32>], vector<16xf32>,
      %mul3A_276 = arith.mulf %gather3A_274, %gather3A_274 : vector<16xf32>
      %add3A_277 = arith.addf %add3A_266, %mul3A_276 : vector<16xf32>
      %mul3A_278 = arith.mulf %gather3A_275, %gather3A_275 : vector<16xf32>
      %add3A_279 = arith.addf %add3A_268, %mul3A_278 : vector<16xf32>
      %mul3A_280 = arith.mulf %gather3A_274, %gather3A_275 : vector<16xf32>
      %add3A_281 = arith.addf %add3A_270, %mul3A_280 : vector<16xf32>
      %add3A_282 = arith.constant 11 : i32
      %add3A_283 = vector.broadcast %add3A_282 : i32 to vector<16xi32>
      %add3A_284 = arith.addi %mul3A_156, %add3A_283 : vector<16xi32>
      %gather3A_285 = tpu.vector_load_idx %arg18[%shift_right_arithmetic3A_151, %add3A_284] : memref<128x128xf32, #tpu.memory_space<vmem>>[vector<16xi32>, vector<16xi32>], vector<16xf32>,
      %gather3A_286 = tpu.vector_load_idx %arg19[%shift_right_arithmetic3A_151, %add3A_284] : memref<128x128xf32, #tpu.memory_space<vmem>>[vector<16xi32>, vector<16xi32>], vector<16xf32>,
      %mul3A_287 = arith.mulf %gather3A_285, %gather3A_285 : vector<16xf32>
      %add3A_288 = arith.addf %add3A_277, %mul3A_287 : vector<16xf32>
      %mul3A_289 = arith.mulf %gather3A_286, %gather3A_286 : vector<16xf32>
      %add3A_290 = arith.addf %add3A_279, %mul3A_289 : vector<16xf32>
      %mul3A_291 = arith.mulf %gather3A_285, %gather3A_286 : vector<16xf32>
      %add3A_292 = arith.addf %add3A_281, %mul3A_291 : vector<16xf32>
      %add3A_293 = arith.constant 12 : i32
      %add3A_294 = vector.broadcast %add3A_293 : i32 to vector<16xi32>
      %add3A_295 = arith.addi %mul3A_156, %add3A_294 : vector<16xi32>
      %gather3A_296 = tpu.vector_load_idx %arg18[%shift_right_arithmetic3A_151, %add3A_295] : memref<128x128xf32, #tpu.memory_space<vmem>>[vector<16xi32>, vector<16xi32>], vector<16xf32>,
      %gather3A_297 = tpu.vector_load_idx %arg19[%shift_right_arithmetic3A_151, %add3A_295] : memref<128x128xf32, #tpu.memory_space<vmem>>[vector<16xi32>, vector<16xi32>], vector<16xf32>,
      %mul3A_298 = arith.mulf %gather3A_296, %gather3A_296 : vector<16xf32>
      %add3A_299 = arith.addf %add3A_288, %mul3A_298 : vector<16xf32>
      %mul3A_300 = arith.mulf %gather3A_297, %gather3A_297 : vector<16xf32>
      %add3A_301 = arith.addf %add3A_290, %mul3A_300 : vector<16xf32>
      %mul3A_302 = arith.mulf %gather3A_296, %gather3A_297 : vector<16xf32>
      %add3A_303 = arith.addf %add3A_292, %mul3A_302 : vector<16xf32>
      %add3A_304 = arith.constant 13 : i32
      %add3A_305 = vector.broadcast %add3A_304 : i32 to vector<16xi32>
      %add3A_306 = arith.addi %mul3A_156, %add3A_305 : vector<16xi32>
      %gather3A_307 = tpu.vector_load_idx %arg18[%shift_right_arithmetic3A_151, %add3A_306] : memref<128x128xf32, #tpu.memory_space<vmem>>[vector<16xi32>, vector<16xi32>], vector<16xf32>,
      %gather3A_308 = tpu.vector_load_idx %arg19[%shift_right_arithmetic3A_151, %add3A_306] : memref<128x128xf32, #tpu.memory_space<vmem>>[vector<16xi32>, vector<16xi32>], vector<16xf32>,
      %mul3A_309 = arith.mulf %gather3A_307, %gather3A_307 : vector<16xf32>
      %add3A_310 = arith.addf %add3A_299, %mul3A_309 : vector<16xf32>
      %mul3A_311 = arith.mulf %gather3A_308, %gather3A_308 : vector<16xf32>
      %add3A_312 = arith.addf %add3A_301, %mul3A_311 : vector<16xf32>
      %mul3A_313 = arith.mulf %gather3A_307, %gather3A_308 : vector<16xf32>
      %add3A_314 = arith.addf %add3A_303, %mul3A_313 : vector<16xf32>
      %add3A_315 = arith.constant 14 : i32
      %add3A_316 = vector.broadcast %add3A_315 : i32 to vector<16xi32>
      %add3A_317 = arith.addi %mul3A_156, %add3A_316 : vector<16xi32>
      %gather3A_318 = tpu.vector_load_idx %arg18[%shift_right_arithmetic3A_151, %add3A_317] : memref<128x128xf32, #tpu.memory_space<vmem>>[vector<16xi32>, vector<16xi32>], vector<16xf32>,
      %gather3A_319 = tpu.vector_load_idx %arg19[%shift_right_arithmetic3A_151, %add3A_317] : memref<128x128xf32, #tpu.memory_space<vmem>>[vector<16xi32>, vector<16xi32>], vector<16xf32>,
      %mul3A_320 = arith.mulf %gather3A_318, %gather3A_318 : vector<16xf32>
      %add3A_321 = arith.addf %add3A_310, %mul3A_320 : vector<16xf32>
      %mul3A_322 = arith.mulf %gather3A_319, %gather3A_319 : vector<16xf32>
      %add3A_323 = arith.addf %add3A_312, %mul3A_322 : vector<16xf32>
      %mul3A_324 = arith.mulf %gather3A_318, %gather3A_319 : vector<16xf32>
      %add3A_325 = arith.addf %add3A_314, %mul3A_324 : vector<16xf32>
      %add3A_326 = arith.constant 15 : i32
      %add3A_327 = vector.broadcast %add3A_326 : i32 to vector<16xi32>
      %add3A_328 = arith.addi %mul3A_156, %add3A_327 : vector<16xi32>
      %gather3A_329 = tpu.vector_load_idx %arg18[%shift_right_arithmetic3A_151, %add3A_328] : memref<128x128xf32, #tpu.memory_space<vmem>>[vector<16xi32>, vector<16xi32>], vector<16xf32>,
      %gather3A_330 = tpu.vector_load_idx %arg19[%shift_right_arithmetic3A_151, %add3A_328] : memref<128x128xf32, #tpu.memory_space<vmem>>[vector<16xi32>, vector<16xi32>], vector<16xf32>,
      %mul3A_331 = arith.mulf %gather3A_329, %gather3A_329 : vector<16xf32>
      %add3A_332 = arith.addf %add3A_321, %mul3A_331 : vector<16xf32>
      %mul3A_333 = arith.mulf %gather3A_330, %gather3A_330 : vector<16xf32>
      %add3A_334 = arith.addf %add3A_323, %mul3A_333 : vector<16xf32>
      %mul3A_335 = arith.mulf %gather3A_329, %gather3A_330 : vector<16xf32>
      %add3A_336 = arith.addf %add3A_325, %mul3A_335 : vector<16xf32>
      %add3A_337 = arith.constant 16 : i32
      %add3A_338 = vector.broadcast %add3A_337 : i32 to vector<16xi32>
      %add3A_339 = arith.addi %mul3A_156, %add3A_338 : vector<16xi32>
      %gather3A_340 = tpu.vector_load_idx %arg18[%shift_right_arithmetic3A_151, %add3A_339] : memref<128x128xf32, #tpu.memory_space<vmem>>[vector<16xi32>, vector<16xi32>], vector<16xf32>,
      %gather3A_341 = tpu.vector_load_idx %arg19[%shift_right_arithmetic3A_151, %add3A_339] : memref<128x128xf32, #tpu.memory_space<vmem>>[vector<16xi32>, vector<16xi32>], vector<16xf32>,
      %mul3A_342 = arith.mulf %gather3A_340, %gather3A_340 : vector<16xf32>
      %add3A_343 = arith.addf %add3A_332, %mul3A_342 : vector<16xf32>
      %mul3A_344 = arith.mulf %gather3A_341, %gather3A_341 : vector<16xf32>
      %add3A_345 = arith.addf %add3A_334, %mul3A_344 : vector<16xf32>
      %mul3A_346 = arith.mulf %gather3A_340, %gather3A_341 : vector<16xf32>
      %add3A_347 = arith.addf %add3A_336, %mul3A_346 : vector<16xf32>
      %add3A_348 = arith.constant 17 : i32
      %add3A_349 = vector.broadcast %add3A_348 : i32 to vector<16xi32>
      %add3A_350 = arith.addi %mul3A_156, %add3A_349 : vector<16xi32>
      %gather3A_351 = tpu.vector_load_idx %arg18[%shift_right_arithmetic3A_151, %add3A_350] : memref<128x128xf32, #tpu.memory_space<vmem>>[vector<16xi32>, vector<16xi32>], vector<16xf32>,
      %gather3A_352 = tpu.vector_load_idx %arg19[%shift_right_arithmetic3A_151, %add3A_350] : memref<128x128xf32, #tpu.memory_space<vmem>>[vector<16xi32>, vector<16xi32>], vector<16xf32>,
      %mul3A_353 = arith.mulf %gather3A_351, %gather3A_351 : vector<16xf32>
      %add3A_354 = arith.addf %add3A_343, %mul3A_353 : vector<16xf32>
      %mul3A_355 = arith.mulf %gather3A_352, %gather3A_352 : vector<16xf32>
      %add3A_356 = arith.addf %add3A_345, %mul3A_355 : vector<16xf32>
      %mul3A_357 = arith.mulf %gather3A_351, %gather3A_352 : vector<16xf32>
      %add3A_358 = arith.addf %add3A_347, %mul3A_357 : vector<16xf32>
      %add3A_359 = arith.constant 18 : i32
      %add3A_360 = vector.broadcast %add3A_359 : i32 to vector<16xi32>
      %add3A_361 = arith.addi %mul3A_156, %add3A_360 : vector<16xi32>
      %gather3A_362 = tpu.vector_load_idx %arg18[%shift_right_arithmetic3A_151, %add3A_361] : memref<128x128xf32, #tpu.memory_space<vmem>>[vector<16xi32>, vector<16xi32>], vector<16xf32>,
      %gather3A_363 = tpu.vector_load_idx %arg19[%shift_right_arithmetic3A_151, %add3A_361] : memref<128x128xf32, #tpu.memory_space<vmem>>[vector<16xi32>, vector<16xi32>], vector<16xf32>,
      %mul3A_364 = arith.mulf %gather3A_362, %gather3A_362 : vector<16xf32>
      %add3A_365 = arith.addf %add3A_354, %mul3A_364 : vector<16xf32>
      %mul3A_366 = arith.mulf %gather3A_363, %gather3A_363 : vector<16xf32>
      %add3A_367 = arith.addf %add3A_356, %mul3A_366 : vector<16xf32>
      %mul3A_368 = arith.mulf %gather3A_362, %gather3A_363 : vector<16xf32>
      %add3A_369 = arith.addf %add3A_358, %mul3A_368 : vector<16xf32>
      %add3A_370 = arith.constant 19 : i32
      %add3A_371 = vector.broadcast %add3A_370 : i32 to vector<16xi32>
      %add3A_372 = arith.addi %mul3A_156, %add3A_371 : vector<16xi32>
      %gather3A_373 = tpu.vector_load_idx %arg18[%shift_right_arithmetic3A_151, %add3A_372] : memref<128x128xf32, #tpu.memory_space<vmem>>[vector<16xi32>, vector<16xi32>], vector<16xf32>,
      %gather3A_374 = tpu.vector_load_idx %arg19[%shift_right_arithmetic3A_151, %add3A_372] : memref<128x128xf32, #tpu.memory_space<vmem>>[vector<16xi32>, vector<16xi32>], vector<16xf32>,
      %mul3A_375 = arith.mulf %gather3A_373, %gather3A_373 : vector<16xf32>
      %add3A_376 = arith.addf %add3A_365, %mul3A_375 : vector<16xf32>
      %mul3A_377 = arith.mulf %gather3A_374, %gather3A_374 : vector<16xf32>
      %add3A_378 = arith.addf %add3A_367, %mul3A_377 : vector<16xf32>
      %mul3A_379 = arith.mulf %gather3A_373, %gather3A_374 : vector<16xf32>
      %add3A_380 = arith.addf %add3A_369, %mul3A_379 : vector<16xf32>
      %add3A_381 = arith.constant 20 : i32
      %add3A_382 = vector.broadcast %add3A_381 : i32 to vector<16xi32>
      %add3A_383 = arith.addi %mul3A_156, %add3A_382 : vector<16xi32>
      %gather3A_384 = tpu.vector_load_idx %arg18[%shift_right_arithmetic3A_151, %add3A_383] : memref<128x128xf32, #tpu.memory_space<vmem>>[vector<16xi32>, vector<16xi32>], vector<16xf32>,
      %gather3A_385 = tpu.vector_load_idx %arg19[%shift_right_arithmetic3A_151, %add3A_383] : memref<128x128xf32, #tpu.memory_space<vmem>>[vector<16xi32>, vector<16xi32>], vector<16xf32>,
      %mul3A_386 = arith.mulf %gather3A_384, %gather3A_384 : vector<16xf32>
      %add3A_387 = arith.addf %add3A_376, %mul3A_386 : vector<16xf32>
      %mul3A_388 = arith.mulf %gather3A_385, %gather3A_385 : vector<16xf32>
      %add3A_389 = arith.addf %add3A_378, %mul3A_388 : vector<16xf32>
      %mul3A_390 = arith.mulf %gather3A_384, %gather3A_385 : vector<16xf32>
      %add3A_391 = arith.addf %add3A_380, %mul3A_390 : vector<16xf32>
      %add3A_392 = arith.constant 21 : i32
      %add3A_393 = vector.broadcast %add3A_392 : i32 to vector<16xi32>
      %add3A_394 = arith.addi %mul3A_156, %add3A_393 : vector<16xi32>
      %gather3A_395 = tpu.vector_load_idx %arg18[%shift_right_arithmetic3A_151, %add3A_394] : memref<128x128xf32, #tpu.memory_space<vmem>>[vector<16xi32>, vector<16xi32>], vector<16xf32>,
      %gather3A_396 = tpu.vector_load_idx %arg19[%shift_right_arithmetic3A_151, %add3A_394] : memref<128x128xf32, #tpu.memory_space<vmem>>[vector<16xi32>, vector<16xi32>], vector<16xf32>,
      %mul3A_397 = arith.mulf %gather3A_395, %gather3A_395 : vector<16xf32>
      %add3A_398 = arith.addf %add3A_387, %mul3A_397 : vector<16xf32>
      %mul3A_399 = arith.mulf %gather3A_396, %gather3A_396 : vector<16xf32>
      %add3A_400 = arith.addf %add3A_389, %mul3A_399 : vector<16xf32>
      %mul3A_401 = arith.mulf %gather3A_395, %gather3A_396 : vector<16xf32>
      %add3A_402 = arith.addf %add3A_391, %mul3A_401 : vector<16xf32>
      %add3A_403 = arith.constant 22 : i32
      %add3A_404 = vector.broadcast %add3A_403 : i32 to vector<16xi32>
      %add3A_405 = arith.addi %mul3A_156, %add3A_404 : vector<16xi32>
      %gather3A_406 = tpu.vector_load_idx %arg18[%shift_right_arithmetic3A_151, %add3A_405] : memref<128x128xf32, #tpu.memory_space<vmem>>[vector<16xi32>, vector<16xi32>], vector<16xf32>,
      %gather3A_407 = tpu.vector_load_idx %arg19[%shift_right_arithmetic3A_151, %add3A_405] : memref<128x128xf32, #tpu.memory_space<vmem>>[vector<16xi32>, vector<16xi32>], vector<16xf32>,
      %mul3A_408 = arith.mulf %gather3A_406, %gather3A_406 : vector<16xf32>
      %add3A_409 = arith.addf %add3A_398, %mul3A_408 : vector<16xf32>
      %mul3A_410 = arith.mulf %gather3A_407, %gather3A_407 : vector<16xf32>
      %add3A_411 = arith.addf %add3A_400, %mul3A_410 : vector<16xf32>
      %mul3A_412 = arith.mulf %gather3A_406, %gather3A_407 : vector<16xf32>
      %add3A_413 = arith.addf %add3A_402, %mul3A_412 : vector<16xf32>
      %add3A_414 = arith.constant 23 : i32
      %add3A_415 = vector.broadcast %add3A_414 : i32 to vector<16xi32>
      %add3A_416 = arith.addi %mul3A_156, %add3A_415 : vector<16xi32>
      %gather3A_417 = tpu.vector_load_idx %arg18[%shift_right_arithmetic3A_151, %add3A_416] : memref<128x128xf32, #tpu.memory_space<vmem>>[vector<16xi32>, vector<16xi32>], vector<16xf32>,
      %gather3A_418 = tpu.vector_load_idx %arg19[%shift_right_arithmetic3A_151, %add3A_416] : memref<128x128xf32, #tpu.memory_space<vmem>>[vector<16xi32>, vector<16xi32>], vector<16xf32>,
      %mul3A_419 = arith.mulf %gather3A_417, %gather3A_417 : vector<16xf32>
      %add3A_420 = arith.addf %add3A_409, %mul3A_419 : vector<16xf32>
      %mul3A_421 = arith.mulf %gather3A_418, %gather3A_418 : vector<16xf32>
      %add3A_422 = arith.addf %add3A_411, %mul3A_421 : vector<16xf32>
      %mul3A_423 = arith.mulf %gather3A_417, %gather3A_418 : vector<16xf32>
      %add3A_424 = arith.addf %add3A_413, %mul3A_423 : vector<16xf32>
      %add3A_425 = arith.constant 24 : i32
      %add3A_426 = vector.broadcast %add3A_425 : i32 to vector<16xi32>
      %add3A_427 = arith.addi %mul3A_156, %add3A_426 : vector<16xi32>
      %gather3A_428 = tpu.vector_load_idx %arg18[%shift_right_arithmetic3A_151, %add3A_427] : memref<128x128xf32, #tpu.memory_space<vmem>>[vector<16xi32>, vector<16xi32>], vector<16xf32>,
      %gather3A_429 = tpu.vector_load_idx %arg19[%shift_right_arithmetic3A_151, %add3A_427] : memref<128x128xf32, #tpu.memory_space<vmem>>[vector<16xi32>, vector<16xi32>], vector<16xf32>,
      %mul3A_430 = arith.mulf %gather3A_428, %gather3A_428 : vector<16xf32>
      %add3A_431 = arith.addf %add3A_420, %mul3A_430 : vector<16xf32>
      %mul3A_432 = arith.mulf %gather3A_429, %gather3A_429 : vector<16xf32>
      %add3A_433 = arith.addf %add3A_422, %mul3A_432 : vector<16xf32>
      %mul3A_434 = arith.mulf %gather3A_428, %gather3A_429 : vector<16xf32>
      %add3A_435 = arith.addf %add3A_424, %mul3A_434 : vector<16xf32>
      %add3A_436 = arith.constant 25 : i32
      %add3A_437 = vector.broadcast %add3A_436 : i32 to vector<16xi32>
      %add3A_438 = arith.addi %mul3A_156, %add3A_437 : vector<16xi32>
      %gather3A_439 = tpu.vector_load_idx %arg18[%shift_right_arithmetic3A_151, %add3A_438] : memref<128x128xf32, #tpu.memory_space<vmem>>[vector<16xi32>, vector<16xi32>], vector<16xf32>,
      %gather3A_440 = tpu.vector_load_idx %arg19[%shift_right_arithmetic3A_151, %add3A_438] : memref<128x128xf32, #tpu.memory_space<vmem>>[vector<16xi32>, vector<16xi32>], vector<16xf32>,
      %mul3A_441 = arith.mulf %gather3A_439, %gather3A_439 : vector<16xf32>
      %add3A_442 = arith.addf %add3A_431, %mul3A_441 : vector<16xf32>
      %mul3A_443 = arith.mulf %gather3A_440, %gather3A_440 : vector<16xf32>
      %add3A_444 = arith.addf %add3A_433, %mul3A_443 : vector<16xf32>
      %mul3A_445 = arith.mulf %gather3A_439, %gather3A_440 : vector<16xf32>
      %add3A_446 = arith.addf %add3A_435, %mul3A_445 : vector<16xf32>
      %add3A_447 = arith.constant 26 : i32
      %add3A_448 = vector.broadcast %add3A_447 : i32 to vector<16xi32>
      %add3A_449 = arith.addi %mul3A_156, %add3A_448 : vector<16xi32>
      %gather3A_450 = tpu.vector_load_idx %arg18[%shift_right_arithmetic3A_151, %add3A_449] : memref<128x128xf32, #tpu.memory_space<vmem>>[vector<16xi32>, vector<16xi32>], vector<16xf32>,
      %gather3A_451 = tpu.vector_load_idx %arg19[%shift_right_arithmetic3A_151, %add3A_449] : memref<128x128xf32, #tpu.memory_space<vmem>>[vector<16xi32>, vector<16xi32>], vector<16xf32>,
      %mul3A_452 = arith.mulf %gather3A_450, %gather3A_450 : vector<16xf32>
      %add3A_453 = arith.addf %add3A_442, %mul3A_452 : vector<16xf32>
      %mul3A_454 = arith.mulf %gather3A_451, %gather3A_451 : vector<16xf32>
      %add3A_455 = arith.addf %add3A_444, %mul3A_454 : vector<16xf32>
      %mul3A_456 = arith.mulf %gather3A_450, %gather3A_451 : vector<16xf32>
      %add3A_457 = arith.addf %add3A_446, %mul3A_456 : vector<16xf32>
      %add3A_458 = arith.constant 27 : i32
      %add3A_459 = vector.broadcast %add3A_458 : i32 to vector<16xi32>
      %add3A_460 = arith.addi %mul3A_156, %add3A_459 : vector<16xi32>
      %gather3A_461 = tpu.vector_load_idx %arg18[%shift_right_arithmetic3A_151, %add3A_460] : memref<128x128xf32, #tpu.memory_space<vmem>>[vector<16xi32>, vector<16xi32>], vector<16xf32>,
      %gather3A_462 = tpu.vector_load_idx %arg19[%shift_right_arithmetic3A_151, %add3A_460] : memref<128x128xf32, #tpu.memory_space<vmem>>[vector<16xi32>, vector<16xi32>], vector<16xf32>,
      %mul3A_463 = arith.mulf %gather3A_461, %gather3A_461 : vector<16xf32>
      %add3A_464 = arith.addf %add3A_453, %mul3A_463 : vector<16xf32>
      %mul3A_465 = arith.mulf %gather3A_462, %gather3A_462 : vector<16xf32>
      %add3A_466 = arith.addf %add3A_455, %mul3A_465 : vector<16xf32>
      %mul3A_467 = arith.mulf %gather3A_461, %gather3A_462 : vector<16xf32>
      %add3A_468 = arith.addf %add3A_457, %mul3A_467 : vector<16xf32>
      %add3A_469 = arith.constant 28 : i32
      %add3A_470 = vector.broadcast %add3A_469 : i32 to vector<16xi32>
      %add3A_471 = arith.addi %mul3A_156, %add3A_470 : vector<16xi32>
      %gather3A_472 = tpu.vector_load_idx %arg18[%shift_right_arithmetic3A_151, %add3A_471] : memref<128x128xf32, #tpu.memory_space<vmem>>[vector<16xi32>, vector<16xi32>], vector<16xf32>,
      %gather3A_473 = tpu.vector_load_idx %arg19[%shift_right_arithmetic3A_151, %add3A_471] : memref<128x128xf32, #tpu.memory_space<vmem>>[vector<16xi32>, vector<16xi32>], vector<16xf32>,
      %mul3A_474 = arith.mulf %gather3A_472, %gather3A_472 : vector<16xf32>
      %add3A_475 = arith.addf %add3A_464, %mul3A_474 : vector<16xf32>
      %mul3A_476 = arith.mulf %gather3A_473, %gather3A_473 : vector<16xf32>
      %add3A_477 = arith.addf %add3A_466, %mul3A_476 : vector<16xf32>
      %mul3A_478 = arith.mulf %gather3A_472, %gather3A_473 : vector<16xf32>
      %add3A_479 = arith.addf %add3A_468, %mul3A_478 : vector<16xf32>
      %add3A_480 = arith.constant 29 : i32
      %add3A_481 = vector.broadcast %add3A_480 : i32 to vector<16xi32>
      %add3A_482 = arith.addi %mul3A_156, %add3A_481 : vector<16xi32>
      %gather3A_483 = tpu.vector_load_idx %arg18[%shift_right_arithmetic3A_151, %add3A_482] : memref<128x128xf32, #tpu.memory_space<vmem>>[vector<16xi32>, vector<16xi32>], vector<16xf32>,
      %gather3A_484 = tpu.vector_load_idx %arg19[%shift_right_arithmetic3A_151, %add3A_482] : memref<128x128xf32, #tpu.memory_space<vmem>>[vector<16xi32>, vector<16xi32>], vector<16xf32>,
      %mul3A_485 = arith.mulf %gather3A_483, %gather3A_483 : vector<16xf32>
      %add3A_486 = arith.addf %add3A_475, %mul3A_485 : vector<16xf32>
      %mul3A_487 = arith.mulf %gather3A_484, %gather3A_484 : vector<16xf32>
      %add3A_488 = arith.addf %add3A_477, %mul3A_487 : vector<16xf32>
      %mul3A_489 = arith.mulf %gather3A_483, %gather3A_484 : vector<16xf32>
      %add3A_490 = arith.addf %add3A_479, %mul3A_489 : vector<16xf32>
      %add3A_491 = arith.constant 30 : i32
      %add3A_492 = vector.broadcast %add3A_491 : i32 to vector<16xi32>
      %add3A_493 = arith.addi %mul3A_156, %add3A_492 : vector<16xi32>
      %gather3A_494 = tpu.vector_load_idx %arg18[%shift_right_arithmetic3A_151, %add3A_493] : memref<128x128xf32, #tpu.memory_space<vmem>>[vector<16xi32>, vector<16xi32>], vector<16xf32>,
      %gather3A_495 = tpu.vector_load_idx %arg19[%shift_right_arithmetic3A_151, %add3A_493] : memref<128x128xf32, #tpu.memory_space<vmem>>[vector<16xi32>, vector<16xi32>], vector<16xf32>,
      %mul3A_496 = arith.mulf %gather3A_494, %gather3A_494 : vector<16xf32>
      %add3A_497 = arith.addf %add3A_486, %mul3A_496 : vector<16xf32>
      %mul3A_498 = arith.mulf %gather3A_495, %gather3A_495 : vector<16xf32>
      %add3A_499 = arith.addf %add3A_488, %mul3A_498 : vector<16xf32>
      %mul3A_500 = arith.mulf %gather3A_494, %gather3A_495 : vector<16xf32>
      %add3A_501 = arith.addf %add3A_490, %mul3A_500 : vector<16xf32>
      %add3A_502 = arith.constant 31 : i32
      %add3A_503 = vector.broadcast %add3A_502 : i32 to vector<16xi32>
      %add3A_504 = arith.addi %mul3A_156, %add3A_503 : vector<16xi32>
      %gather3A_505 = tpu.vector_load_idx %arg18[%shift_right_arithmetic3A_151, %add3A_504] : memref<128x128xf32, #tpu.memory_space<vmem>>[vector<16xi32>, vector<16xi32>], vector<16xf32>,
      %gather3A_506 = tpu.vector_load_idx %arg19[%shift_right_arithmetic3A_151, %add3A_504] : memref<128x128xf32, #tpu.memory_space<vmem>>[vector<16xi32>, vector<16xi32>], vector<16xf32>,
      %mul3A_507 = arith.mulf %gather3A_505, %gather3A_505 : vector<16xf32>
      %add3A_508 = arith.addf %add3A_497, %mul3A_507 : vector<16xf32>
      %mul3A_509 = arith.mulf %gather3A_506, %gather3A_506 : vector<16xf32>
      %add3A_510 = arith.addf %add3A_499, %mul3A_509 : vector<16xf32>
      %mul3A_511 = arith.mulf %gather3A_505, %gather3A_506 : vector<16xf32>
      %add3A_512 = arith.addf %add3A_501, %mul3A_511 : vector<16xf32>
      %add3A_513 = arith.constant 1.000000e-30 : f32
      %add3A_514 = vector.broadcast %add3A_513 : f32 to vector<16xf32>
      %add3A_515 = arith.addf %add3A_508, %add3A_514 : vector<16xf32>
      %bitcast3A = vector.bitcast %add3A_515 : vector<16xf32> to vector<16xi32>
      %shift_right_arithmetic3A_516 = arith.constant 1 : i32
      %shift_right_arithmetic3A_517 = vector.broadcast %shift_right_arithmetic3A_516 : i32 to vector<16xi32>
      %shift_right_arithmetic3A_518 = arith.shrsi %bitcast3A, %shift_right_arithmetic3A_517 : vector<16xi32>
      %sub3A = arith.constant 1597463007 : i32
      %sub3A_519 = vector.broadcast %sub3A : i32 to vector<16xi32>
      %sub3A_520 = arith.subi %sub3A_519, %shift_right_arithmetic3A_518 : vector<16xi32>
      %bitcast3A_521 = vector.bitcast %sub3A_520 : vector<16xi32> to vector<16xf32>
      %mul3A_522 = arith.constant 5.000000e-01 : f32
      %mul3A_523 = vector.broadcast %mul3A_522 : f32 to vector<16xf32>
      %mul3A_524 = arith.mulf %mul3A_523, %add3A_515 : vector<16xf32>
      %mul3A_525 = arith.mulf %mul3A_524, %bitcast3A_521 : vector<16xf32>
      %mul3A_526 = arith.mulf %mul3A_525, %bitcast3A_521 : vector<16xf32>
      %sub3A_527 = arith.constant 1.500000e+00 : f32
      %sub3A_528 = vector.broadcast %sub3A_527 : f32 to vector<16xf32>
      %sub3A_529 = arith.subf %sub3A_528, %mul3A_526 : vector<16xf32>
      %mul3A_530 = arith.mulf %bitcast3A_521, %sub3A_529 : vector<16xf32>
      %mul3A_531 = arith.constant 5.000000e-01 : f32
      %mul3A_532 = vector.broadcast %mul3A_531 : f32 to vector<16xf32>
      %mul3A_533 = arith.mulf %mul3A_532, %add3A_515 : vector<16xf32>
      %mul3A_534 = arith.mulf %mul3A_533, %mul3A_530 : vector<16xf32>
      %mul3A_535 = arith.mulf %mul3A_534, %mul3A_530 : vector<16xf32>
      %sub3A_536 = arith.constant 1.500000e+00 : f32
      %sub3A_537 = vector.broadcast %sub3A_536 : f32 to vector<16xf32>
      %sub3A_538 = arith.subf %sub3A_537, %mul3A_535 : vector<16xf32>
      %mul3A_539 = arith.mulf %mul3A_530, %sub3A_538 : vector<16xf32>
      %mul3A_540 = arith.constant 5.000000e-01 : f32
      %mul3A_541 = vector.broadcast %mul3A_540 : f32 to vector<16xf32>
      %mul3A_542 = arith.mulf %mul3A_541, %add3A_515 : vector<16xf32>
      %mul3A_543 = arith.mulf %mul3A_542, %mul3A_539 : vector<16xf32>
      %mul3A_544 = arith.mulf %mul3A_543, %mul3A_539 : vector<16xf32>
      %sub3A_545 = arith.constant 1.500000e+00 : f32
      %sub3A_546 = vector.broadcast %sub3A_545 : f32 to vector<16xf32>
      %sub3A_547 = arith.subf %sub3A_546, %mul3A_544 : vector<16xf32>
      %mul3A_548 = arith.mulf %mul3A_539, %sub3A_547 : vector<16xf32>
      %add3A_549 = arith.constant 1.000000e-30 : f32
      %add3A_550 = vector.broadcast %add3A_549 : f32 to vector<16xf32>
      %add3A_551 = arith.addf %add3A_510, %add3A_550 : vector<16xf32>
      %bitcast3A_552 = vector.bitcast %add3A_551 : vector<16xf32> to vector<16xi32>
      %shift_right_arithmetic3A_553 = arith.constant 1 : i32
      %shift_right_arithmetic3A_554 = vector.broadcast %shift_right_arithmetic3A_553 : i32 to vector<16xi32>
      %shift_right_arithmetic3A_555 = arith.shrsi %bitcast3A_552, %shift_right_arithmetic3A_554 : vector<16xi32>
      %sub3A_556 = arith.constant 1597463007 : i32
      %sub3A_557 = vector.broadcast %sub3A_556 : i32 to vector<16xi32>
      %sub3A_558 = arith.subi %sub3A_557, %shift_right_arithmetic3A_555 : vector<16xi32>
      %bitcast3A_559 = vector.bitcast %sub3A_558 : vector<16xi32> to vector<16xf32>
      %mul3A_560 = arith.constant 5.000000e-01 : f32
      %mul3A_561 = vector.broadcast %mul3A_560 : f32 to vector<16xf32>
      %mul3A_562 = arith.mulf %mul3A_561, %add3A_551 : vector<16xf32>
      %mul3A_563 = arith.mulf %mul3A_562, %bitcast3A_559 : vector<16xf32>
      %mul3A_564 = arith.mulf %mul3A_563, %bitcast3A_559 : vector<16xf32>
      %sub3A_565 = arith.constant 1.500000e+00 : f32
      %sub3A_566 = vector.broadcast %sub3A_565 : f32 to vector<16xf32>
      %sub3A_567 = arith.subf %sub3A_566, %mul3A_564 : vector<16xf32>
      %mul3A_568 = arith.mulf %bitcast3A_559, %sub3A_567 : vector<16xf32>
      %mul3A_569 = arith.constant 5.000000e-01 : f32
      %mul3A_570 = vector.broadcast %mul3A_569 : f32 to vector<16xf32>
      %mul3A_571 = arith.mulf %mul3A_570, %add3A_551 : vector<16xf32>
      %mul3A_572 = arith.mulf %mul3A_571, %mul3A_568 : vector<16xf32>
      %mul3A_573 = arith.mulf %mul3A_572, %mul3A_568 : vector<16xf32>
      %sub3A_574 = arith.constant 1.500000e+00 : f32
      %sub3A_575 = vector.broadcast %sub3A_574 : f32 to vector<16xf32>
      %sub3A_576 = arith.subf %sub3A_575, %mul3A_573 : vector<16xf32>
      %mul3A_577 = arith.mulf %mul3A_568, %sub3A_576 : vector<16xf32>
      %mul3A_578 = arith.constant 5.000000e-01 : f32
      %mul3A_579 = vector.broadcast %mul3A_578 : f32 to vector<16xf32>
      %mul3A_580 = arith.mulf %mul3A_579, %add3A_551 : vector<16xf32>
      %mul3A_581 = arith.mulf %mul3A_580, %mul3A_577 : vector<16xf32>
      %mul3A_582 = arith.mulf %mul3A_581, %mul3A_577 : vector<16xf32>
      %sub3A_583 = arith.constant 1.500000e+00 : f32
      %sub3A_584 = vector.broadcast %sub3A_583 : f32 to vector<16xf32>
      %sub3A_585 = arith.subf %sub3A_584, %mul3A_582 : vector<16xf32>
      %mul3A_586 = arith.mulf %mul3A_577, %sub3A_585 : vector<16xf32>
      %mul3A_587 = arith.mulf %add3A_508, %mul3A_548 : vector<16xf32>
      %mul3A_588 = arith.mulf %add3A_510, %mul3A_586 : vector<16xf32>
      %add3A_589 = arith.constant 1.000000e+00 : f32
      %add3A_590 = vector.broadcast %add3A_589 : f32 to vector<16xf32>
      %add3A_591 = arith.addf %add3A_590, %mul3A_587 : vector<16xf32>
      %div3A = arith.constant 1.000000e+00 : f32
      %div3A_592 = vector.broadcast %div3A : f32 to vector<16xf32>
      %div3A_593 = arith.divf %div3A_592, %add3A_591 : vector<16xf32>
      %add3A_594 = arith.constant 1.000000e+00 : f32
      %add3A_595 = vector.broadcast %add3A_594 : f32 to vector<16xf32>
      %add3A_596 = arith.addf %add3A_595, %mul3A_588 : vector<16xf32>
      %div3A_597 = arith.constant 1.000000e+00 : f32
      %div3A_598 = vector.broadcast %div3A_597 : f32 to vector<16xf32>
      %div3A_599 = arith.divf %div3A_598, %add3A_596 : vector<16xf32>
      %mul3A_600 = arith.mulf %mul3A_587, %div3A_593 : vector<16xf32>
      %add3A_601 = arith.constant 1.000000e+00 : f32
      %add3A_602 = vector.broadcast %add3A_601 : f32 to vector<16xf32>
      %add3A_603 = arith.addf %add3A_602, %mul3A_600 : vector<16xf32>
      %div3A_604 = arith.divf %div3A_593, %add3A_603 : vector<16xf32>
      %mul3A_605 = arith.mulf %mul3A_588, %div3A_599 : vector<16xf32>
      %add3A_606 = arith.constant 1.000000e+00 : f32
      %add3A_607 = vector.broadcast %add3A_606 : f32 to vector<16xf32>
      %add3A_608 = arith.addf %add3A_607, %mul3A_605 : vector<16xf32>
      %div3A_609 = arith.divf %div3A_599, %add3A_608 : vector<16xf32>
      %mul3A_610 = arith.mulf %add3A_508, %div3A_604 : vector<16xf32>
      %mul3A_611 = arith.mulf %mul3A_610, %div3A_604 : vector<16xf32>
      %mul3A_612 = arith.mulf %add3A_510, %div3A_609 : vector<16xf32>
      %mul3A_613 = arith.mulf %mul3A_612, %div3A_609 : vector<16xf32>
      %add3A_614 = arith.addf %mul3A_611, %mul3A_613 : vector<16xf32>
      %mul3A_615 = arith.mulf %div3A_604, %div3A_609 : vector<16xf32>
      %mul3A_616 = arith.constant 2.000000e+00 : f32
      %mul3A_617 = vector.broadcast %mul3A_616 : f32 to vector<16xf32>
      %mul3A_618 = arith.mulf %mul3A_617, %mul3A_615 : vector<16xf32>
      %mul3A_619 = arith.mulf %mul3A_618, %add3A_512 : vector<16xf32>
      %sub3A_620 = arith.subf %add3A_614, %mul3A_619 : vector<16xf32>
      %sub3A_621 = arith.constant 1.000000e+00 : f32
      %sub3A_622 = vector.broadcast %sub3A_621 : f32 to vector<16xf32>
      %sub3A_623 = arith.subf %sub3A_622, %mul3A_611 : vector<16xf32>
      %sub3A_624 = arith.constant 1.000000e+00 : f32
      %sub3A_625 = vector.broadcast %sub3A_624 : f32 to vector<16xf32>
      %sub3A_626 = arith.subf %sub3A_625, %mul3A_613 : vector<16xf32>
      %mul3A_627 = arith.mulf %sub3A_623, %sub3A_626 : vector<16xf32>
      %add3A_628 = arith.constant 9.99999996E-13 : f32
      %add3A_629 = vector.broadcast %add3A_628 : f32 to vector<16xf32>
      %add3A_630 = arith.addf %mul3A_627, %add3A_629 : vector<16xf32>
      %mul3A_631 = arith.constant 2.000000e+00 : f32
      %mul3A_632 = vector.broadcast %mul3A_631 : f32 to vector<16xf32>
      %mul3A_633 = arith.mulf %mul3A_632, %sub3A_620 : vector<16xf32>
      %div3A_634 = arith.divf %mul3A_633, %add3A_630 : vector<16xf32>
      %add3A_635 = arith.constant 1.000000e+00 : f32
      %add3A_636 = vector.broadcast %add3A_635 : f32 to vector<16xf32>
      %add3A_637 = arith.addf %add3A_636, %div3A_634 : vector<16xf32>
      %max3A = arith.constant 1.000000e+00 : f32
      %max3A_638 = vector.broadcast %max3A : f32 to vector<16xf32>
      %max3A_639 = arith.maximumf %add3A_637, %max3A_638 : vector<16xf32>
      %mul3A_640 = arith.mulf %max3A_639, %max3A_639 : vector<16xf32>
      %sub3A_641 = arith.constant 1.000000e+00 : f32
      %sub3A_642 = vector.broadcast %sub3A_641 : f32 to vector<16xf32>
      %sub3A_643 = arith.subf %mul3A_640, %sub3A_642 : vector<16xf32>
      %add3A_644 = arith.constant 1.000000e-30 : f32
      %add3A_645 = vector.broadcast %add3A_644 : f32 to vector<16xf32>
      %add3A_646 = arith.addf %sub3A_643, %add3A_645 : vector<16xf32>
      %bitcast3A_647 = vector.bitcast %add3A_646 : vector<16xf32> to vector<16xi32>
      %shift_right_arithmetic3A_648 = arith.constant 1 : i32
      %shift_right_arithmetic3A_649 = vector.broadcast %shift_right_arithmetic3A_648 : i32 to vector<16xi32>
      %shift_right_arithmetic3A_650 = arith.shrsi %bitcast3A_647, %shift_right_arithmetic3A_649 : vector<16xi32>
      %sub3A_651 = arith.constant 1597463007 : i32
      %sub3A_652 = vector.broadcast %sub3A_651 : i32 to vector<16xi32>
      %sub3A_653 = arith.subi %sub3A_652, %shift_right_arithmetic3A_650 : vector<16xi32>
      %bitcast3A_654 = vector.bitcast %sub3A_653 : vector<16xi32> to vector<16xf32>
      %mul3A_655 = arith.constant 5.000000e-01 : f32
      %mul3A_656 = vector.broadcast %mul3A_655 : f32 to vector<16xf32>
      %mul3A_657 = arith.mulf %mul3A_656, %add3A_646 : vector<16xf32>
      %mul3A_658 = arith.mulf %mul3A_657, %bitcast3A_654 : vector<16xf32>
      %mul3A_659 = arith.mulf %mul3A_658, %bitcast3A_654 : vector<16xf32>
      %sub3A_660 = arith.constant 1.500000e+00 : f32
      %sub3A_661 = vector.broadcast %sub3A_660 : f32 to vector<16xf32>
      %sub3A_662 = arith.subf %sub3A_661, %mul3A_659 : vector<16xf32>
      %mul3A_663 = arith.mulf %bitcast3A_654, %sub3A_662 : vector<16xf32>
      %mul3A_664 = arith.constant 5.000000e-01 : f32
      %mul3A_665 = vector.broadcast %mul3A_664 : f32 to vector<16xf32>
      %mul3A_666 = arith.mulf %mul3A_665, %add3A_646 : vector<16xf32>
      %mul3A_667 = arith.mulf %mul3A_666, %mul3A_663 : vector<16xf32>
      %mul3A_668 = arith.mulf %mul3A_667, %mul3A_663 : vector<16xf32>
      %sub3A_669 = arith.constant 1.500000e+00 : f32
      %sub3A_670 = vector.broadcast %sub3A_669 : f32 to vector<16xf32>
      %sub3A_671 = arith.subf %sub3A_670, %mul3A_668 : vector<16xf32>
      %mul3A_672 = arith.mulf %mul3A_663, %sub3A_671 : vector<16xf32>
      %mul3A_673 = arith.constant 5.000000e-01 : f32
      %mul3A_674 = vector.broadcast %mul3A_673 : f32 to vector<16xf32>
      %mul3A_675 = arith.mulf %mul3A_674, %add3A_646 : vector<16xf32>
      %mul3A_676 = arith.mulf %mul3A_675, %mul3A_672 : vector<16xf32>
      %mul3A_677 = arith.mulf %mul3A_676, %mul3A_672 : vector<16xf32>
      %sub3A_678 = arith.constant 1.500000e+00 : f32
      %sub3A_679 = vector.broadcast %sub3A_678 : f32 to vector<16xf32>
      %sub3A_680 = arith.subf %sub3A_679, %mul3A_677 : vector<16xf32>
      %mul3A_681 = arith.mulf %mul3A_672, %sub3A_680 : vector<16xf32>
      %mul3A_682 = arith.mulf %add3A_646, %mul3A_681 : vector<16xf32>
      %add3A_683 = arith.addf %max3A_639, %mul3A_682 : vector<16xf32>
      %bitcast3A_684 = vector.bitcast %add3A_683 : vector<16xf32> to vector<16xi32>
      %shift_right_arithmetic3A_685 = arith.constant 23 : i32
      %shift_right_arithmetic3A_686 = vector.broadcast %shift_right_arithmetic3A_685 : i32 to vector<16xi32>
      %shift_right_arithmetic3A_687 = arith.shrsi %bitcast3A_684, %shift_right_arithmetic3A_686 : vector<16xi32>
      %and3A_688 = arith.constant 255 : i32
      %and3A_689 = vector.broadcast %and3A_688 : i32 to vector<16xi32>
      %and3A_690 = arith.andi %shift_right_arithmetic3A_687, %and3A_689 : vector<16xi32>
      %sub3A_691 = arith.constant 127 : i32
      %sub3A_692 = vector.broadcast %sub3A_691 : i32 to vector<16xi32>
      %sub3A_693 = arith.subi %and3A_690, %sub3A_692 : vector<16xi32>
      %and3A_694 = arith.constant 8388607 : i32
      %and3A_695 = vector.broadcast %and3A_694 : i32 to vector<16xi32>
      %and3A_696 = arith.andi %bitcast3A_684, %and3A_695 : vector<16xi32>
      %or3A = arith.constant 1065353216 : i32
      %or3A_697 = vector.broadcast %or3A : i32 to vector<16xi32>
      %or3A_698 = arith.ori %and3A_696, %or3A_697 : vector<16xi32>
      %bitcast3A_699 = vector.bitcast %or3A_698 : vector<16xi32> to vector<16xf32>
      %gt3A = arith.constant 1.41421354 : f32
      %gt3A_700 = vector.broadcast %gt3A : f32 to vector<16xf32>
      %gt3A_701 = arith.cmpf ogt, %bitcast3A_699, %gt3A_700 : vector<16xf32>
      %mul3A_702 = arith.constant 5.000000e-01 : f32
      %mul3A_703 = vector.broadcast %mul3A_702 : f32 to vector<16xf32>
      %mul3A_704 = arith.mulf %bitcast3A_699, %mul3A_703 : vector<16xf32>
      %select_n3A = arith.select %gt3A_701, %mul3A_704, %bitcast3A_699 : vector<16xi1>, vector<16xf32>
      %add3A_705 = arith.constant 1 : i32
      %add3A_706 = vector.broadcast %add3A_705 : i32 to vector<16xi32>
      %add3A_707 = arith.addi %sub3A_693, %add3A_706 : vector<16xi32>
      %select_n3A_708 = arith.select %gt3A_701, %add3A_707, %sub3A_693 : vector<16xi1>, vector<16xi32>
      %sub3A_709 = arith.constant 1.000000e+00 : f32
      %sub3A_710 = vector.broadcast %sub3A_709 : f32 to vector<16xf32>
      %sub3A_711 = arith.subf %select_n3A, %sub3A_710 : vector<16xf32>
      %add3A_712 = arith.constant 1.000000e+00 : f32
      %add3A_713 = vector.broadcast %add3A_712 : f32 to vector<16xf32>
      %add3A_714 = arith.addf %select_n3A, %add3A_713 : vector<16xf32>
      %div3A_715 = arith.divf %sub3A_711, %add3A_714 : vector<16xf32>
      %mul3A_716 = arith.mulf %div3A_715, %div3A_715 : vector<16xf32>
      %mul3A_717 = arith.constant 2.000000e+00 : f32
      %mul3A_718 = vector.broadcast %mul3A_717 : f32 to vector<16xf32>
      %mul3A_719 = arith.mulf %mul3A_718, %div3A_715 : vector<16xf32>
      %mul3A_720 = arith.constant 0.142857149 : f32
      %mul3A_721 = vector.broadcast %mul3A_720 : f32 to vector<16xf32>
      %mul3A_722 = arith.mulf %mul3A_716, %mul3A_721 : vector<16xf32>
      %add3A_723 = arith.constant 2.000000e-01 : f32
      %add3A_724 = vector.broadcast %add3A_723 : f32 to vector<16xf32>
      %add3A_725 = arith.addf %add3A_724, %mul3A_722 : vector<16xf32>
      %mul3A_726 = arith.mulf %mul3A_716, %add3A_725 : vector<16xf32>
      %add3A_727 = arith.constant 0.333333343 : f32
      %add3A_728 = vector.broadcast %add3A_727 : f32 to vector<16xf32>
      %add3A_729 = arith.addf %add3A_728, %mul3A_726 : vector<16xf32>
      %mul3A_730 = arith.mulf %mul3A_716, %add3A_729 : vector<16xf32>
      %add3A_731 = arith.constant 1.000000e+00 : f32
      %add3A_732 = vector.broadcast %add3A_731 : f32 to vector<16xf32>
      %add3A_733 = arith.addf %add3A_732, %mul3A_730 : vector<16xf32>
      %mul3A_734 = arith.mulf %mul3A_719, %add3A_733 : vector<16xf32>
      %convert_element_type3A = arith.sitofp %select_n3A_708 : vector<16xi32> to vector<16xf32>
      %mul3A_735 = arith.constant 0.693147182 : f32
      %mul3A_736 = vector.broadcast %mul3A_735 : f32 to vector<16xf32>
      %mul3A_737 = arith.mulf %convert_element_type3A, %mul3A_736 : vector<16xf32>
      %add3A_738 = arith.addf %mul3A_737, %mul3A_734 : vector<16xf32>
      %mul3A_739 = arith.constant 16 : i32
      %mul3A_740 = arith.muli %scan3A_145, %mul3A_739 : i32
      %get3A_741 = arith.index_cast %mul3A_740 : i32 to index
      %get3A_742 = tpu.vector_load %arg20[%get3A_741] {strides = array<i32>} : memref<512xf32, #tpu.memory_space<vmem>>, vector<16xf32>,
      %get3A_743 = arith.index_cast %mul3A_740 : i32 to index
      %get3A_744 = tpu.vector_load %arg21[%get3A_743] {strides = array<i32>} : memref<512xf32, #tpu.memory_space<vmem>>, vector<16xf32>,
      %add3A_745 = arith.addf %get3A_742, %get3A_744 : vector<16xf32>
      %add3A_746 = arith.addf %add3A_745, %add3A_738 : vector<16xf32>
      %mul3A_747 = vector.broadcast %squeeze3A : f32 to vector<16xf32>
      %mul3A_748 = arith.mulf %add3A_746, %mul3A_747 : vector<16xf32>
      %add3A_749 = vector.broadcast %squeeze3A_139 : f32 to vector<16xf32>
      %add3A_750 = arith.addf %mul3A_748, %add3A_749 : vector<16xf32>
      %swap3A = arith.index_cast %mul3A_740 : i32 to index
      %swap3A_751 = tpu.vector_load %arg22[%swap3A] {strides = array<i32>} : memref<512xf32, #tpu.memory_space<vmem>>, vector<16xf32>,
      tpu.vector_store %arg22[%swap3A], %add3A_750 {strides = array<i32>} : memref<512xf32, #tpu.memory_space<vmem>>, vector<16xf32>,
    }
    %scan3A_144 = arith.constant 32 : i32
    "tpu.region"() ({
      %run_scoped3A = tpu.sem_alloc : memref<!tpu.dma_semaphore, #tpu.memory_space<semaphore_mem>>
      %dma_start3A_145 = tpu.memref_slice %arg11[%mul3A_2] : memref<16384xf32, #tpu.memory_space<hbm>> -> memref<512xf32, #tpu.memory_space<hbm>>
      %dma_start3A_146 = tpu.memref_slice %arg11[%mul3A_2] : memref<16384xf32, #tpu.memory_space<hbm>> -> memref<512xf32, #tpu.memory_space<hbm>>
      tpu.enqueue_dma source(%arg22 : memref<512xf32, #tpu.memory_space<vmem>>) target(%dma_start3A_146 : memref<512xf32, #tpu.memory_space<hbm>>) target_semaphore(%run_scoped3A : memref<!tpu.dma_semaphore, #tpu.memory_space<semaphore_mem>>)
      %dma_wait3A_147 = tpu.memref_slice %arg11[%mul3A_2] : memref<16384xf32, #tpu.memory_space<hbm>> -> memref<512xf32, #tpu.memory_space<hbm>>
      %dma_wait3A_148 = tpu.memref_slice %arg11[%mul3A_2] : memref<16384xf32, #tpu.memory_space<hbm>> -> memref<512xf32, #tpu.memory_space<hbm>>
      tpu.wait_dma2 semaphore(%run_scoped3A : memref<!tpu.dma_semaphore, #tpu.memory_space<semaphore_mem>>) src(%arg22 : memref<512xf32, #tpu.memory_space<vmem>>) dst(%dma_wait3A_148 : memref<512xf32, #tpu.memory_space<hbm>>)
      tpu.yield
    }) : () -> ()
    return
  }
}

</mosaic_0001>

<sc_bundles>
// kernel: kernel.3.cloned.1.call-start
scs
__scs_entry_jumppad:
0x0: {  	(pc) =	sbr.rel $0x88, $3  }
0x1: {  	(tag) =	ssettag $0x0;
	lr =	simm.s32 $0x1  }
0x2: {  	[smem:$0x3F98] =	sst lr;
	_ =	strace $0xD0000000  }
0x3: {  	_ = 	snop  }
0x4: {  	_ = 	snop  }
0x5: {  	_ = 	snop  }
0x6: {  	_ = 	snop  }
0x7: {  	_ = 	snop  }
__scs_overlays_trampoline_lowered:
0x8: {  	[smem:$0x3FA7] =	sst s0  }
0x9: {  	[smem:$0x3FA8] =	sst s1  }
0xa: {  	[smem:$0x3FA9] =	sst s2  }
0xb: {  	[smem:$0x3FAA] =	sst s3  }
0xc: {  	[smem:$0x3FAB] =	sst s4  }
0xd: {  	[smem:$0x3FAC] =	sst s5  }
0xe: {  	[smem:$0x3FAD] =	sst s6  }
0xf: {  	[smem:$0x3FAE] =	sst s7  }
0x10: {  	[smem:$0x3FAF] =	sst s8  }
0x11: {  	[smem:$0x3FB0] =	sst s9;
	s0 =	simm.s32 @!p0 $0x0  }
0x12: {  	s1 =	sld [smem:$0x3F96];
	s0 =	simm.s32 @p0 $0x1  }
0x13: {  	[smem:$0x3FB1] =	sst s0;
	s0 =	simm.s32 @!p1 $0x0  }
0x14: {  	s2 =	sld [smem:$0x3F95];
	s0 =	simm.s32 @p1 $0x1  }
0x15: {  	[smem:$0x3FB2] =	sst s0;
	s0 =	simm.s32 @!p2 $0x0  }
0x16: {  	s3 =	sld [smem:$0x3FDB];
	s0 =	simm.s32 @p2 $0x1  }
0x17: {  	s4 =	simm.s32 $0x1BF5;
	[smem:$0x3FB4] =	sst s0  }
0x18: {  	s0 =	sld [smem:$0x3F97];
	_ =	swait.ge [sflag:s4], $0x0  }
0x19: {  	s7 =	sld [smem:$0x3F98]  }
0x1a: {  	s8 =	sadd.s32 $0xFFFFE003, lr  }
0x1b: {  	s9 =	sadd.s32 $0xFFFFFEF7, lr;
	s5 =	simm.s32 $0xFFFFFFFF;
	p2 =	slt.u32 s8, $0xFFFFF086  }
0x1c: {  	p1 =	slt.u32 s9, $0xF7A;
	s5 =	simm.s32 @!p2 $0x0  }
0x1d: {  	s5 =	simm.s32 @p1 $0x1;
	p0 =	seq.s32 s7, s2  }
0x1e: {  	s7 =	smul.u32 @!p0 $0xF7A, s2;
	p2 =	seq.s32 @!p0 s5, $0x0  }
0x1f: {  	s9 =	smul.u32 $0xF7A, s1;
	s8 =	simm.s32 @!p0 $0x1BF5;
	p2 =	por !p2, p0  }
0x20: {  	[sflag:s8] =	ssyncset.s32 @!p0 $0xFFFFF086;
	s6 =	sadd.s32 @!p0 s3, s7;
	s7 =	simm.s32 @!p0 $0x108  }
0x21: {  	s3 =	sadd.s32 s3, s9;
	s6 =	sadd.s32 @!p0 $0x88, s6;
	s7 =	simm.s32 @p2 $0x1082  }
0x22: {  	[simem:s7], [sflag:s8] =	dma.local @!p0 [hbm:s6], $0xF7A  }
0x23: {  	s9 =	sor.u32 $0xD0000000, s2;
	s6 =	simm.s32 $0x108;
	_ =	swait.ge @!p0 [sflag:s8], $0x0  }
0x24: {  	s3 =	sadd.s32 $0x88, s3;
	s6 =	simm.s32 @!p1 $0x1082;
	[sflag:s4] =	ssyncset.s32 $0xFFFFF086  }
0x25: {  	[simem:s6], [sflag:s4] =	dma.local [hbm:s3], $0xF7A  }
0x26: {  	[smem:$0x3F98] =	sst s1;
	(tag) =	ssettag s2;
	_ =	strace s9  }
0x27: {  	s1 =	sld [smem:$0x3FA8]  }
0x28: {  	s2 =	sld [smem:$0x3FA9]  }
0x29: {  	s4 =	sld [smem:$0x3FAB]  }
0x2a: {  	p0 =	seq.s32 s5, $0x0;
	s5 =	sld [smem:$0x3FAC]  }
0x2b: {  	s6 =	sld [smem:$0x3FAD]  }
0x2c: {  	s7 =	sld [smem:$0x3FAE]  }
0x2d: {  	s3 =	simm.s32 $0x108;
	s8 =	sld [smem:$0x3FAF]  }
0x2e: {  	s3 =	simm.s32 @!p0 $0x1082;
	s9 =	sld [smem:$0x3FB0]  }
0x2f: {  	lr =	sadd.s32 s0, s3;
	s0 =	sld [smem:$0x3FA7]  }
0x30: {  	s3 =	sld [smem:$0x3FAA]  }
0x31: {  	[smem:$0x3FB3] =	sst s10  }
0x32: {  	s10 =	sld [smem:$0x3FB1];
	_ =	sdelay $0x3  }
0x33: {  	p0 =	seq.s32 s10, $0x1;
	s10 =	sld [smem:$0x3FB3];
	_ =	sdelay $0x3  }
0x34: {  	[smem:$0x3FB3] =	sst s10  }
0x35: {  	s10 =	sld [smem:$0x3FB2];
	_ =	sdelay $0x3  }
0x36: {  	p1 =	seq.s32 s10, $0x1;
	s10 =	sld [smem:$0x3FB3];
	_ =	sdelay $0x3  }
0x37: {  	[smem:$0x3FB3] =	sst s10  }
0x38: {  	s10 =	sld [smem:$0x3FB4]  }
0x39: {  	_ = 	snop;
	(pc) =	sbr.ind lr, $3  }
0x3a: {  	_ = 	snop  }
0x3b: {  	_ = 	snop  }
0x3c: {  	p2 =	seq.s32 s10, $0x1;
	s10 =	sld [smem:$0x3FB3]  }
0x3d: {  	_ =	shalt  }
0x3e: {  	_ =	shalt  }
0x3f: {  	_ =	shalt  }
0x40: {  	_ =	shalt  }
0x41: {  	_ =	shalt  }
0x42: {  	_ =	shalt  }
0x43: {  	_ =	shalt  }
0x44: {  	_ =	shalt  }
0x45: {  	_ =	shalt  }
0x46: {  	_ =	shalt  }
0x47: {  	_ =	shalt  }
0x48: {  	_ =	shalt  }
0x49: {  	_ =	shalt  }
0x4a: {  	_ =	shalt  }
0x4b: {  	_ =	shalt  }
0x4c: {  	_ =	shalt  }
0x4d: {  	_ =	shalt  }
0x4e: {  	_ =	shalt  }
0x4f: {  	_ =	shalt  }
0x50: {  	_ =	shalt  }
0x51: {  	_ =	shalt  }
0x52: {  	_ =	shalt  }
0x53: {  	_ =	shalt  }
0x54: {  	_ =	shalt  }
0x55: {  	_ =	shalt  }
0x56: {  	_ =	shalt  }
0x57: {  	_ =	shalt  }
0x58: {  	_ =	shalt  }
0x59: {  	_ =	shalt  }
0x5a: {  	_ =	shalt  }
0x5b: {  	_ =	shalt  }
0x5c: {  	_ =	shalt  }
0x5d: {  	_ =	shalt  }
0x5e: {  	_ =	shalt  }
0x5f: {  	_ =	shalt  }
0x60: {  	_ =	shalt  }
0x61: {  	_ =	shalt  }
0x62: {  	_ =	shalt  }
0x63: {  	_ =	shalt  }
0x64: {  	_ =	shalt  }
0x65: {  	_ =	shalt  }
0x66: {  	_ =	shalt  }
0x67: {  	_ =	shalt  }
0x68: {  	_ =	shalt  }
0x69: {  	_ =	shalt  }
0x6a: {  	_ =	shalt  }
0x6b: {  	_ =	shalt  }
0x6c: {  	_ =	shalt  }
0x6d: {  	_ =	shalt  }
0x6e: {  	_ =	shalt  }
0x6f: {  	_ =	shalt  }
0x70: {  	_ =	shalt  }
0x71: {  	_ =	shalt  }
0x72: {  	_ =	shalt  }
0x73: {  	_ =	shalt  }
0x74: {  	_ =	shalt  }
0x75: {  	_ =	shalt  }
0x76: {  	_ =	shalt  }
0x77: {  	_ =	shalt  }
0x78: {  	_ =	shalt  }
0x79: {  	_ =	shalt  }
0x7a: {  	_ =	shalt  }
0x7b: {  	_ =	shalt  }
0x7c: {  	_ =	shalt  }
0x7d: {  	_ =	shalt  }
0x7e: {  	_ =	shalt  }
0x7f: {  	_ =	shalt  }
0x80: {  	_ =	shalt  }
0x81: {  	_ =	shalt  }
0x82: {  	_ =	shalt  }
0x83: {  	_ =	shalt  }
0x84: {  	_ =	shalt  }
0x85: {  	_ =	shalt  }
0x86: {  	_ =	shalt  }
0x87: {  	_ =	shalt  }
.Lfunc_end0:
.L_simem_size_0:
called_computation_lowered:
.L_overlay_start_0:
0x88: {  	s2 =	sld [smem:$0x3FD9]  }
0x89: {  	s3 =	sld [smem:$0x3FFE];
	_ =	sdelay $0x1  }
0x8a: {  	s1 =	srdreg.scid  }
0x8b: {  	s0 =	sand.u32 $0x1, s1  }
0x8c: {  	s17 =	sshll.u32 s0, $0xA;
	s2 =	sadd.s32 s3, s2  }
0x8d: {  	s2 =	sadd.s32 s2, s17  }
0x8e: {  	[smem:$0x3FBF] =	sst s2  }
0x8f: {  	_ = 	snop  }
0x90: {  	s2 =	sld [smem:$0x3FC9]  }
0x91: {  	s18 =	sld [smem:$0x3FC8]  }
0x92: {  	s4 =	sld [smem:$0x3FC7]  }
0x93: {  	s5 =	sld [smem:$0x3FC6]  }
0x94: {  	s6 =	sld [smem:$0x3FD0];
	(tm) =	ssettm $0x1  }
0x95: {  	s7 =	sld [smem:$0x3FFB];
	_ =	sdelay $0x3  }
0x96: {  	_ =	strace s7  }
0x97: {  	s7 =	sld [smem:$0x3FFC];
	_ =	sdelay $0x3  }
0x98: {  	_ =	strace s7  }
0x99: {  	s7 =	sld [smem:$0x3FFD];
	_ =	sdelay $0x3  }
0x9a: {  	_ =	strace s7  }
0x9b: {  	_ =	strace $0x8FFFFFFF  }
0x9c: {  	s19 =	sld [smem:$0x3FDB];
	_ =	sdelay $0x1  }
0x9d: {  	s8 =	simm.s32 $_scs_section_size  }
0x9e: {  	s9 =	simm.s32 $_size__tile_overlayer_lowered;
	s10 =	simm.s32 $_tile_overlayer_lowered  }
0x9f: {  	s22 =	simm.s32 $0x1BFF;
	s21 =	sshll.u32 s10, $0x1;
	s7 =	sadd.s32 s8, s19  }
0xa0: {  	s11 =	simm.s32 $0x0;
	s20 =	sshll.u32 s9, $0x1;
	s9 =	sadd.s32 s21, s7  }
0xa1: {  	[timem:s11], [sflag:s22] =	dma.local [hbm:s9], s20  }
0xa2: {  	_ =	swait.ge [sflag:s22], s20  }
0xa3: {  	s8 =	ssub.s32 $0x0, s20;
	[sflag:s22] =	ssyncset.done $0x0  }
0xa4: {  	[sflag:s22] =	ssyncadd.s32 s8;
	_ =	sdelay $0x1  }
0xa5: {  	s23 =	simm.s32 $0x1B8B  }
0xa6: {  	_ =	swait.ge [sflag:s23], $0x1  }
0xa7: {  	[sflag:s23] =	ssyncset.done $0x0  }
0xa8: {  	s25 =	simm.s32 $0x1B8E;
	s24 =	sld [smem:$0x3FFE];
	[sflag:s23] =	ssyncadd.s32 $0xFFFFFFFF  }
0xa9: {  	s26 =	simm.s32 $execute0_lowered;
	[smem:$0x3FD2] =	sst s25  }
0xaa: {  	s9 =	sshll.u32 s26, $0x1;
	_ =	strace $0x80000046;
	[dreg:$0x1] =	wrdreg $0xFFFFFFFF  }
0xab: {  	s28 =	simm.s32 $_size_execute0_lowered;
	s7 =	sadd.s32 s7, s9;
	[dreg:$0x0] =	wrdreg $0x0  }
0xac: {  	s9 =	sshll.u32 s28, $0x1;
	[dreg:$0x2] =	wrdreg s7  }
0xad: {  	[dreg:$0x3] =	wrdreg s9  }
0xae: {  	[dreg:$0x4] =	wrdreg $0xC0  }
0xaf: {  	_ =	task [dreg:s11], $0x5FFFF  }
0xb0: {  	[dreg:$0x1] =	wrdreg $0xFFFFFFFF  }
0xb1: {  	[dreg:$0x0] =	wrdreg $0x60  }
0xb2: {  	[dreg:$0x2] =	wrdreg s2  }
0xb3: {  	[dreg:$0x3] =	wrdreg s18  }
0xb4: {  	[dreg:$0x4] =	wrdreg s24  }
0xb5: {  	[dreg:$0x5] =	wrdreg s4  }
0xb6: {  	[dreg:$0x6] =	wrdreg s5  }
0xb7: {  	[dreg:$0x7] =	wrdreg s6  }
0xb8: {  	[dreg:$0x8] =	wrdreg $0x9  }
0xb9: {  	_ =	task.clear_ibuf [dreg:s11], $0x9FFFF;
	_ =	strace $0x90000046  }
0xba: {  	s29 =	simm.s32 $0x9;
	_ =	strace $0x80000048  }
0xbb: {  	_ =	swait.ge [sflag:s29], $0x1  }
0xbc: {  	[sflag:s29] =	ssyncadd.s32 $0xFFFFFFFF  }
0xbd: {  	_ =	strace $0x90000048  }
0xbe: {  	_ =	sfence  }
0xbf: {  	s30 =	sld [smem:$0x0];
	_ =	sdelay $0x2  }
0xc0: {  	s31 =	sshll.u32 s1, $0xD;
	s1 =	sshrl.u32 s1, $0x2  }
0xc1: {  	s3 =	sand.u32 $0x4000, s31;
	s1 =	sadd.s32 s1, s30  }
0xc2: {  	s0 =	sor.u32 s3, s0;
	s1 =	sshll.u32 s1, $0x11  }
0xc3: {  	s0 =	sor.u32 s1, s0  }
0xc4: {  	s0 =	sadd.s32 $0x8F2B, s0  }
0xc5: {  	[sflag:s0] =	ssyncadd.remote.s32 $0x1  }
0xc6: {  	_ =	sfence.sel $0xFFFF  }
0xc7: {  	[dreg:$0x0] =	wrdreg $0xFFFFFFFF;
	(pc) =	sbr.abs _section_cstart, $3  }
0xc8: {  	[dreg:$0x1] =	wrdreg $0xFFFFFFFF  }
0xc9: {  	_ =	task.clear_ibuf [dreg:s11], $0x2FFFF;
	_ =	strace $0x9FFFFFFF  }
0xca: {  	(tm) =	ssettm $0x7FFFFFFF  }
0xcb: {  	_ =	shalt  }
tec
execute0_lowered:
.L_overlay_start_1:
0x0: {  	(tag) =	ssettag $0x1  }
0x1: {  	s0 =	rddreg [dreg:$0x0]  }
0x2: {  	s1 =	rddreg [dreg:$0x1]  }
0x3: {  	s12 =	rddreg [dreg:$0x2]  }
0x4: {  	s2 =	rddreg [dreg:$0x3]  }
0x5: {  	s3 =	rddreg [dreg:$0x4];
	s5 =	simm.s32 $0x0;
	v1 =	vlaneseq.u32  }
0x6: {  	[smem:$0x7FF] =	sst s5;
	v8 =	vor.u32 $0x10, v1  }
0x7: {  	s4 =	rddreg [dreg:$0x5];
	v9 =	vor.u32 $0x20, v1;
	_ =	strace $0x80000047;
	[tilespmem:$0x1FF80] =	vst v8  }
0x8: {  	v10 =	vor.u32 $0x30, v1;
	[tilespmem:$0x1FF90] =	vst v9  }
0x9: {  	v11 =	vor.u32 $0x40, v1;
	[tilespmem:$0x1FFA0] =	vst v10  }
0xa: {  	v0 =	vand.u32 $0x3, v1;
	v12 =	vor.u32 $0x50, v1;
	[tilespmem:$0x1FFB0] =	vst v11  }
0xb: {  	s6 =	srdreg.scid;
	s7 =	stileid.u32;
	s14 =	simm.s32 $0x3;
	v2 =	vmul.u32 $0x80, v1;
	v13 =	vor.u32 $0x60, v1;
	v18 =	vmul.u32 $0x20, v0;
	[tilespmem:$0x1FFC0] =	vst v12  }
0xc: {  	s16 =	simm.s32 $0x400;
	s19 =	simm.s32 $0x80;
	s17 =	simm.s32 $0x7A1400;
	v14 =	vor.u32 $0x70, v1;
	[tilespmem:$0x1FFD0] =	vst v13  }
0xd: {  	s18 =	simm.s32 $0x900;
	s20 =	simm.s32 $0x4900;
	s21 =	simm.s32 $0x1900;
	v19 =	vmul.u32 $0x20, v1;
	[tilespmem:$0x1FFE0] =	vst v14;
	v7 =	vor.u32 $0x800, v2;
	v20 =	vor.u32 $0x1, v18  }
0xe: {  	s22 =	simm.s32 $0x5900;
	s23 =	simm.s32 $0x2900;
	s28 =	simm.s32 $0x1;
	[tilespmem:$0x1FF60] =	vst v2;
	v21 =	vor.u32 $0x2, v18;
	v22 =	vor.u32 $0x3, v18;
	v23 =	vor.u32 $0x4, v18  }
0xf: {  	s29 =	simm.s32 $0x8900;
	s30 =	simm.s32 $0xC900;
	s6 =	sand.u32 $0x1, s6;
	v24 =	vor.u32 $0x5, v18;
	v25 =	vor.u32 $0x6, v18;
	v0 =	vor.u32 $0x19, v18;
	[tilespmem:$0x1FF70] =	vst v7  }
0x10: {  	s31 =	simm.s32 $0x2;
	s7 =	sshll.u32 s7, $0x7;
	s8 =	sshll.u32 s6, $0x6;
	v15 =	vor.u32 $0x7, v18;
	v26 =	vor.u32 $0x9, v18;
	v28 =	vor.u32 $0xA, v18;
	[tilespmem:$0x1FEF0] =	vst v0  }
0x11: {  	s9 =	ssub.s32 $0x2, s6;
	s6 =	sadd.s32 $0x1800, s12;
	s8 =	sor.u32 s8, s7;
	v27 =	vor.u32 $0xB, v18;
	v30 =	vor.u32 $0xC, v18;
	v0 =	vor.u32 $0x1A, v18;
	[tilespmem:$0x1FFF0] =	vst v15  }
0x12: {  	s11 =	sshrl.u32 s9, $0x1;
	s7 =	sadd.s32 $0x20200, s12;
	s10 =	sadd.s32 s8, s12;
	v31 =	vor.u32 $0xD, v18;
	v32 =	vor.u32 $0xE, v18;
	[tilespmem:$0x1FF00] =	vst v0;
	v0 =	vor.u32 $0x1B, v18  }
0x13: {  	s9 =	ssub.s32 s9, s11;
	s0 =	sadd.s32 s0, s8;
	s24 =	sadd.s32 s1, s8;
	v33 =	vor.u32 $0xF, v18;
	v34 =	vor.u32 $0x10, v18;
	[tilespmem:$0x1FF10] =	vst v0;
	v0 =	vor.u32 $0x1C, v18  }
0x14: {  	s12 =	sadd.s32 s4, s8;
	v35 =	vor.u32 $0x11, v18;
	v36 =	vor.u32 $0x12, v18;
	s4 =	simm.s32 $0x0;
	[dreg:$0x7] =	wrdreg s0;
	[tilespmem:$0x1FF20] =	vst v0;
	v0 =	vor.u32 $0x1D, v18  }
0x15: {  	v39 =	vor.u32 $0x8, v18;
	v37 =	vor.u32 $0x13, v18;
	[dreg:$0x8] =	wrdreg s24;
	s25 =	sadd.s32 $0x400, s10;
	s26 =	sadd.s32 $0xE00, s10;
	[tilespmem:$0x1FF30] =	vst v0;
	v0 =	vor.u32 $0x1E, v18  }
0x16: {  	v38 =	vor.u32 $0x14, v18;
	v40 =	vor.u32 $0x15, v18;
	s13 =	smax.u32 s9, $0x1;
	s24 =	simm.s32 $0x6900;
	[dreg:$0x9] =	wrdreg s25;
	[tilespmem:$0x1FF40] =	vst v0;
	v0 =	vor.u32 $0x1F, v18  }
0x17: {  	v41 =	vor.u32 $0x16, v18;
	v42 =	vor.u32 $0x17, v18;
	v43 =	vor.u32 $0x18, v18;
	[dreg:$0xa] =	wrdreg s26;
	s25 =	simm.s32 $0x3900;
	s26 =	simm.s32 $0x7900;
	[tilespmem:$0x1FF50] =	vst v0  }
.LBB2_1:
0x18: {  	s0 =	rddreg [dreg:$0x7]  }
0x19: {  	[tilespmem:s5], [sflag:$0x3] =	stream.linear.gather [hbm4b:s0+s5], $0x200, $0x38;
	[tilespmem:$0x10F80] =	vst v63  }
0x1a: {  	_ =	swait.ge [sflag:s14], $0x200  }
0x1b: {  	[sflag:s14] =	ssyncset.done $0x0  }
0x1c: {  	s1 =	simm.s32 $0x200;
	s10 =	rddreg [dreg:$0x8];
	[sflag:s14] =	ssyncadd.s32 $0xFFFFFE00  }
0x1d: {  	[tilespmem:s1], [sflag:$0x3] =	stream.linear.gather [hbm4b:s10+s5], $0x200, $0x38;
	[tilespmem:$0x10F80] =	vst v63  }
0x1e: {  	_ =	swait.ge [sflag:s14], $0x200  }
0x1f: {  	[sflag:s14] =	ssyncset.done $0x0  }
0x20: {  	s11 =	rddreg [dreg:$0x9];
	[sflag:s14] =	ssyncadd.s32 $0xFFFFFE00  }
0x21: {  	[tilespmem:s16], [sflag:$0x3] =	stream.linear.gather [hbm4b:s11+s5], $0x210, $0x38;
	[tilespmem:$0x10F80] =	vst v63  }
0x22: {  	_ =	swait.ge [sflag:s14], $0x210  }
0x23: {  	[sflag:s14] =	ssyncset.done $0x0  }
0x24: {  	s8 =	simm.s32 $0x680;
	s15 =	rddreg [dreg:$0xa];
	[sflag:s14] =	ssyncadd.s32 $0xFFFFFDF0  }
0x25: {  	[tilespmem:s8], [sflag:$0x3] =	stream.linear.gather [hbm4b:s15+s5], $0x210, $0x38;
	[tilespmem:$0x10F80] =	vst v63  }
0x26: {  	_ =	swait.ge [sflag:s14], $0x210  }
0x27: {  	[sflag:s14] =	ssyncset.done $0x0  }
0x28: {  	[sflag:s14] =	ssyncadd.s32 $0xFFFFFDF0  }
0x29: {  	s10 =	simm.s32 $0x10F00;
	s9 =	rddreg [dreg:$0x2]  }
0x2a: {  	[tilespmem:s10], [sflag:$0x3] =	stream.linear.gather [hbm4b:s9+s5], $0x80, $0x38;
	[tilespmem:$0x10F80] =	vst v63  }
0x2b: {  	_ =	swait.ge [sflag:s14], $0x80  }
0x2c: {  	[sflag:s14] =	ssyncset.done $0x0  }
0x2d: {  	s11 =	simm.s32 $0x10900;
	[sflag:s14] =	ssyncadd.s32 $0xFFFFFF80  }
0x2e: {  	[tilespmem:s11], [sflag:$0x2] =	stream.indirect.gather [hbm4b:s6+s19], $0x1, s5, s19, $0xb8;
	[tilespmem:$0x10F80] =	vst v63  }
0x2f: {  	s15 =	simm.s32 $0x10B00  }
0x30: {  	[tilespmem:s15], [sflag:$0x2] =	stream.indirect.gather [hbm4b:s7+s19], $0x1, s1, s19, $0xb8;
	[tilespmem:$0x10F80] =	vst v63  }
0x31: {  	s8 =	simm.s32 $0x10980  }
0x32: {  	[tilespmem:s8], [sflag:$0x2] =	stream.indirect.gather [hbm4b:s6+s19], $0x1, s19, s19, $0xb8;
	[tilespmem:$0x10F80] =	vst v63  }
0x33: {  	s9 =	simm.s32 $0x280;
	s10 =	simm.s32 $0x10B80  }
0x34: {  	[tilespmem:s10], [sflag:$0x2] =	stream.indirect.gather [hbm4b:s7+s19], $0x1, s9, s19, $0xb8;
	[tilespmem:$0x10F80] =	vst v63  }
0x35: {  	s11 =	simm.s32 $0x100;
	s15 =	simm.s32 $0x10A00  }
0x36: {  	[tilespmem:s15], [sflag:$0x2] =	stream.indirect.gather [hbm4b:s6+s19], $0x1, s11, s19, $0xb8;
	[tilespmem:$0x10F80] =	vst v63  }
0x37: {  	s0 =	simm.s32 $0x682;
	s1 =	simm.s32 $0x300;
	s8 =	simm.s32 $0x10C00  }
0x38: {  	[tilespmem:s8], [sflag:$0x2] =	stream.indirect.gather [hbm4b:s7+s19], $0x1, s1, s19, $0xb8;
	[tilespmem:$0x10F80] =	vst v63  }
0x39: {  	s9 =	simm.s32 $0x180;
	s10 =	simm.s32 $0x10A80;
	s11 =	simm.s32 $0x380  }
0x3a: {  	[tilespmem:s10], [sflag:$0x2] =	stream.indirect.gather [hbm4b:s6+s19], $0x1, s9, s19, $0xb8;
	[tilespmem:$0x10F80] =	vst v63  }
0x3b: {  	s15 =	simm.s32 $0x10C80;
	s1 =	simm.s32 $0x402;
	s8 =	simm.s32 $0x0  }
0x3c: {  	[tilespmem:s15], [sflag:$0x2] =	stream.indirect.gather [hbm4b:s7+s19], $0x1, s11, s19, $0xb8;
	[tilespmem:$0x10F80] =	vst v63  }
.LBB2_2:
0x3d: {  	v0 =	vld [tilespmem:s1+$0xFFFFFFFE];
	_ =	sdelay $0x1  }
0x3e: {  	v3 =	vld [tilespmem:s0+$0xFFFFFFFE];
	_ =	sdelay $0x2  }
0x3f: {  	(v2sf) =	vpush v0, $0x0;
	_ =	sdelay $0x1  }
0x40: {  	(v2sf) =	vpush v3, $0x0;
	_ =	sdelay $0xc  }
0x41: {  	s9 =	spop (v2sf)  }
0x42: {  	s9 =	sand.u32 $0xFFFFF80, s9  }
0x43: {  	s11 =	spop (v2sf);
	s9 =	sadd.s32 s2, s9  }
0x44: {  	[tilespmem:s18], [sflag:$0x1] =	stream.strided.gather [hbm4b:s9+s16], $0x1000, s17, s16, $0x38;
	[tilespmem:$0x10F80] =	vst v63  }
0x45: {  	s9 =	sand.u32 $0xFFFFF80, s11  }
0x46: {  	s9 =	sadd.s32 s3, s9  }
0x47: {  	[tilespmem:s20], [sflag:$0x1] =	stream.strided.gather [hbm4b:s9+s16], $0x1000, s17, s16, $0x38;
	[tilespmem:$0x10F80] =	vst v63  }
0x48: {  	v0 =	vld [tilespmem:s1+$0xFFFFFFFF];
	_ =	sdelay $0x1  }
0x49: {  	v3 =	vld [tilespmem:s0+$0xFFFFFFFF];
	_ =	sdelay $0x2  }
0x4a: {  	(v2sf) =	vpush v0, $0x0;
	_ =	sdelay $0x1  }
0x4b: {  	(v2sf) =	vpush v3, $0x0;
	_ =	sdelay $0xc  }
0x4c: {  	s15 =	spop (v2sf)  }
0x4d: {  	s9 =	sand.u32 $0xFFFFF80, s15  }
0x4e: {  	s10 =	spop (v2sf);
	s9 =	sadd.s32 s2, s9  }
0x4f: {  	[tilespmem:s21], [sflag:$0x1] =	stream.strided.gather [hbm4b:s9+s16], $0x1000, s17, s16, $0x38;
	[tilespmem:$0x10F80] =	vst v63  }
0x50: {  	s9 =	sand.u32 $0xFFFFF80, s10  }
0x51: {  	s9 =	sadd.s32 s3, s9  }
0x52: {  	[tilespmem:s22], [sflag:$0x1] =	stream.strided.gather [hbm4b:s9+s16], $0x1000, s17, s16, $0x38;
	[tilespmem:$0x10F80] =	vst v63  }
0x53: {  	v0 =	vld [tilespmem:s1+$0x0];
	_ =	sdelay $0x1  }
0x54: {  	v3 =	vld [tilespmem:s0+$0x0];
	_ =	sdelay $0x2  }
0x55: {  	(v2sf) =	vpush v0, $0x0;
	_ =	sdelay $0x1  }
0x56: {  	(v2sf) =	vpush v3, $0x0;
	_ =	sdelay $0xc  }
0x57: {  	s11 =	spop (v2sf)  }
0x58: {  	s9 =	sand.u32 $0xFFFFF80, s11  }
0x59: {  	s15 =	spop (v2sf);
	s9 =	sadd.s32 s2, s9  }
0x5a: {  	[tilespmem:s23], [sflag:$0x1] =	stream.strided.gather [hbm4b:s9+s16], $0x1000, s17, s16, $0x38;
	[tilespmem:$0x10F80] =	vst v63  }
0x5b: {  	s9 =	sand.u32 $0xFFFFF80, s15  }
0x5c: {  	s9 =	sadd.s32 s3, s9  }
0x5d: {  	[tilespmem:s24], [sflag:$0x1] =	stream.strided.gather [hbm4b:s9+s16], $0x1000, s17, s16, $0x38;
	[tilespmem:$0x10F80] =	vst v63  }
0x5e: {  	v0 =	vld [tilespmem:s1+$0x1];
	_ =	sdelay $0x1  }
0x5f: {  	v3 =	vld [tilespmem:s0+$0x1];
	_ =	sdelay $0x2  }
0x60: {  	(v2sf) =	vpush v0, $0x0;
	_ =	sdelay $0x1  }
0x61: {  	(v2sf) =	vpush v3, $0x0;
	_ =	sdelay $0xc  }
0x62: {  	s10 =	spop (v2sf)  }
0x63: {  	s9 =	sand.u32 $0xFFFFF80, s10  }
0x64: {  	s11 =	spop (v2sf);
	s9 =	sadd.s32 s2, s9  }
0x65: {  	[tilespmem:s25], [sflag:$0x1] =	stream.strided.gather [hbm4b:s9+s16], $0x1000, s17, s16, $0x38;
	[tilespmem:$0x10F80] =	vst v63  }
0x66: {  	s9 =	sand.u32 $0xFFFFF80, s11  }
0x67: {  	s9 =	sadd.s32 s3, s9  }
0x68: {  	[tilespmem:s26], [sflag:$0x1] =	stream.strided.gather [hbm4b:s9+s16], $0x1000, s17, s16, $0x38;
	[tilespmem:$0x10F80] =	vst v63  }
0x69: {  	_ =	swait.ge [sflag:s28], $0x1000  }
0x6a: {  	[sflag:s28] =	ssyncset.done $0x0  }
0x6b: {  	[sflag:s28] =	ssyncadd.s32 $0xFFFFF000  }
0x6c: {  	_ =	swait.ge [sflag:s28], $0x1000  }
0x6d: {  	[sflag:s28] =	ssyncset.done $0x0  }
0x6e: {  	[sflag:s28] =	ssyncadd.s32 $0xFFFFF000  }
0x6f: {  	_ =	swait.ge [sflag:s28], $0x1000  }
0x70: {  	[sflag:s28] =	ssyncset.done $0x0  }
0x71: {  	[sflag:s28] =	ssyncadd.s32 $0xFFFFF000  }
0x72: {  	_ =	swait.ge [sflag:s28], $0x1000  }
0x73: {  	[sflag:s28] =	ssyncset.done $0x0  }
0x74: {  	[sflag:s28] =	ssyncadd.s32 $0xFFFFF000  }
0x75: {  	_ =	swait.ge [sflag:s28], $0x1000  }
0x76: {  	[sflag:s28] =	ssyncset.done $0x0  }
0x77: {  	[sflag:s28] =	ssyncadd.s32 $0xFFFFF000  }
0x78: {  	_ =	swait.ge [sflag:s28], $0x1000  }
0x79: {  	[sflag:s28] =	ssyncset.done $0x0  }
0x7a: {  	[sflag:s28] =	ssyncadd.s32 $0xFFFFF000  }
0x7b: {  	_ =	swait.ge [sflag:s28], $0x1000  }
0x7c: {  	[sflag:s28] =	ssyncset.done $0x0  }
0x7d: {  	[sflag:s28] =	ssyncadd.s32 $0xFFFFF000  }
0x7e: {  	_ =	swait.ge [sflag:s28], $0x1000  }
0x7f: {  	[sflag:s28] =	ssyncset.done $0x0  }
0x80: {  	[sflag:s28] =	ssyncadd.s32 $0xFFFFF000  }
0x81: {  	v0 =	vld [tilespmem:s1+$0xFFFFFFFE]  }
0x82: {  	v3 =	vld [tilespmem:s0+$0xFFFFFFFE];
	_ =	sdelay $0x3  }
0x83: {  	(v2sf) =	vpush v0, $0x0  }
0x84: {  	(v2sf) =	vpush v3, $0x0;
	_ =	sdelay $0xd  }
0x85: {  	s15 =	spop (v2sf)  }
0x86: {  	s10 =	spop (v2sf);
	s11 =	sand.u32 $0x7F, s15  }
0x87: {  	s10 =	sand.u32 $0x7F, s10;
	v0 =	vor.u32 s11, v2  }
0x88: {  	v3 =	vor.u32 s10, v2;
	_ =	sdelay $0x2  }
0x89: {  	s9 =	sshll.u32 s8, $0x7  }
0x8a: {  	v4 =	vor.u32 s9, v1;
	v0 =	vld.idx.msk [tilespmem:v0+s18+$0x0], $0xffff  }
0x8b: {  	v3 =	vld.idx.msk [tilespmem:v3+s20+$0x0], $0xffff  }
0x8c: {  	v5 =	vor.u32 s11, v7  }
0x8d: {  	v6 =	vor.u32 s10, v7;
	_ =	sdelay $0x1  }
0x8e: {  	[tilespmem:v4+s29+$0x0] =	vst.idx.msk $0xffff, v0  }
0x8f: {  	[tilespmem:v4+s30+$0x0] =	vst.idx.msk $0xffff, v3  }
0x90: {  	v3 =	vor.u32 s9, v8;
	v0 =	vld.idx.msk [tilespmem:v5+s18+$0x0], $0xffff  }
0x91: {  	v4 =	vld.idx.msk [tilespmem:v6+s20+$0x0], $0xffff;
	_ =	sdelay $0x3  }
0x92: {  	[tilespmem:v3+s29+$0x0] =	vst.idx.msk $0xffff, v0  }
0x93: {  	[tilespmem:v3+s30+$0x0] =	vst.idx.msk $0xffff, v4  }
0x94: {  	v0 =	vld [tilespmem:s1+$0xFFFFFFFF]  }
0x95: {  	v3 =	vld [tilespmem:s0+$0xFFFFFFFF];
	_ =	sdelay $0x3  }
0x96: {  	(v2sf) =	vpush v0, $0x0  }
0x97: {  	(v2sf) =	vpush v3, $0x0;
	_ =	sdelay $0xd  }
0x98: {  	s11 =	spop (v2sf)  }
0x99: {  	s15 =	spop (v2sf);
	s10 =	sand.u32 $0x7F, s11  }
0x9a: {  	s11 =	sand.u32 $0x7F, s15;
	v0 =	vor.u32 s10, v2  }
0x9b: {  	v3 =	vor.u32 s11, v2;
	_ =	sdelay $0x3  }
0x9c: {  	v4 =	vor.u32 s9, v9;
	v0 =	vld.idx.msk [tilespmem:v0+s21+$0x0], $0xffff  }
0x9d: {  	v3 =	vld.idx.msk [tilespmem:v3+s22+$0x0], $0xffff  }
0x9e: {  	v5 =	vor.u32 s10, v7  }
0x9f: {  	v6 =	vor.u32 s11, v7;
	_ =	sdelay $0x1  }
0xa0: {  	[tilespmem:v4+s29+$0x0] =	vst.idx.msk $0xffff, v0  }
0xa1: {  	[tilespmem:v4+s30+$0x0] =	vst.idx.msk $0xffff, v3  }
0xa2: {  	v3 =	vor.u32 s9, v10;
	v0 =	vld.idx.msk [tilespmem:v5+s21+$0x0], $0xffff  }
0xa3: {  	v4 =	vld.idx.msk [tilespmem:v6+s22+$0x0], $0xffff;
	_ =	sdelay $0x3  }
0xa4: {  	[tilespmem:v3+s29+$0x0] =	vst.idx.msk $0xffff, v0  }
0xa5: {  	[tilespmem:v3+s30+$0x0] =	vst.idx.msk $0xffff, v4  }
0xa6: {  	v0 =	vld [tilespmem:s1+$0x0]  }
0xa7: {  	v3 =	vld [tilespmem:s0+$0x0];
	_ =	sdelay $0x3  }
0xa8: {  	(v2sf) =	vpush v0, $0x0  }
0xa9: {  	(v2sf) =	vpush v3, $0x0;
	_ =	sdelay $0xd  }
0xaa: {  	s11 =	spop (v2sf)  }
0xab: {  	s15 =	spop (v2sf);
	s10 =	sand.u32 $0x7F, s11  }
0xac: {  	s11 =	sand.u32 $0x7F, s15;
	v0 =	vor.u32 s10, v2  }
0xad: {  	v3 =	vor.u32 s11, v2;
	_ =	sdelay $0x3  }
0xae: {  	v4 =	vor.u32 s9, v11;
	v0 =	vld.idx.msk [tilespmem:v0+s23+$0x0], $0xffff  }
0xaf: {  	v3 =	vld.idx.msk [tilespmem:v3+s24+$0x0], $0xffff  }
0xb0: {  	v5 =	vor.u32 s10, v7  }
0xb1: {  	v6 =	vor.u32 s11, v7;
	_ =	sdelay $0x1  }
0xb2: {  	[tilespmem:v4+s29+$0x0] =	vst.idx.msk $0xffff, v0  }
0xb3: {  	[tilespmem:v4+s30+$0x0] =	vst.idx.msk $0xffff, v3  }
0xb4: {  	v3 =	vor.u32 s9, v12;
	v0 =	vld.idx.msk [tilespmem:v5+s23+$0x0], $0xffff  }
0xb5: {  	v4 =	vld.idx.msk [tilespmem:v6+s24+$0x0], $0xffff;
	_ =	sdelay $0x3  }
0xb6: {  	[tilespmem:v3+s29+$0x0] =	vst.idx.msk $0xffff, v0  }
0xb7: {  	[tilespmem:v3+s30+$0x0] =	vst.idx.msk $0xffff, v4  }
0xb8: {  	v0 =	vld [tilespmem:s1+$0x1]  }
0xb9: {  	v3 =	vld [tilespmem:s0+$0x1];
	_ =	sdelay $0x3  }
0xba: {  	(v2sf) =	vpush v0, $0x0  }
0xbb: {  	(v2sf) =	vpush v3, $0x0;
	_ =	sdelay $0xd  }
0xbc: {  	s11 =	spop (v2sf)  }
0xbd: {  	s15 =	spop (v2sf);
	s10 =	sand.u32 $0x7F, s11  }
0xbe: {  	s11 =	sand.u32 $0x7F, s15;
	v0 =	vor.u32 s10, v2  }
0xbf: {  	v3 =	vor.u32 s11, v2;
	_ =	sdelay $0x3  }
0xc0: {  	v4 =	vor.u32 s9, v13;
	v0 =	vld.idx.msk [tilespmem:v0+s25+$0x0], $0xffff  }
0xc1: {  	v3 =	vld.idx.msk [tilespmem:v3+s26+$0x0], $0xffff  }
0xc2: {  	v5 =	vor.u32 s10, v7  }
0xc3: {  	v6 =	vor.u32 s11, v7;
	_ =	sdelay $0x1  }
0xc4: {  	[tilespmem:v4+s29+$0x0] =	vst.idx.msk $0xffff, v0  }
0xc5: {  	[tilespmem:v4+s30+$0x0] =	vst.idx.msk $0xffff, v3  }
0xc6: {  	v3 =	vor.u32 s9, v14;
	v0 =	vld.idx.msk [tilespmem:v5+s25+$0x0], $0xffff  }
0xc7: {  	p0 =	sne.s32 s8, $0x7F;
	v4 =	vld.idx.msk [tilespmem:v6+s26+$0x0], $0xffff  }
.Ltmp0:
0xc8: {  	_ = 	snop;
	(pc) =	sbr.rel @p0 .LBB2_2-.Ltmp0, $3  }
0xc9: {  	_ =	sdelay $0x1  }
0xca: {  	[tilespmem:v3+s29+$0x0] =	vst.idx.msk $0xffff, v0  }
0xcb: {  	s8 =	sadd.s32 $0x1, s8;
	s0 =	sadd.s32 $0x4, s0;
	s1 =	sadd.s32 $0x4, s1;
	[tilespmem:v3+s30+$0x0] =	vst.idx.msk $0xffff, v4  }
0xcc: {  	_ =	swait.ge [sflag:s31], $0x80  }
0xcd: {  	[sflag:s31] =	ssyncset.done $0x0  }
0xce: {  	[sflag:s31] =	ssyncadd.s32 $0xFFFFFF80  }
0xcf: {  	_ =	swait.ge [sflag:s31], $0x80  }
0xd0: {  	[sflag:s31] =	ssyncset.done $0x0  }
0xd1: {  	[sflag:s31] =	ssyncadd.s32 $0xFFFFFF80  }
0xd2: {  	_ =	swait.ge [sflag:s31], $0x80  }
0xd3: {  	[sflag:s31] =	ssyncset.done $0x0  }
0xd4: {  	[sflag:s31] =	ssyncadd.s32 $0xFFFFFF80  }
0xd5: {  	_ =	swait.ge [sflag:s31], $0x80  }
0xd6: {  	[sflag:s31] =	ssyncset.done $0x0  }
0xd7: {  	[sflag:s31] =	ssyncadd.s32 $0xFFFFFF80  }
0xd8: {  	_ =	swait.ge [sflag:s31], $0x80  }
0xd9: {  	[sflag:s31] =	ssyncset.done $0x0  }
0xda: {  	s0 =	simm.s32 $0x0;
	[sflag:s31] =	ssyncadd.s32 $0xFFFFFF80  }
0xdb: {  	v0 =	vmov s0;
	_ =	swait.ge [sflag:s31], $0x80  }
0xdc: {  	v0 =	vshll.u32 v0, $0x5;
	[sflag:s31] =	ssyncset.done $0x0  }
0xdd: {  	v0 =	vor.u32 v19, v0;
	[sflag:s31] =	ssyncadd.s32 $0xFFFFFF80  }
0xde: {  	v0 =	vand.u32 $0x3F80, v0;
	_ =	swait.ge [sflag:s31], $0x80  }
0xdf: {  	v3 =	vor.u32 v20, v0;
	[sflag:s31] =	ssyncset.done $0x0  }
0xe0: {  	[sflag:s31] =	ssyncadd.s32 $0xFFFFFF80  }
0xe1: {  	v4 =	vor.u32 v18, v0;
	_ =	swait.ge [sflag:s31], $0x80  }
0xe2: {  	[sflag:s31] =	ssyncset.done $0x0  }
0xe3: {  	v5 =	vor.u32 v21, v0;
	[sflag:s31] =	ssyncadd.s32 $0xFFFFFF80  }
0xe4: {  	v1 =	vld.idx.msk [tilespmem:v3+s30+$0x0], $0xffff  }
0xe5: {  	v62 =	vor.u32 v23, v0;
	v2 =	vld.idx.msk [tilespmem:v3+s29+$0x0], $0xffff  }
0xe6: {  	v6 =	vld.idx.msk [tilespmem:v4+s29+$0x0], $0xffff  }
0xe7: {  	v3 =	vor.u32 v22, v0;
	v9 =	vld.idx.msk [tilespmem:v4+s30+$0x0], $0xffff  }
0xe8: {  	v14 =	vld.idx.msk [tilespmem:v5+s29+$0x0], $0xffff  }
0xe9: {  	v63 =	vor.u32 v24, v0;
	v12 =	vld.idx.msk [tilespmem:v5+s30+$0x0], $0xffff  }
0xea: {  	v45 =	vor.u32 v39, v0;
	v11 =	vld.idx.msk [tilespmem:v62+s29+$0x0], $0xffff  }
0xeb: {  	v13 =	vld.idx.msk [tilespmem:v62+s30+$0x0], $0xffff;
	[tilespmem:$0x1FC20] =	vst v6  }
0xec: {  	v48 =	vor.u32 v15, v0;
	[tilespmem:$0x1FC30] =	vst v9;
	v7 =	vld.idx.msk [tilespmem:v3+s29+$0x0], $0xffff  }
0xed: {  	[tilespmem:$0x1FC40] =	vst v14;
	v10 =	vld.idx.msk [tilespmem:v3+s30+$0x0], $0xffff;
	v3 =	vor.u32 v25, v0;
	v6 =	vmul.f32 v6, v6  }
0xee: {  	[tilespmem:$0x1FC50] =	vst v12;
	v8 =	vmul.f32 v2, v2;
	v49 =	vmul.f32 v12, v12;
	v12 =	vld.idx.msk [tilespmem:v63+s30+$0x0], $0xffff  }
0xef: {  	[tilespmem:$0x1FC80] =	vst v11;
	v9 =	vmul.f32 v9, v9;
	v53 =	vmul.f32 v11, v11;
	v11 =	vld.idx.msk [tilespmem:v45+s29+$0x0], $0xffff  }
0xf0: {  	v44 =	vmul.f32 v1, v1;
	v6 =	vadd.f32 v8, v6;
	v8 =	vmul.f32 v14, v14;
	v14 =	vld.idx.msk [tilespmem:v63+s29+$0x0], $0xffff  }
0xf1: {  	v52 =	vor.u32 v26, v0;
	v60 =	vor.u32 v30, v0;
	[tilespmem:$0x1FC90] =	vst v13  }
0xf2: {  	v9 =	vadd.f32 v44, v9;
	v63 =	vor.u32 v31, v0;
	[tilespmem:$0x1FC60] =	vst v10;
	v17 =	vld.idx.msk [tilespmem:v3+s29+$0x0], $0xffff  }
0xf3: {  	v50 =	vadd.f32 v8, v6;
	[tilespmem:$0x1FCB0] =	vst v12;
	v51 =	vmul.f32 v7, v7;
	v16 =	vld.idx.msk [tilespmem:v3+s30+$0x0], $0xffff  }
0xf4: {  	v8 =	vadd.f32 v49, v9;
	v9 =	vmul.f32 v10, v10;
	v10 =	vld.idx.msk [tilespmem:v48+s29+$0x0], $0xffff;
	[tilespmem:$0x1FD00] =	vst v11  }
0xf5: {  	v57 =	vmul.f32 v12, v12;
	v12 =	vld.idx.msk [tilespmem:v45+s30+$0x0], $0xffff;
	[tilespmem:$0x1FCA0] =	vst v14;
	v3 =	vadd.f32 v51, v50  }
0xf6: {  	v54 =	vadd.f32 v9, v8;
	v8 =	vmul.f32 v13, v13;
	v9 =	vor.u32 v28, v0;
	v13 =	vld.idx.msk [tilespmem:v48+s30+$0x0], $0xffff  }
0xf7: {  	v55 =	vmul.f32 v14, v14;
	v14 =	vld.idx.msk [tilespmem:v52+s30+$0x0], $0xffff;
	v48 =	vmul.f32 v11, v11;
	[tilespmem:$0x1FCC0] =	vst v17  }
0xf8: {  	v15 =	vld [tilespmem:$0x1FF30];
	v3 =	vadd.f32 v53, v3;
	v56 =	vadd.f32 v8, v54;
	v8 =	vor.u32 v27, v0;
	[tilespmem:$0x1FCD0] =	vst v16  }
0xf9: {  	v54 =	vor.u32 v34, v0;
	[tilespmem:$0x1FCE0] =	vst v10;
	v58 =	vmul.f32 v17, v17;
	v17 =	vld.idx.msk [tilespmem:v52+s29+$0x0], $0xffff  }
0xfa: {  	[tilespmem:$0x1FD10] =	vst v12;
	v59 =	vmul.f32 v16, v16;
	v61 =	vmul.f32 v10, v10;
	v16 =	vld.idx.msk [tilespmem:v60+s29+$0x0], $0xffff  }
0xfb: {  	v49 =	vmul.f32 v12, v12;
	v3 =	vadd.f32 v55, v3;
	v5 =	vadd.f32 v57, v56;
	v10 =	vld.idx.msk [tilespmem:v9+s29+$0x0], $0xffff  }
0xfc: {  	v57 =	vor.u32 v35, v0;
	[tilespmem:$0x1FCF0] =	vst v13;
	v62 =	vmul.f32 v13, v13;
	v13 =	vld.idx.msk [tilespmem:v9+s30+$0x0], $0xffff  }
0xfd: {  	[tilespmem:$0x1FD30] =	vst v14;
	v51 =	vmul.f32 v14, v14;
	v14 =	vld.idx.msk [tilespmem:v60+s30+$0x0], $0xffff;
	v3 =	vadd.f32 v58, v3  }
0xfe: {  	v9 =	vor.u32 v32, v0;
	v5 =	vadd.f32 v59, v5;
	v11 =	vld.idx.msk [tilespmem:v8+s29+$0x0], $0xffff;
	[tilespmem:$0x1FD20] =	vst v17  }
0xff: {  	v12 =	vld.idx.msk [tilespmem:v8+s30+$0x0], $0xffff;
	v8 =	vor.u32 v33, v0;
	v3 =	vadd.f32 v61, v3;
	[tilespmem:$0x1FD80] =	vst v16  }
0x100: {  	v5 =	vadd.f32 v62, v5;
	[tilespmem:$0x1FD40] =	vst v10;
	v52 =	vmul.f32 v10, v10;
	v10 =	vld.idx.msk [tilespmem:v63+s29+$0x0], $0xffff  }
0x101: {  	v50 =	vmul.f32 v17, v17;
	[tilespmem:$0x1FD50] =	vst v13;
	v53 =	vmul.f32 v13, v13;
	v13 =	vld.idx.msk [tilespmem:v63+s30+$0x0], $0xffff  }
0x102: {  	v58 =	vmul.f32 v16, v16;
	v5 =	vadd.f32 v49, v5;
	[tilespmem:$0x1FD90] =	vst v14;
	v49 =	vld.idx.msk [tilespmem:v57+s30+$0x0], $0xffff  }
0x103: {  	v3 =	vadd.f32 v48, v3;
	[tilespmem:$0x1FD60] =	vst v11;
	v55 =	vmul.f32 v11, v11;
	v11 =	vld.idx.msk [tilespmem:v9+s29+$0x0], $0xffff  }
0x104: {  	[tilespmem:$0x1FD70] =	vst v12;
	v5 =	vadd.f32 v51, v5;
	v56 =	vmul.f32 v12, v12;
	v12 =	vld.idx.msk [tilespmem:v9+s30+$0x0], $0xffff  }
0x105: {  	v59 =	vmul.f32 v14, v14;
	v3 =	vadd.f32 v50, v3;
	v16 =	vld.idx.msk [tilespmem:v8+s29+$0x0], $0xffff;
	v9 =	vor.u32 v36, v0  }
0x106: {  	v48 =	vor.u32 v38, v0;
	v14 =	vld.idx.msk [tilespmem:v8+s30+$0x0], $0xffff;
	v8 =	vor.u32 v37, v0;
	v5 =	vadd.f32 v53, v5  }
0x107: {  	v3 =	vadd.f32 v52, v3;
	[tilespmem:$0x1FDA0] =	vst v10;
	v60 =	vmul.f32 v10, v10;
	v10 =	vld.idx.msk [tilespmem:v54+s29+$0x0], $0xffff  }
0x108: {  	[tilespmem:$0x1FDB0] =	vst v13;
	v61 =	vmul.f32 v13, v13;
	v13 =	vld.idx.msk [tilespmem:v54+s30+$0x0], $0xffff;
	v5 =	vadd.f32 v56, v5  }
0x109: {  	v52 =	vor.u32 v40, v0;
	[tilespmem:$0x1FDC0] =	vst v11;
	v62 =	vmul.f32 v11, v11;
	v11 =	vld.idx.msk [tilespmem:v57+s29+$0x0], $0xffff  }
0x10a: {  	v3 =	vadd.f32 v55, v3;
	[tilespmem:$0x1FDE0] =	vst v16;
	v17 =	vld.idx.msk [tilespmem:v9+s29+$0x0], $0xffff;
	v5 =	vadd.f32 v59, v5  }
0x10b: {  	v56 =	vmul.f32 v49, v49;
	[tilespmem:$0x1FDF0] =	vst v14;
	v51 =	vmul.f32 v14, v14;
	v14 =	vld.idx.msk [tilespmem:v9+s30+$0x0], $0xffff  }
0x10c: {  	v63 =	vmul.f32 v12, v12;
	v50 =	vmul.f32 v16, v16;
	v16 =	vld.idx.msk [tilespmem:v8+s30+$0x0], $0xffff;
	v5 =	vadd.f32 v61, v5  }
0x10d: {  	[tilespmem:$0x1FDD0] =	vst v12;
	v9 =	vor.u32 v41, v0;
	v12 =	vld.idx.msk [tilespmem:v48+s30+$0x0], $0xffff;
	v3 =	vadd.f32 v58, v3  }
0x10e: {  	[tilespmem:$0x1FE00] =	vst v10;
	v53 =	vmul.f32 v10, v10;
	v10 =	vld.idx.msk [tilespmem:v8+s29+$0x0], $0xffff;
	v5 =	vadd.f32 v63, v5  }
0x10f: {  	[tilespmem:$0x1FE10] =	vst v13;
	v3 =	vadd.f32 v60, v3;
	v54 =	vmul.f32 v13, v13;
	v13 =	vld.idx.msk [tilespmem:v48+s29+$0x0], $0xffff  }
0x110: {  	[tilespmem:$0x1FE40] =	vst v17;
	v57 =	vmul.f32 v17, v17;
	v17 =	vld.idx.msk [tilespmem:v52+s29+$0x0], $0xffff;
	v5 =	vadd.f32 v51, v5  }
0x111: {  	v59 =	vor.u32 v43, v0;
	[tilespmem:$0x1FE50] =	vst v14;
	v58 =	vmul.f32 v14, v14;
	v14 =	vld.idx.msk [tilespmem:v52+s30+$0x0], $0xffff  }
0x112: {  	[tilespmem:$0x1FE20] =	vst v11;
	v3 =	vadd.f32 v62, v3;
	v55 =	vmul.f32 v11, v11;
	v11 =	vld [tilespmem:$0x1FEF0];
	v5 =	vadd.f32 v54, v5  }
0x113: {  	[tilespmem:$0x1FE30] =	vst v49;
	v8 =	vor.u32 v42, v0;
	v29 =	vld.idx.msk [tilespmem:v9+s30+$0x0], $0xffff  }
0x114: {  	[tilespmem:$0x1FE70] =	vst v16;
	v63 =	vmul.f32 v16, v16;
	v16 =	vld [tilespmem:$0x1FF40];
	v3 =	vadd.f32 v50, v3;
	v5 =	vadd.f32 v56, v5  }
0x115: {  	[tilespmem:$0x1FE90] =	vst v12;
	v50 =	vmul.f32 v12, v12;
	v12 =	vld [tilespmem:$0x1FF00]  }
0x116: {  	v60 =	vld.idx.msk [tilespmem:v59+s29+$0x0], $0xffff;
	[tilespmem:$0x1FE60] =	vst v10;
	v3 =	vadd.f32 v53, v3;
	v5 =	vadd.f32 v58, v5  }
0x117: {  	[tilespmem:$0x1FE80] =	vst v13;
	v49 =	vmul.f32 v13, v13;
	v13 =	vld [tilespmem:$0x1FF10]  }
0x118: {  	v61 =	vld.idx.msk [tilespmem:v8+s30+$0x0], $0xffff;
	v48 =	vor.u32 v11, v0;
	v3 =	vadd.f32 v55, v3;
	v5 =	vadd.f32 v63, v5  }
0x119: {  	v62 =	vmul.f32 v10, v10;
	[tilespmem:$0x1FEB0] =	vst v14;
	v52 =	vmul.f32 v14, v14;
	v14 =	vld [tilespmem:$0x1FF20]  }
0x11a: {  	v10 =	vld.idx.msk [tilespmem:v9+s29+$0x0], $0xffff;
	v9 =	vor.u32 v12, v0;
	v3 =	vadd.f32 v57, v3;
	v5 =	vadd.f32 v50, v5  }
0x11b: {  	[tilespmem:$0x1FC70] =	vst v7;
	v45 =	vmul.f32 v29, v29;
	v58 =	vld.idx.msk [tilespmem:v59+s30+$0x0], $0xffff  }
0x11c: {  	v7 =	vld.idx.msk [tilespmem:v8+s29+$0x0], $0xffff;
	v8 =	vor.u32 v13, v0;
	v3 =	vadd.f32 v62, v3;
	v5 =	vadd.f32 v52, v5  }
0x11d: {  	v51 =	vmul.f32 v17, v17;
	v47 =	vmul.f32 v61, v61;
	v56 =	vld.idx.msk [tilespmem:v48+s30+$0x0], $0xffff  }
0x11e: {  	[tilespmem:$0x1FEA0] =	vst v17;
	v17 =	vld [tilespmem:$0x1FF50];
	v62 =	vor.u32 v14, v0;
	v3 =	vadd.f32 v49, v3;
	v5 =	vadd.f32 v45, v5  }
0x11f: {  	[tilespmem:$0x1FEC0] =	vst v10;
	v53 =	vmul.f32 v10, v10;
	v10 =	vor.u32 v15, v0;
	v54 =	vld.idx.msk [tilespmem:v9+s30+$0x0], $0xffff  }
0x120: {  	v57 =	vld.idx.msk [tilespmem:v9+s29+$0x0], $0xffff;
	v49 =	vmul.f32 v58, v58;
	v3 =	vadd.f32 v51, v3;
	v5 =	vadd.f32 v47, v5  }
0x121: {  	v46 =	vmul.f32 v7, v7;
	v9 =	vor.u32 v16, v0;
	v63 =	vld.idx.msk [tilespmem:v8+s30+$0x0], $0xffff  }
0x122: {  	v59 =	vld.idx.msk [tilespmem:v48+s29+$0x0], $0xffff;
	v50 =	vmul.f32 v56, v56;
	v3 =	vadd.f32 v53, v3;
	v5 =	vadd.f32 v49, v5  }
0x123: {  	v48 =	vmul.f32 v60, v60;
	v0 =	vor.u32 v17, v0;
	v52 =	vld.idx.msk [tilespmem:v62+s30+$0x0], $0xffff  }
0x124: {  	v44 =	vmul.f32 v54, v54;
	v3 =	vadd.f32 v46, v3;
	v5 =	vadd.f32 v50, v5  }
0x125: {  	v50 =	vld.idx.msk [tilespmem:v10+s30+$0x0], $0xffff  }
0x126: {  	v45 =	vmul.f32 v63, v63;
	v4 =	vadd.f32 v48, v3;
	v3 =	vadd.f32 v44, v5  }
0x127: {  	v49 =	vld.idx.msk [tilespmem:v9+s30+$0x0], $0xffff  }
0x128: {  	v6 =	vmul.f32 v52, v52;
	v3 =	vadd.f32 v45, v3  }
0x129: {  	v47 =	vld.idx.msk [tilespmem:v0+s30+$0x0], $0xffff  }
0x12a: {  	v55 =	vld.idx.msk [tilespmem:v8+s29+$0x0], $0xffff;
	v46 =	vmul.f32 v50, v50;
	v3 =	vadd.f32 v6, v3  }
0x12b: {  	v8 =	vmul.f32 v59, v59  }
0x12c: {  	v53 =	vld.idx.msk [tilespmem:v62+s29+$0x0], $0xffff;
	v45 =	vmul.f32 v49, v49;
	v3 =	vadd.f32 v46, v3  }
0x12d: {  	v4 =	vadd.f32 v8, v4;
	v8 =	vmul.f32 v57, v57  }
0x12e: {  	v62 =	vld.idx.msk [tilespmem:v10+s29+$0x0], $0xffff;
	v6 =	vmul.f32 v47, v47;
	v3 =	vadd.f32 v45, v3  }
0x12f: {  	v10 =	vmul.f32 v55, v55;
	v8 =	vadd.f32 v8, v4  }
0x130: {  	v51 =	vld.idx.msk [tilespmem:v9+s29+$0x0], $0xffff;
	v45 =	vadd.f32 v6, v3  }
0x131: {  	v9 =	vmul.f32 v53, v53;
	v4 =	vadd.f32 v10, v8  }
0x132: {  	v48 =	vld.idx.msk [tilespmem:v0+s29+$0x0], $0xffff;
	v6 =	vadd.f32 $1.000000000e-30, v45  }
0x133: {  	v0 =	vmul.f32 v62, v62;
	v4 =	vadd.f32 v9, v4;
	v9 =	vld [tilespmem:$0x1FC30]  }
0x134: {  	v3 =	vshra.s32 v6, $0x1;
	v8 =	vmul.f32 $5.000000000e-01, v6;
	v6 =	vld [tilespmem:$0x1FC20]  }
0x135: {  	v44 =	vmul.f32 v51, v51;
	v0 =	vadd.f32 v0, v4;
	_ =	sdelay $0x1  }
0x136: {  	v46 =	vmul.f32 v48, v48;
	v0 =	vadd.f32 v44, v0;
	_ =	sdelay $0x1  }
0x137: {  	v46 =	vadd.f32 v46, v0;
	v6 =	vmul.f32 v9, v6;
	v9 =	vmul.f32 v1, v2;
	v1 =	vld [tilespmem:$0x1FC40]  }
0x138: {  	v2 =	vld [tilespmem:$0x1FC50]  }
0x139: {  	v4 =	vadd.f32 $1.000000000e-30, v46;
	_ =	sdelay $0x1  }
0x13a: {  	v0 =	vshra.s32 v4, $0x1;
	v44 =	vmul.f32 $5.000000000e-01, v4  }
0x13b: {  	v0 =	vsub.s32 $0x5F3759DF, v0  }
0x13c: {  	v4 =	vmul.f32 v0, v44;
	v10 =	vmul.f32 v2, v1;
	v1 =	vld [tilespmem:$0x1FC60]  }
0x13d: {  	v2 =	vld [tilespmem:$0x1FC70]  }
0x13e: {  	v4 =	vmul.f32 v0, v4;
	_ =	sdelay $0x1  }
0x13f: {  	v3 =	vsub.s32 $0x5F3759DF, v3;
	v4 =	vsub.f32 $1.500000000e+00, v4  }
0x140: {  	v5 =	vmul.f32 v3, v8  }
0x141: {  	v0 =	vmul.f32 v0, v4;
	v4 =	vmul.f32 v1, v2;
	v1 =	vld [tilespmem:$0x1FC80]  }
0x142: {  	v2 =	vld [tilespmem:$0x1FC90]  }
0x143: {  	v5 =	vmul.f32 v3, v5;
	v6 =	vadd.f32 $0.0e+00, v6;
	_ =	sdelay $0x1  }
0x144: {  	v5 =	vsub.f32 $1.500000000e+00, v5;
	v6 =	vadd.f32 v9, v6;
	_ =	sdelay $0x1  }
0x145: {  	v3 =	vmul.f32 v3, v5;
	v5 =	vadd.f32 v10, v6;
	v10 =	vmul.f32 v2, v1;
	v1 =	vld [tilespmem:$0x1FCA0]  }
0x146: {  	v2 =	vld [tilespmem:$0x1FCB0];
	_ =	sdelay $0x1  }
0x147: {  	v6 =	vmul.f32 v0, v44  }
0x148: {  	v9 =	vmul.f32 v3, v8  }
0x149: {  	v4 =	vadd.f32 v4, v5;
	v5 =	vmul.f32 v6, v0  }
0x14a: {  	v6 =	vmul.f32 v9, v3;
	v9 =	vmul.f32 v2, v1;
	v1 =	vld [tilespmem:$0x1FCC0]  }
0x14b: {  	v2 =	vld [tilespmem:$0x1FCD0];
	_ =	sdelay $0x4  }
0x14c: {  	v4 =	vadd.f32 v10, v4;
	v10 =	vmul.f32 v2, v1;
	v1 =	vld [tilespmem:$0x1FCE0]  }
0x14d: {  	v2 =	vld [tilespmem:$0x1FCF0];
	_ =	sdelay $0x2  }
0x14e: {  	v5 =	vsub.f32 $1.500000000e+00, v5;
	_ =	sdelay $0x1  }
0x14f: {  	v0 =	vmul.f32 v5, v0;
	v5 =	vmul.f32 v2, v1;
	v1 =	vld [tilespmem:$0x1FD00]  }
0x150: {  	v2 =	vld [tilespmem:$0x1FD10];
	_ =	sdelay $0x4  }
0x151: {  	v6 =	vsub.f32 $1.500000000e+00, v6;
	v4 =	vadd.f32 v9, v4;
	v9 =	vmul.f32 v2, v1;
	v1 =	vld [tilespmem:$0x1FD20]  }
0x152: {  	v2 =	vld [tilespmem:$0x1FD30]  }
0x153: {  	v3 =	vmul.f32 v6, v3  }
0x154: {  	v44 =	vmul.f32 v0, v44;
	v4 =	vadd.f32 v10, v4  }
0x155: {  	v8 =	vmul.f32 v3, v8  }
0x156: {  	v4 =	vadd.f32 v5, v4;
	v5 =	vmul.f32 v44, v0  }
0x157: {  	v44 =	vmul.f32 v8, v3;
	v8 =	vmul.f32 v2, v1;
	v1 =	vld [tilespmem:$0x1FD40]  }
0x158: {  	v2 =	vld [tilespmem:$0x1FD50];
	_ =	sdelay $0x4  }
0x159: {  	v4 =	vadd.f32 v9, v4;
	v9 =	vmul.f32 v2, v1;
	v1 =	vld [tilespmem:$0x1FD60]  }
0x15a: {  	v2 =	vld [tilespmem:$0x1FD70];
	_ =	sdelay $0x4  }
0x15b: {  	v6 =	vsub.f32 $1.500000000e+00, v44;
	v44 =	vmul.f32 v2, v1;
	v1 =	vld [tilespmem:$0x1FD80]  }
0x15c: {  	v2 =	vld [tilespmem:$0x1FD90];
	_ =	sdelay $0x4  }
0x15d: {  	v3 =	vmul.f32 v6, v3;
	v6 =	vmul.f32 v2, v1;
	v1 =	vld [tilespmem:$0x1FDA0]  }
0x15e: {  	v2 =	vld [tilespmem:$0x1FDB0];
	_ =	sdelay $0x2  }
0x15f: {  	v4 =	vadd.f32 v8, v4;
	_ =	sdelay $0x1  }
0x160: {  	v4 =	vadd.f32 v9, v4;
	v9 =	vmul.f32 v2, v1;
	v1 =	vld [tilespmem:$0x1FDC0]  }
0x161: {  	v2 =	vld [tilespmem:$0x1FDD0];
	_ =	sdelay $0x2  }
0x162: {  	v5 =	vsub.f32 $1.500000000e+00, v5;
	_ =	sdelay $0x1  }
0x163: {  	v0 =	vmul.f32 v5, v0;
	v5 =	vmul.f32 v2, v1;
	v1 =	vld [tilespmem:$0x1FDE0]  }
0x164: {  	v2 =	vld [tilespmem:$0x1FDF0]  }
0x165: {  	v0 =	vmul.f32 v0, v46;
	_ =	sdelay $0x1  }
0x166: {  	v4 =	vadd.f32 v44, v4;
	v44 =	vadd.f32 $1.000000000e+00, v0;
	_ =	sdelay $0x1  }
0x167: {  	(erf) = vrcp.f32 v44;
	v44 =	vmul.f32 v2, v1;
	v1 =	vld [tilespmem:$0x1FE00]  }
0x168: {  	v2 =	vld [tilespmem:$0x1FE10]  }
0x169: {  	v4 =	vadd.f32 v6, v4;
	_ =	sdelay $0x1  }
0x16a: {  	v4 =	vadd.f32 v9, v4;
	_ =	sdelay $0x1  }
0x16b: {  	v4 =	vadd.f32 v5, v4;
	v5 =	vmul.f32 v2, v1;
	v1 =	vld [tilespmem:$0x1FE20]  }
0x16c: {  	v2 =	vld [tilespmem:$0x1FE30];
	_ =	sdelay $0x4  }
0x16d: {  	v4 =	vadd.f32 v44, v4;
	v44 =	vmul.f32 v2, v1;
	v1 =	vld [tilespmem:$0x1FE40]  }
0x16e: {  	v2 =	vld [tilespmem:$0x1FE50]  }
0x16f: {  	v3 =	vmul.f32 v3, v45;
	_ =	sdelay $0x1  }
0x170: {  	v8 =	vadd.f32 $1.000000000e+00, v3;
	_ =	sdelay $0x1  }
0x171: {  	(erf) = vrcp.f32 v8;
	v8 =	vmul.f32 v2, v1;
	v1 =	vld [tilespmem:$0x1FE60]  }
0x172: {  	v2 =	vld [tilespmem:$0x1FE70];
	_ =	sdelay $0x4  }
0x173: {  	v4 =	vadd.f32 v5, v4;
	v5 =	vpop (erf);
	v9 =	vmul.f32 v2, v1;
	v1 =	vld [tilespmem:$0x1FE80]  }
0x174: {  	v0 =	vmul.f32 v5, v0;
	v2 =	vld [tilespmem:$0x1FE90];
	_ =	sdelay $0x1  }
0x175: {  	v0 =	vadd.f32 $1.000000000e+00, v0  }
0x176: {  	v4 =	vadd.f32 v44, v4  }
0x177: {  	(erf) = vrcp.f32 v0;
	v0 =	vld [tilespmem:$0x1FEA0]  }
0x178: {  	v4 =	vadd.f32 v8, v4;
	v8 =	vmul.f32 v2, v1;
	v1 =	vld [tilespmem:$0x1FEB0];
	_ =	sdelay $0x1  }
0x179: {  	v6 =	vpop (erf)  }
0x17a: {  	v3 =	vmul.f32 v6, v3;
	_ =	sdelay $0x1  }
0x17b: {  	v3 =	vadd.f32 $1.000000000e+00, v3;
	v0 =	vmul.f32 v1, v0;
	v1 =	vld [tilespmem:$0x1FEC0]  }
0x17c: {  	v4 =	vadd.f32 v9, v4  }
0x17d: {  	(erf) = vrcp.f32 v3  }
0x17e: {  	v3 =	vadd.f32 v8, v4;
	_ =	sdelay $0x1  }
0x17f: {  	v0 =	vadd.f32 v0, v3;
	v44 =	vmul.f32 v29, v1  }
0x180: {  	v3 =	vmul.f32 v61, v7  }
0x181: {  	v0 =	vadd.f32 v44, v0;
	_ =	sdelay $0x1  }
0x182: {  	v44 =	vmul.f32 v58, v60;
	v0 =	vadd.f32 v3, v0  }
0x183: {  	v3 =	vpop (erf)  }
0x184: {  	v8 =	vmul.f32 v56, v59;
	v58 =	vpop (erf);
	v0 =	vadd.f32 v44, v0  }
0x185: {  	v3 =	vmul.f32 v3, v5;
	v4 =	vmul.f32 v58, v6  }
0x186: {  	v59 =	vmul.f32 v54, v57;
	v0 =	vadd.f32 v8, v0  }
0x187: {  	v60 =	vmul.f32 v3, v46;
	v8 =	vmul.f32 v4, v45  }
0x188: {  	v9 =	vmul.f32 v63, v55;
	v0 =	vadd.f32 v59, v0  }
0x189: {  	v61 =	vmul.f32 v60, v3;
	v63 =	vmul.f32 v8, v4  }
0x18a: {  	v0 =	vadd.f32 v9, v0  }
0x18b: {  	v8 =	vmul.f32 v52, v53;
	v9 =	vsub.f32 $1.000000000e+00, v61;
	v10 =	vsub.f32 $1.000000000e+00, v63;
	_ =	sdelay $0x1  }
0x18c: {  	v54 =	vmul.f32 v50, v62;
	v0 =	vadd.f32 v8, v0;
	v8 =	vmul.f32 v10, v9;
	_ =	sdelay $0x1  }
0x18d: {  	v9 =	vmul.f32 v49, v51;
	v0 =	vadd.f32 v54, v0;
	v8 =	vadd.f32 $9.999999960e-13, v8  }
0x18e: {  	v3 =	vmul.f32 v4, v3  }
0x18f: {  	v10 =	vmul.f32 v47, v48;
	v0 =	vadd.f32 v9, v0;
	(erf) = vrcp.f32 v8;
	_ =	sdelay $0x1  }
0x190: {  	v3 =	vadd.f32 v3, v3;
	v0 =	vadd.f32 v10, v0;
	_ =	sdelay $0x1  }
0x191: {  	v0 =	vmul.f32 v3, v0;
	v3 =	vadd.f32 v63, v61;
	_ =	sdelay $0x1  }
0x192: {  	v0 =	vsub.f32 v3, v0;
	_ =	sdelay $0x1  }
0x193: {  	v0 =	vadd.f32 v0, v0  }
0x194: {  	v3 =	vpop (erf)  }
0x195: {  	v0 =	vmul.f32 v3, v0;
	_ =	sdelay $0x1  }
0x196: {  	v0 =	vadd.f32 $1.000000000e+00, v0;
	_ =	sdelay $0x1  }
0x197: {  	v0 =	vmax.f32 v0, $1.000000000e+00  }
0x198: {  	v3 =	vmul.f32 v0, v0;
	_ =	sdelay $0x1  }
0x199: {  	v3 =	vadd.f32 $-1.000000000e+00, v3;
	_ =	sdelay $0x1  }
0x19a: {  	v3 =	vadd.f32 $1.000000000e-30, v3;
	_ =	sdelay $0x1  }
0x19b: {  	v55 =	vshra.s32 v3, $0x1;
	v56 =	vmul.f32 $5.000000000e-01, v3  }
0x19c: {  	v4 =	vsub.s32 $0x5F3759DF, v55  }
0x19d: {  	v57 =	vmul.f32 v4, v56;
	_ =	sdelay $0x1  }
0x19e: {  	v6 =	vmul.f32 v4, v57;
	_ =	sdelay $0x1  }
0x19f: {  	v6 =	vsub.f32 $1.500000000e+00, v6;
	_ =	sdelay $0x1  }
0x1a0: {  	v4 =	vmul.f32 v4, v6;
	_ =	sdelay $0x1  }
0x1a1: {  	v6 =	vmul.f32 v4, v56;
	_ =	sdelay $0x1  }
0x1a2: {  	v6 =	vmul.f32 v6, v4;
	_ =	sdelay $0x1  }
0x1a3: {  	v6 =	vsub.f32 $1.500000000e+00, v6;
	_ =	sdelay $0x1  }
0x1a4: {  	v4 =	vmul.f32 v6, v4;
	_ =	sdelay $0x1  }
0x1a5: {  	v5 =	vmul.f32 v4, v56;
	_ =	sdelay $0x1  }
0x1a6: {  	v5 =	vmul.f32 v5, v4;
	_ =	sdelay $0x1  }
0x1a7: {  	v5 =	vsub.f32 $1.500000000e+00, v5;
	_ =	sdelay $0x1  }
0x1a8: {  	v4 =	vmul.f32 v5, v4;
	_ =	sdelay $0x1  }
0x1a9: {  	v3 =	vmul.f32 v4, v3;
	_ =	sdelay $0x1  }
0x1aa: {  	v0 =	vadd.f32 v3, v0;
	_ =	sdelay $0x1  }
0x1ab: {  	v3 =	vand.u32 $0x7FFFFF, v0  }
0x1ac: {  	v3 =	vor.u32 $0x3F800000, v3  }
0x1ad: {  	v58 =	vmul.f32 $5.000000000e-01, v3  }
0x1ae: {  	vm0 =	vgt.f32 v3, $1.414213540e+00  }
0x1af: {  	v3 =	vsel vm0, v58, v3  }
0x1b0: {  	v4 =	vadd.f32 $1.000000000e+00, v3;
	_ =	sdelay $0x1  }
0x1b1: {  	(erf) = vrcp.f32 v4;
	_ =	sdelay $0x7  }
0x1b2: {  	v3 =	vadd.f32 $-1.000000000e+00, v3  }
0x1b3: {  	v4 =	vpop (erf)  }
0x1b4: {  	v3 =	vmul.f32 v4, v3;
	_ =	sdelay $0x1  }
0x1b5: {  	v4 =	vmul.f32 v3, v3;
	_ =	sdelay $0x1  }
0x1b6: {  	v59 =	vmul.f32 $1.428571490e-01, v4;
	_ =	sdelay $0x1  }
0x1b7: {  	v5 =	vadd.f32 $2.000000030e-01, v59;
	_ =	sdelay $0x1  }
0x1b8: {  	v5 =	vmul.f32 v5, v4;
	_ =	sdelay $0x1  }
0x1b9: {  	v5 =	vadd.f32 $3.333333430e-01, v5  }
0x1ba: {  	s0 =	simm.s32 $0x10900;
	v1 =	vimm.s32 $0xFFFFFF81;
	v0 =	vshrl.u32 v0, $0x17  }
0x1bb: {  	s1 =	simm.s32 $0x10B00;
	v62 =	vld [tilespmem:s0+$0x0];
	v0 =	vand.u32 $0xFF, v0;
	v60 =	vsel vm0, $0xFFFFFF82, v1;
	v4 =	vmul.f32 v5, v4  }
0x1bc: {  	v61 =	vld [tilespmem:s1+$0x0];
	v0 =	vadd.s32 v0, v60  }
0x1bd: {  	v8 =	vld [tilespmem:$0x10F00];
	v0 =	vcvt.s32.f32 v0;
	v3 =	vadd.f32 v3, v3;
	v4 =	vadd.f32 $1.000000000e+00, v4;
	_ =	sdelay $0x1  }
0x1be: {  	v0 =	vmul.f32 $6.931471820e-01, v0;
	v3 =	vmul.f32 v4, v3;
	_ =	sdelay $0x1  }
0x1bf: {  	s8 =	simm.s32 $0x10;
	v0 =	vadd.f32 v3, v0;
	v3 =	vadd.f32 v61, v62  }
0x1c0: {  	v63 =	vmov s8;
	v2 =	vbroadcast v8, $0x1  }
0x1c1: {  	v1 =	vbroadcast v8, $0x0;
	v0 =	vadd.f32 v0, v3;
	v3 =	vshll.u32 v63, $0x5  }
0x1c2: {  	[tilespmem:$0x1FED0] =	vst v2;
	v3 =	vor.u32 v19, v3  }
0x1c3: {  	s9 =	simm.s32 $0x20;
	s15 =	simm.s32 $0x10D10;
	s8 =	simm.s32 $0x10D00;
	[tilespmem:$0x1FEE0] =	vst v1;
	v51 =	vand.u32 $0x3F80, v3;
	v0 =	vmul.f32 v0, v1  }
.LBB2_4:
0x1c4: {  	v1 =	vld [tilespmem:$0x1FED0];
	_ =	sdelay $0x2  }
0x1c5: {  	v4 =	vor.u32 v20, v51;
	_ =	sdelay $0x1  }
0x1c6: {  	v3 =	vor.u32 v18, v51;
	v5 =	vor.u32 v21, v51;
	v0 =	vadd.f32 v0, v1  }
0x1c7: {  	v8 =	vor.u32 v22, v51;
	v55 =	vor.u32 v42, v51;
	v54 =	vor.u32 v43, v51  }
0x1c8: {  	v57 =	vor.u32 v38, v51;
	v46 =	vor.u32 v40, v51;
	v56 =	vor.u32 v41, v51;
	v47 =	vld [tilespmem:$0x1FFF0];
	[tilespmem:s8+$0x0] =	vst v0  }
0x1c9: {  	v62 =	vor.u32 v23, v51;
	v59 =	vor.u32 v36, v51;
	v58 =	vor.u32 v37, v51;
	v6 =	vld.idx.msk [tilespmem:v4+s30+$0x0], $0xffff  }
0x1ca: {  	v61 =	vor.u32 v34, v51;
	v60 =	vor.u32 v35, v51;
	v2 =	vor.u32 v31, v51;
	v4 =	vld.idx.msk [tilespmem:v4+s29+$0x0], $0xffff  }
0x1cb: {  	v29 =	vmovc v43;
	v43 =	vor.u32 v32, v51;
	v45 =	vmovc v41;
	v41 =	vmov v37;
	v37 =	vmov v34;
	v9 =	vld.idx.msk [tilespmem:v3+s29+$0x0], $0xffff  }
0x1cc: {  	v49 =	vor.u32 v14, v51;
	v48 =	vor.u32 v15, v51;
	v53 =	vor.u32 v11, v51;
	v10 =	vld.idx.msk [tilespmem:v3+s30+$0x0], $0xffff  }
0x1cd: {  	v52 =	vor.u32 v12, v51;
	v50 =	vor.u32 v13, v51;
	v1 =	vor.u32 v16, v51;
	v63 =	vld.idx.msk [tilespmem:v5+s29+$0x0], $0xffff  }
0x1ce: {  	v34 =	vmov v31;
	v11 =	vor.u32 v28, v51;
	[tilespmem:$0x1FC00] =	vst v1;
	v1 =	vor.u32 v17, v51;
	v5 =	vld.idx.msk [tilespmem:v5+s30+$0x0], $0xffff  }
0x1cf: {  	v31 =	vmov v27;
	v12 =	vor.u32 v27, v51;
	[tilespmem:$0x1FC10] =	vst v1;
	v1 =	vor.u32 v24, v51;
	v7 =	vld.idx.msk [tilespmem:v8+s29+$0x0], $0xffff  }
0x1d0: {  	v44 =	vmovc v23;
	v15 =	vor.u32 v25, v51;
	v27 =	vmov v24;
	v16 =	vor.u32 v26, v51;
	v8 =	vld.idx.msk [tilespmem:v8+s30+$0x0], $0xffff  }
0x1d1: {  	v47 =	vor.u32 v47, v51;
	v24 =	vmovc v21;
	v21 =	vmov v18;
	v18 =	vld.idx.msk [tilespmem:v62+s29+$0x0], $0xffff;
	v14 =	vmul.f32 v6, v4  }
0x1d2: {  	v23 =	vmovc v20;
	v62 =	vld.idx.msk [tilespmem:v62+s30+$0x0], $0xffff;
	v0 =	vmov v22;
	v17 =	vmul.f32 v9, v9;
	v4 =	vmul.f32 v4, v4  }
0x1d3: {  	v22 =	vmovc v19;
	v19 =	vor.u32 v39, v51;
	v20 =	vmul.f32 v10, v10;
	v6 =	vmul.f32 v6, v6  }
0x1d4: {  	v9 =	vmul.f32 v10, v9;
	v10 =	vmul.f32 v63, v63;
	v4 =	vadd.f32 v4, v17;
	v17 =	vld.idx.msk [tilespmem:v1+s29+$0x0], $0xffff  }
0x1d5: {  	v6 =	vadd.f32 v6, v20;
	v20 =	vmul.f32 v5, v5;
	v5 =	vmul.f32 v5, v63;
	v1 =	vld.idx.msk [tilespmem:v1+s30+$0x0], $0xffff  }
0x1d6: {  	v9 =	vadd.f32 $0.0e+00, v9;
	v63 =	vld.idx.msk [tilespmem:v15+s29+$0x0], $0xffff;
	v4 =	vadd.f32 v10, v4;
	v10 =	vmul.f32 v7, v7  }
0x1d7: {  	v6 =	vadd.f32 v20, v6;
	v20 =	vmul.f32 v8, v8;
	v7 =	vmul.f32 v8, v7;
	v8 =	vld.idx.msk [tilespmem:v15+s30+$0x0], $0xffff  }
0x1d8: {  	v9 =	vadd.f32 v14, v9;
	v14 =	vld.idx.msk [tilespmem:v47+s29+$0x0], $0xffff;
	v4 =	vadd.f32 v10, v4;
	v10 =	vmul.f32 v18, v18  }
0x1d9: {  	v13 =	vor.u32 v30, v51;
	v15 =	vmul.f32 v62, v62;
	v6 =	vadd.f32 v20, v6;
	v20 =	vld.idx.msk [tilespmem:v47+s30+$0x0], $0xffff  }
0x1da: {  	v5 =	vadd.f32 v5, v9;
	v9 =	vmul.f32 v17, v17;
	v4 =	vadd.f32 v10, v4;
	v10 =	vld.idx.msk [tilespmem:v19+s29+$0x0], $0xffff  }
0x1db: {  	v6 =	vadd.f32 v15, v6;
	v15 =	vmul.f32 v1, v1;
	v1 =	vmul.f32 v1, v17;
	v17 =	vld.idx.msk [tilespmem:v19+s30+$0x0], $0xffff  }
0x1dc: {  	v18 =	vmul.f32 v62, v18;
	v5 =	vadd.f32 v7, v5;
	v4 =	vadd.f32 v9, v4;
	v9 =	vld.idx.msk [tilespmem:v16+s29+$0x0], $0xffff  }
0x1dd: {  	v3 =	vor.u32 v33, v51;
	v47 =	vmul.f32 v63, v63;
	v51 =	vmul.f32 v14, v14;
	v16 =	vld.idx.msk [tilespmem:v16+s30+$0x0], $0xffff  }
0x1de: {  	v6 =	vadd.f32 v15, v6;
	v15 =	vmul.f32 v8, v8;
	v5 =	vadd.f32 v18, v5;
	v18 =	vld.idx.msk [tilespmem:v11+s29+$0x0], $0xffff  }
0x1df: {  	v8 =	vmul.f32 v8, v63;
	v63 =	vld.idx.msk [tilespmem:v12+s29+$0x0], $0xffff;
	v14 =	vmul.f32 v20, v14;
	v4 =	vadd.f32 v47, v4  }
0x1e0: {  	v12 =	vld.idx.msk [tilespmem:v12+s30+$0x0], $0xffff;
	v6 =	vadd.f32 v15, v6;
	v15 =	vmul.f32 v20, v20;
	v1 =	vadd.f32 v1, v5  }
0x1e1: {  	v11 =	vld.idx.msk [tilespmem:v11+s30+$0x0], $0xffff;
	v62 =	vmul.f32 v10, v10;
	v10 =	vmul.f32 v17, v10;
	v4 =	vadd.f32 v51, v4  }
0x1e2: {  	v19 =	vmovc v22;
	v6 =	vadd.f32 v15, v6;
	v15 =	vmul.f32 v17, v17;
	v47 =	vmul.f32 v9, v9  }
0x1e3: {  	v22 =	vmovc v0;
	v1 =	vadd.f32 v8, v1;
	v9 =	vmul.f32 v16, v9;
	v51 =	vmul.f32 v18, v18  }
0x1e4: {  	v8 =	vld.idx.msk [tilespmem:v13+s29+$0x0], $0xffff;
	v4 =	vadd.f32 v62, v4;
	v6 =	vadd.f32 v15, v6;
	v15 =	vmul.f32 v16, v16  }
0x1e5: {  	v13 =	vld.idx.msk [tilespmem:v13+s30+$0x0], $0xffff;
	v7 =	vmul.f32 v12, v63;
	v1 =	vadd.f32 v14, v1;
	v62 =	vmul.f32 v63, v63  }
0x1e6: {  	v14 =	vld.idx.msk [tilespmem:v2+s29+$0x0], $0xffff;
	v4 =	vadd.f32 v47, v4;
	v6 =	vadd.f32 v15, v6;
	v15 =	vmul.f32 v11, v11  }
0x1e7: {  	v2 =	vld.idx.msk [tilespmem:v2+s30+$0x0], $0xffff;
	v11 =	vmul.f32 v11, v18;
	v18 =	vmovc v21;
	v21 =	vmovc v24;
	v24 =	vmov v27;
	v27 =	vmov v31  }
0x1e8: {  	v31 =	vmovc v34;
	v34 =	vmov v37;
	v1 =	vadd.f32 v10, v1;
	v10 =	vld.idx.msk [tilespmem:v43+s29+$0x0], $0xffff;
	v4 =	vadd.f32 v51, v4  }
0x1e9: {  	v37 =	vmovc v41;
	v41 =	vmov v45;
	v6 =	vadd.f32 v15, v6;
	v15 =	vmul.f32 v12, v12;
	v12 =	vld.idx.msk [tilespmem:v43+s30+$0x0], $0xffff  }
0x1ea: {  	v63 =	vmul.f32 v8, v8;
	v1 =	vadd.f32 v9, v1;
	v9 =	vld.idx.msk [tilespmem:v3+s29+$0x0], $0xffff;
	v4 =	vadd.f32 v62, v4  }
0x1eb: {  	v8 =	vmul.f32 v13, v8;
	v3 =	vld.idx.msk [tilespmem:v3+s30+$0x0], $0xffff;
	v6 =	vadd.f32 v15, v6;
	v15 =	vmul.f32 v13, v13  }
0x1ec: {  	v45 =	vmul.f32 v14, v14;
	v1 =	vadd.f32 v11, v1;
	v11 =	vld.idx.msk [tilespmem:v61+s29+$0x0], $0xffff;
	v4 =	vadd.f32 v63, v4  }
0x1ed: {  	v51 =	vld.idx.msk [tilespmem:v60+s29+$0x0], $0xffff;
	v13 =	vmul.f32 v2, v2;
	v2 =	vmul.f32 v2, v14;
	v6 =	vadd.f32 v15, v6  }
0x1ee: {  	v14 =	vld.idx.msk [tilespmem:v61+s30+$0x0], $0xffff;
	v47 =	vmul.f32 v10, v10;
	v1 =	vadd.f32 v7, v1;
	v4 =	vadd.f32 v45, v4  }
0x1ef: {  	v0 =	vld.idx.msk [tilespmem:v46+s30+$0x0], $0xffff;
	v10 =	vmul.f32 v12, v10;
	v6 =	vadd.f32 v13, v6;
	v13 =	vmul.f32 v12, v12  }
0x1f0: {  	v12 =	vld.idx.msk [tilespmem:v60+s30+$0x0], $0xffff;
	v1 =	vadd.f32 v8, v1;
	v60 =	vmul.f32 v9, v9;
	v4 =	vadd.f32 v47, v4  }
0x1f1: {  	v8 =	vld.idx.msk [tilespmem:v59+s29+$0x0], $0xffff;
	v61 =	vmul.f32 v11, v11;
	v6 =	vadd.f32 v13, v6;
	v13 =	vmul.f32 v3, v3  }
0x1f2: {  	v3 =	vmul.f32 v3, v9;
	v9 =	vld.idx.msk [tilespmem:v59+s30+$0x0], $0xffff;
	v1 =	vadd.f32 v2, v1;
	v2 =	vadd.f32 v60, v4  }
0x1f3: {  	v62 =	vld.idx.msk [tilespmem:v58+s29+$0x0], $0xffff;
	v63 =	vmul.f32 v51, v51;
	v6 =	vadd.f32 v13, v6;
	v13 =	vmul.f32 v14, v14  }
0x1f4: {  	v11 =	vmul.f32 v14, v11;
	v14 =	vld.idx.msk [tilespmem:v58+s30+$0x0], $0xffff;
	v1 =	vadd.f32 v10, v1;
	v2 =	vadd.f32 v61, v2  }
0x1f5: {  	v10 =	vld.idx.msk [tilespmem:v57+s29+$0x0], $0xffff;
	v7 =	vmul.f32 v12, v51;
	v6 =	vadd.f32 v13, v6;
	v13 =	vmul.f32 v12, v12  }
0x1f6: {  	v12 =	vld.idx.msk [tilespmem:v57+s30+$0x0], $0xffff;
	v1 =	vadd.f32 v3, v1;
	v3 =	vmul.f32 v8, v8;
	v2 =	vadd.f32 v63, v2  }
0x1f7: {  	v45 =	vld.idx.msk [tilespmem:v46+s29+$0x0], $0xffff;
	v8 =	vmul.f32 v9, v8;
	v6 =	vadd.f32 v13, v6;
	v13 =	vmul.f32 v9, v9  }
0x1f8: {  	v43 =	vmovc v29;
	v29 =	vld [tilespmem:$0x1FC00];
	v1 =	vadd.f32 v11, v1;
	v2 =	vadd.f32 v3, v2;
	v3 =	vmul.f32 v62, v62  }
0x1f9: {  	v9 =	vld.idx.msk [tilespmem:v56+s29+$0x0], $0xffff;
	v11 =	vmul.f32 v14, v14;
	v5 =	vmul.f32 v14, v62;
	v6 =	vadd.f32 v13, v6  }
0x1fa: {  	v13 =	vld.idx.msk [tilespmem:v56+s30+$0x0], $0xffff;
	v1 =	vadd.f32 v7, v1;
	v2 =	vadd.f32 v3, v2;
	v3 =	vmul.f32 v10, v10  }
0x1fb: {  	v46 =	vld.idx.msk [tilespmem:v55+s29+$0x0], $0xffff;
	v6 =	vadd.f32 v11, v6;
	v11 =	vmul.f32 v12, v12;
	v10 =	vmul.f32 v12, v10  }
0x1fc: {  	v12 =	vld.idx.msk [tilespmem:v55+s30+$0x0], $0xffff;
	v1 =	vadd.f32 v8, v1;
	v2 =	vadd.f32 v3, v2;
	v3 =	vmul.f32 v45, v45  }
0x1fd: {  	v8 =	vld.idx.msk [tilespmem:v54+s29+$0x0], $0xffff;
	v6 =	vadd.f32 v11, v6;
	v11 =	vmul.f32 v0, v0;
	v0 =	vmul.f32 v0, v45  }
0x1fe: {  	v47 =	vld.idx.msk [tilespmem:v54+s30+$0x0], $0xffff;
	v1 =	vadd.f32 v5, v1;
	v2 =	vadd.f32 v3, v2;
	v3 =	vmul.f32 v9, v9  }
0x1ff: {  	v51 =	vld.idx.msk [tilespmem:v53+s29+$0x0], $0xffff;
	v6 =	vadd.f32 v11, v6;
	v11 =	vmul.f32 v13, v13;
	v9 =	vmul.f32 v13, v9  }
0x200: {  	v13 =	vld.idx.msk [tilespmem:v53+s30+$0x0], $0xffff;
	v1 =	vadd.f32 v10, v1;
	v2 =	vadd.f32 v3, v2;
	v3 =	vmul.f32 v46, v46  }
0x201: {  	v10 =	vld.idx.msk [tilespmem:v52+s29+$0x0], $0xffff;
	v7 =	vmul.f32 v12, v46;
	v6 =	vadd.f32 v11, v6;
	v11 =	vmul.f32 v12, v12  }
0x202: {  	v12 =	vld.idx.msk [tilespmem:v52+s30+$0x0], $0xffff;
	v0 =	vadd.f32 v0, v1;
	v1 =	vadd.f32 v3, v2;
	v2 =	vmul.f32 v8, v8  }
0x203: {  	v3 =	vld.idx.msk [tilespmem:v50+s29+$0x0], $0xffff;
	v6 =	vadd.f32 v11, v6;
	v11 =	vmul.f32 v47, v47  }
0x204: {  	v4 =	vmul.f32 v47, v8;
	v8 =	vld.idx.msk [tilespmem:v50+s30+$0x0], $0xffff;
	v1 =	vadd.f32 v2, v1;
	v2 =	vmul.f32 v51, v51  }
0x205: {  	v6 =	vadd.f32 v11, v6;
	v11 =	vmul.f32 v13, v13  }
0x206: {  	v1 =	vadd.f32 v2, v1;
	v2 =	vmul.f32 v10, v10  }
0x207: {  	v6 =	vadd.f32 v11, v6;
	v11 =	vmul.f32 v12, v12  }
0x208: {  	v53 =	vld.idx.msk [tilespmem:v29+s29+$0x0], $0xffff;
	v1 =	vadd.f32 v2, v1;
	v2 =	vmul.f32 v3, v3  }
0x209: {  	v6 =	vadd.f32 v11, v6;
	v11 =	vmul.f32 v8, v8;
	v3 =	vmul.f32 v8, v3;
	v8 =	vld.idx.msk [tilespmem:v29+s30+$0x0], $0xffff  }
0x20a: {  	v29 =	vld [tilespmem:$0x1FC10];
	_ =	sdelay $0x1  }
0x20b: {  	v0 =	vadd.f32 v9, v0;
	v9 =	vld.idx.msk [tilespmem:v49+s29+$0x0], $0xffff  }
0x20c: {  	v5 =	vmul.f32 v13, v51;
	v13 =	vld.idx.msk [tilespmem:v49+s30+$0x0], $0xffff  }
0x20d: {  	v52 =	vld.idx.msk [tilespmem:v48+s29+$0x0], $0xffff;
	v0 =	vadd.f32 v7, v0  }
0x20e: {  	v10 =	vmul.f32 v12, v10;
	v12 =	vld.idx.msk [tilespmem:v48+s30+$0x0], $0xffff  }
0x20f: {  	v0 =	vadd.f32 v4, v0  }
0x210: {  	v1 =	vadd.f32 v2, v1;
	v2 =	vmul.f32 v9, v9  }
0x211: {  	v0 =	vadd.f32 v5, v0;
	v6 =	vadd.f32 v11, v6;
	v11 =	vmul.f32 v13, v13;
	v54 =	vld.idx.msk [tilespmem:v29+s29+$0x0], $0xffff  }
0x212: {  	v9 =	vmul.f32 v13, v9;
	v1 =	vadd.f32 v2, v1;
	v2 =	vmul.f32 v52, v52;
	v13 =	vld.idx.msk [tilespmem:v29+s30+$0x0], $0xffff  }
0x213: {  	v0 =	vadd.f32 v10, v0;
	v10 =	vmul.f32 v12, v12;
	v6 =	vadd.f32 v11, v6  }
0x214: {  	v1 =	vadd.f32 v2, v1;
	v2 =	vmul.f32 v53, v53  }
0x215: {  	v0 =	vadd.f32 v3, v0;
	v55 =	vmul.f32 v8, v8;
	v3 =	vadd.f32 v10, v6  }
0x216: {  	v1 =	vadd.f32 v2, v1;
	v2 =	vmul.f32 v54, v54  }
0x217: {  	v3 =	vadd.f32 v55, v3;
	v56 =	vmul.f32 v13, v13  }
0x218: {  	v7 =	vmul.f32 v12, v52;
	v0 =	vadd.f32 v9, v0;
	v1 =	vadd.f32 v2, v1  }
0x219: {  	v2 =	vadd.f32 v56, v3  }
0x21a: {  	v4 =	vmul.f32 v8, v53;
	v0 =	vadd.f32 v7, v0;
	v3 =	vadd.f32 $1.000000000e-30, v1  }
0x21b: {  	v57 =	vadd.f32 $1.000000000e-30, v2  }
0x21c: {  	v0 =	vadd.f32 v4, v0;
	v58 =	vshra.s32 v3, $0x1;
	v3 =	vmul.f32 $5.000000000e-01, v3  }
0x21d: {  	v59 =	vshra.s32 v57, $0x1;
	v4 =	vmul.f32 $5.000000000e-01, v57;
	v6 =	vsub.s32 $0x5F3759DF, v58  }
0x21e: {  	v7 =	vsub.s32 $0x5F3759DF, v59;
	v8 =	vmul.f32 v6, v3  }
0x21f: {  	v9 =	vmul.f32 v7, v4  }
0x220: {  	v8 =	vmul.f32 v6, v8  }
0x221: {  	v9 =	vmul.f32 v7, v9  }
0x222: {  	v8 =	vsub.f32 $1.500000000e+00, v8  }
0x223: {  	v9 =	vsub.f32 $1.500000000e+00, v9  }
0x224: {  	v6 =	vmul.f32 v6, v8  }
0x225: {  	v7 =	vmul.f32 v7, v9  }
0x226: {  	v8 =	vmul.f32 v6, v3  }
0x227: {  	v9 =	vmul.f32 v7, v4  }
0x228: {  	v8 =	vmul.f32 v8, v6  }
0x229: {  	v9 =	vmul.f32 v9, v7  }
0x22a: {  	v8 =	vsub.f32 $1.500000000e+00, v8  }
0x22b: {  	v9 =	vsub.f32 $1.500000000e+00, v9  }
0x22c: {  	v6 =	vmul.f32 v8, v6  }
0x22d: {  	v7 =	vmul.f32 v9, v7  }
0x22e: {  	v3 =	vmul.f32 v6, v3  }
0x22f: {  	v4 =	vmul.f32 v7, v4  }
0x230: {  	v3 =	vmul.f32 v3, v6  }
0x231: {  	v4 =	vmul.f32 v4, v7  }
0x232: {  	v3 =	vsub.f32 $1.500000000e+00, v3  }
0x233: {  	v4 =	vsub.f32 $1.500000000e+00, v4  }
0x234: {  	v3 =	vmul.f32 v3, v6  }
0x235: {  	v4 =	vmul.f32 v4, v7  }
0x236: {  	v3 =	vmul.f32 v3, v1  }
0x237: {  	v4 =	vmul.f32 v4, v2  }
0x238: {  	v60 =	vadd.f32 $1.000000000e+00, v3  }
0x239: {  	v61 =	vadd.f32 $1.000000000e+00, v4  }
0x23a: {  	(erf) = vrcp.f32 v60  }
0x23b: {  	(erf) = vrcp.f32 v61;
	_ =	sdelay $0x7  }
0x23c: {  	v6 =	vpop (erf)  }
0x23d: {  	v3 =	vmul.f32 v6, v3;
	v7 =	vpop (erf)  }
0x23e: {  	v4 =	vmul.f32 v7, v4  }
0x23f: {  	v3 =	vadd.f32 $1.000000000e+00, v3  }
0x240: {  	v4 =	vadd.f32 $1.000000000e+00, v4  }
0x241: {  	(erf) = vrcp.f32 v3  }
0x242: {  	(erf) = vrcp.f32 v4;
	_ =	sdelay $0x7  }
0x243: {  	v3 =	vpop (erf)  }
0x244: {  	v3 =	vmul.f32 v3, v6;
	v4 =	vpop (erf)  }
0x245: {  	v4 =	vmul.f32 v4, v7  }
0x246: {  	v5 =	vmul.f32 v13, v54;
	v1 =	vmul.f32 v3, v1  }
0x247: {  	v2 =	vmul.f32 v4, v2;
	v6 =	vmul.f32 v4, v3  }
0x248: {  	v0 =	vadd.f32 v5, v0  }
0x249: {  	v1 =	vmul.f32 v1, v3;
	v2 =	vmul.f32 v2, v4;
	v3 =	vadd.f32 v6, v6;
	_ =	sdelay $0x1  }
0x24a: {  	v0 =	vmul.f32 v3, v0;
	v3 =	vsub.f32 $1.000000000e+00, v1;
	v4 =	vsub.f32 $1.000000000e+00, v2;
	_ =	sdelay $0x1  }
0x24b: {  	v1 =	vadd.f32 v2, v1;
	v2 =	vmul.f32 v4, v3;
	_ =	sdelay $0x1  }
0x24c: {  	v0 =	vsub.f32 v1, v0;
	v1 =	vadd.f32 $9.999999960e-13, v2;
	_ =	sdelay $0x1  }
0x24d: {  	(erf) = vrcp.f32 v1;
	_ =	sdelay $0x7  }
0x24e: {  	v0 =	vadd.f32 v0, v0  }
0x24f: {  	v1 =	vpop (erf)  }
0x250: {  	v0 =	vmul.f32 v1, v0;
	_ =	sdelay $0x1  }
0x251: {  	v0 =	vadd.f32 $1.000000000e+00, v0;
	_ =	sdelay $0x1  }
0x252: {  	v0 =	vmax.f32 v0, $1.000000000e+00  }
0x253: {  	v1 =	vmul.f32 v0, v0;
	_ =	sdelay $0x1  }
0x254: {  	v1 =	vadd.f32 $-1.000000000e+00, v1;
	_ =	sdelay $0x1  }
0x255: {  	v1 =	vadd.f32 $1.000000000e-30, v1;
	_ =	sdelay $0x1  }
0x256: {  	v2 =	vshra.s32 v1, $0x1;
	v3 =	vmul.f32 $5.000000000e-01, v1  }
0x257: {  	v2 =	vsub.s32 $0x5F3759DF, v2  }
0x258: {  	v62 =	vmul.f32 v2, v3;
	_ =	sdelay $0x1  }
0x259: {  	v4 =	vmul.f32 v2, v62;
	_ =	sdelay $0x1  }
0x25a: {  	v4 =	vsub.f32 $1.500000000e+00, v4;
	_ =	sdelay $0x1  }
0x25b: {  	v2 =	vmul.f32 v2, v4;
	_ =	sdelay $0x1  }
0x25c: {  	v4 =	vmul.f32 v2, v3;
	_ =	sdelay $0x1  }
0x25d: {  	v4 =	vmul.f32 v4, v2;
	_ =	sdelay $0x1  }
0x25e: {  	v4 =	vsub.f32 $1.500000000e+00, v4;
	_ =	sdelay $0x1  }
0x25f: {  	v2 =	vmul.f32 v4, v2;
	_ =	sdelay $0x1  }
0x260: {  	v3 =	vmul.f32 v2, v3;
	_ =	sdelay $0x1  }
0x261: {  	v3 =	vmul.f32 v3, v2;
	_ =	sdelay $0x1  }
0x262: {  	v3 =	vsub.f32 $1.500000000e+00, v3;
	_ =	sdelay $0x1  }
0x263: {  	v2 =	vmul.f32 v3, v2;
	_ =	sdelay $0x1  }
0x264: {  	v1 =	vmul.f32 v2, v1;
	_ =	sdelay $0x1  }
0x265: {  	v0 =	vadd.f32 v1, v0;
	_ =	sdelay $0x1  }
0x266: {  	v1 =	vshrl.u32 v0, $0x17;
	v0 =	vand.u32 $0x7FFFFF, v0  }
0x267: {  	v0 =	vor.u32 $0x3F800000, v0  }
0x268: {  	v2 =	vmul.f32 $5.000000000e-01, v0  }
0x269: {  	v20 =	vmovc v23;
	v23 =	vmov v44;
	v44 =	vimm.s32 $0xFFFFFF81;
	vm0 =	vgt.f32 v0, $1.414213540e+00  }
0x26a: {  	v1 =	vand.u32 $0xFF, v1;
	v0 =	vsel vm0, v2, v0;
	v2 =	vsel vm0, $0xFFFFFF82, v44  }
0x26b: {  	v1 =	vadd.s32 v1, v2;
	v2 =	vadd.f32 $1.000000000e+00, v0;
	_ =	sdelay $0x1  }
0x26c: {  	(erf) = vrcp.f32 v2;
	_ =	sdelay $0x7  }
0x26d: {  	v0 =	vadd.f32 $-1.000000000e+00, v0  }
0x26e: {  	v2 =	vpop (erf)  }
0x26f: {  	v0 =	vmul.f32 v2, v0;
	_ =	sdelay $0x1  }
0x270: {  	v2 =	vmul.f32 v0, v0;
	_ =	sdelay $0x1  }
0x271: {  	v3 =	vmul.f32 $1.428571490e-01, v2;
	_ =	sdelay $0x1  }
0x272: {  	v3 =	vadd.f32 $2.000000030e-01, v3;
	_ =	sdelay $0x1  }
0x273: {  	v3 =	vmul.f32 v3, v2;
	_ =	sdelay $0x1  }
0x274: {  	v3 =	vadd.f32 $3.333333430e-01, v3  }
0x275: {  	s0 =	sadd.s32 $0x10, s0  }
0x276: {  	s1 =	sadd.s32 $0x10, s1;
	v63 =	vld [tilespmem:s0+$0x0];
	v2 =	vmul.f32 v3, v2  }
0x277: {  	v3 =	vld [tilespmem:s1+$0x0]  }
0x278: {  	v1 =	vcvt.s32.f32 v1;
	v0 =	vadd.f32 v0, v0;
	v2 =	vadd.f32 $1.000000000e+00, v2;
	_ =	sdelay $0x1  }
0x279: {  	v1 =	vmul.f32 $6.931471820e-01, v1;
	v0 =	vmul.f32 v2, v0  }
0x27a: {  	s10 =	smov.u32 s9  }
0x27b: {  	v2 =	vmov s10;
	v0 =	vadd.f32 v0, v1;
	v1 =	vadd.f32 v3, v63  }
0x27c: {  	v17 =	vld [tilespmem:$0x1FF50];
	v2 =	vshll.u32 v2, $0x5  }
0x27d: {  	v16 =	vld [tilespmem:$0x1FF40];
	v0 =	vadd.f32 v0, v1;
	v1 =	vor.u32 v19, v2  }
0x27e: {  	p0 =	sne.s32 s9, $0x1F0;
	v51 =	vand.u32 $0x3F80, v1;
	v1 =	vld [tilespmem:$0x1FEE0]  }
.Ltmp1:
0x27f: {  	v15 =	vld [tilespmem:$0x1FF30];
	(pc) =	sbr.rel @p0 .LBB2_4-.Ltmp1, $4  }
0x280: {  	v14 =	vld [tilespmem:$0x1FF20]  }
0x281: {  	v12 =	vld [tilespmem:$0x1FF00]  }
0x282: {  	s11 =	sadd.s32 $0x10, s9;
	v11 =	vld [tilespmem:$0x1FEF0]  }
0x283: {  	s9 =	smov.u32 s11;
	s8 =	smov.u32 s15;
	s15 =	sadd.s32 $0x10, s15;
	v13 =	vld [tilespmem:$0x1FF10];
	v0 =	vmul.f32 v0, v1  }
0x284: {  	v3 =	vld [tilespmem:$0x1FED0];
	_ =	sdelay $0x2  }
0x285: {  	v1 =	vor.u32 v20, v51;
	_ =	sdelay $0x1  }
0x286: {  	v2 =	vor.u32 v18, v51;
	v0 =	vadd.f32 v0, v3;
	_ =	sdelay $0x1  }
0x287: {  	[tilespmem:s8+$0x0] =	vst v0  }
0x288: {  	v29 =	vld.idx.msk [tilespmem:v1+s30+$0x0], $0xffff  }
0x289: {  	v0 =	vor.u32 v21, v51;
	v5 =	vld.idx.msk [tilespmem:v1+s29+$0x0], $0xffff  }
0x28a: {  	v3 =	vld.idx.msk [tilespmem:v2+s29+$0x0], $0xffff  }
0x28b: {  	v6 =	vld.idx.msk [tilespmem:v2+s30+$0x0], $0xffff;
	v2 =	vor.u32 v23, v51;
	_ =	sdelay $0x2  }
0x28c: {  	v1 =	vor.u32 v22, v51;
	v7 =	vld.idx.msk [tilespmem:v0+s29+$0x0], $0xffff  }
0x28d: {  	v10 =	vld.idx.msk [tilespmem:v0+s30+$0x0], $0xffff;
	[tilespmem:$0x1F9D0] =	vst v29  }
0x28e: {  	[tilespmem:$0x1F9C0] =	vst v5;
	v4 =	vmul.f32 v5, v5;
	v45 =	vld.idx.msk [tilespmem:v2+s29+$0x0], $0xffff  }
0x28f: {  	[tilespmem:$0x1F9B0] =	vst v6;
	v5 =	vmul.f32 v6, v6;
	v6 =	vmul.f32 v29, v29;
	v29 =	vld.idx.msk [tilespmem:v2+s30+$0x0], $0xffff  }
0x290: {  	v0 =	vor.u32 v24, v51;
	v2 =	vld [tilespmem:$0x1FFF0]  }
0x291: {  	[tilespmem:$0x1F9A0] =	vst v3;
	v8 =	vld.idx.msk [tilespmem:v1+s29+$0x0], $0xffff;
	v3 =	vmul.f32 v3, v3  }
0x292: {  	v9 =	vld.idx.msk [tilespmem:v1+s30+$0x0], $0xffff;
	v1 =	vor.u32 v25, v51  }
0x293: {  	v3 =	vadd.f32 v4, v3  }
0x294: {  	v5 =	vadd.f32 v6, v5;
	[tilespmem:$0x1F9E0] =	vst v7;
	v4 =	vmul.f32 v7, v7;
	v7 =	vor.u32 v39, v51  }
0x295: {  	[tilespmem:$0x1F9F0] =	vst v10;
	v46 =	vld.idx.msk [tilespmem:v0+s29+$0x0], $0xffff;
	v6 =	vmul.f32 v10, v10;
	v2 =	vor.u32 v2, v51  }
0x296: {  	v10 =	vld.idx.msk [tilespmem:v0+s30+$0x0], $0xffff;
	[tilespmem:$0x1FA00] =	vst v8;
	v0 =	vadd.f32 v4, v3  }
0x297: {  	v47 =	vld.idx.msk [tilespmem:v1+s30+$0x0], $0xffff;
	v3 =	vmul.f32 v8, v8;
	v4 =	vadd.f32 v6, v5;
	v5 =	vmul.f32 v9, v9  }
0x298: {  	[tilespmem:$0x1FA30] =	vst v29;
	v8 =	vld.idx.msk [tilespmem:v1+s29+$0x0], $0xffff;
	v6 =	vor.u32 v26, v51;
	v1 =	vmul.f32 v45, v45  }
0x299: {  	v0 =	vadd.f32 v3, v0;
	v3 =	vadd.f32 v5, v4;
	v4 =	vmul.f32 v29, v29;
	v29 =	vld.idx.msk [tilespmem:v7+s29+$0x0], $0xffff  }
0x29a: {  	[tilespmem:$0x1FA10] =	vst v9;
	v9 =	vld.idx.msk [tilespmem:v2+s29+$0x0], $0xffff  }
0x29b: {  	v5 =	vor.u32 v28, v51;
	[tilespmem:$0x1FA50] =	vst v10;
	v52 =	vld.idx.msk [tilespmem:v2+s30+$0x0], $0xffff;
	v0 =	vadd.f32 v1, v0  }
0x29c: {  	v1 =	vmul.f32 v46, v46;
	v2 =	vadd.f32 v4, v3;
	v3 =	vmul.f32 v10, v10;
	v10 =	vld.idx.msk [tilespmem:v7+s30+$0x0], $0xffff  }
0x29d: {  	v4 =	vor.u32 v27, v51;
	v7 =	vor.u32 v30, v51;
	v53 =	vld.idx.msk [tilespmem:v6+s30+$0x0], $0xffff  }
0x29e: {  	[tilespmem:$0x1FA60] =	vst v8;
	v0 =	vadd.f32 v1, v0;
	v1 =	vmul.f32 v8, v8;
	v8 =	vld.idx.msk [tilespmem:v6+s29+$0x0], $0xffff  }
0x29f: {  	v2 =	vadd.f32 v3, v2;
	v3 =	vmul.f32 v47, v47;
	v6 =	vor.u32 v31, v51;
	[tilespmem:$0x1FAA0] =	vst v29  }
0x2a0: {  	v54 =	vld.idx.msk [tilespmem:v5+s30+$0x0], $0xffff;
	v0 =	vadd.f32 v1, v0;
	[tilespmem:$0x1FA80] =	vst v9;
	v1 =	vmul.f32 v9, v9  }
0x2a1: {  	v2 =	vadd.f32 v3, v2;
	[tilespmem:$0x1FA90] =	vst v52;
	v9 =	vld.idx.msk [tilespmem:v5+s29+$0x0], $0xffff;
	v3 =	vmul.f32 v52, v52  }
0x2a2: {  	[tilespmem:$0x1FAB0] =	vst v10;
	v55 =	vld.idx.msk [tilespmem:v4+s29+$0x0], $0xffff;
	v5 =	vor.u32 v32, v51;
	v0 =	vadd.f32 v1, v0  }
0x2a3: {  	v1 =	vmul.f32 v29, v29;
	v2 =	vadd.f32 v3, v2;
	v3 =	vmul.f32 v10, v10;
	v10 =	vld.idx.msk [tilespmem:v4+s30+$0x0], $0xffff  }
0x2a4: {  	[tilespmem:$0x1FAC0] =	vst v8;
	v29 =	vld.idx.msk [tilespmem:v7+s30+$0x0], $0xffff  }
0x2a5: {  	v4 =	vor.u32 v33, v51;
	v56 =	vld.idx.msk [tilespmem:v6+s30+$0x0], $0xffff;
	v0 =	vadd.f32 v1, v0;
	v1 =	vmul.f32 v8, v8  }
0x2a6: {  	v8 =	vld.idx.msk [tilespmem:v7+s29+$0x0], $0xffff;
	v2 =	vadd.f32 v3, v2;
	v3 =	vmul.f32 v53, v53;
	v7 =	vor.u32 v34, v51  }
0x2a7: {  	[tilespmem:$0x1FAF0] =	vst v54;
	v57 =	vld.idx.msk [tilespmem:v5+s29+$0x0], $0xffff;
	v0 =	vadd.f32 v1, v0;
	v1 =	vmul.f32 v9, v9  }
0x2a8: {  	[tilespmem:$0x1FAE0] =	vst v9;
	v9 =	vld.idx.msk [tilespmem:v6+s29+$0x0], $0xffff;
	v2 =	vadd.f32 v3, v2;
	v3 =	vmul.f32 v54, v54  }
0x2a9: {  	v6 =	vor.u32 v35, v51;
	[tilespmem:$0x1FB10] =	vst v10;
	v0 =	vadd.f32 v1, v0;
	v1 =	vmul.f32 v55, v55  }
0x2aa: {  	[tilespmem:$0x1FB30] =	vst v29;
	v2 =	vadd.f32 v3, v2;
	v3 =	vmul.f32 v10, v10;
	v10 =	vld.idx.msk [tilespmem:v5+s30+$0x0], $0xffff  }
0x2ab: {  	[tilespmem:$0x1FB50] =	vst v56;
	v58 =	vld.idx.msk [tilespmem:v7+s30+$0x0], $0xffff;
	v0 =	vadd.f32 v1, v0;
	v1 =	vmul.f32 v8, v8  }
0x2ac: {  	[tilespmem:$0x1FB20] =	vst v8;
	v8 =	vld.idx.msk [tilespmem:v4+s29+$0x0], $0xffff;
	v2 =	vadd.f32 v3, v2;
	v3 =	vmul.f32 v29, v29  }
0x2ad: {  	v5 =	vor.u32 v36, v51;
	v29 =	vld.idx.msk [tilespmem:v4+s30+$0x0], $0xffff;
	v0 =	vadd.f32 v1, v0;
	v1 =	vmul.f32 v9, v9  }
0x2ae: {  	[tilespmem:$0x1FB40] =	vst v9;
	v9 =	vld.idx.msk [tilespmem:v7+s29+$0x0], $0xffff;
	v2 =	vadd.f32 v3, v2;
	v3 =	vmul.f32 v56, v56  }
0x2af: {  	v4 =	vor.u32 v37, v51;
	v59 =	vld.idx.msk [tilespmem:v6+s29+$0x0], $0xffff;
	v0 =	vadd.f32 v1, v0;
	v1 =	vmul.f32 v57, v57  }
0x2b0: {  	v7 =	vor.u32 v38, v51;
	[tilespmem:$0x1FB70] =	vst v10;
	v2 =	vadd.f32 v3, v2;
	v3 =	vmul.f32 v10, v10  }
0x2b1: {  	v10 =	vld.idx.msk [tilespmem:v6+s30+$0x0], $0xffff;
	v6 =	vor.u32 v40, v51;
	v0 =	vadd.f32 v1, v0;
	v1 =	vmul.f32 v8, v8  }
0x2b2: {  	[tilespmem:$0x1FB80] =	vst v8;
	v8 =	vld.idx.msk [tilespmem:v5+s29+$0x0], $0xffff;
	v2 =	vadd.f32 v3, v2;
	v3 =	vmul.f32 v29, v29  }
0x2b3: {  	[tilespmem:$0x1FB90] =	vst v29;
	v29 =	vld.idx.msk [tilespmem:v5+s30+$0x0], $0xffff;
	v0 =	vadd.f32 v1, v0;
	v1 =	vmul.f32 v9, v9  }
0x2b4: {  	[tilespmem:$0x1FBA0] =	vst v9;
	v9 =	vld.idx.msk [tilespmem:v4+s29+$0x0], $0xffff;
	v2 =	vadd.f32 v3, v2;
	v3 =	vmul.f32 v58, v58  }
0x2b5: {  	v61 =	vld.idx.msk [tilespmem:v4+s30+$0x0], $0xffff;
	v5 =	vor.u32 v41, v51;
	v0 =	vadd.f32 v1, v0;
	v1 =	vmul.f32 v59, v59  }
0x2b6: {  	[tilespmem:$0x1FBC0] =	vst v59;
	v63 =	vld.idx.msk [tilespmem:v7+s29+$0x0], $0xffff;
	v2 =	vadd.f32 v3, v2;
	v3 =	vmul.f32 v10, v10  }
0x2b7: {  	v4 =	vor.u32 v42, v51;
	v59 =	vld.idx.msk [tilespmem:v7+s30+$0x0], $0xffff;
	v0 =	vadd.f32 v1, v0;
	v1 =	vmul.f32 v8, v8  }
0x2b8: {  	[tilespmem:$0x1FBB0] =	vst v58;
	v60 =	vld.idx.msk [tilespmem:v6+s29+$0x0], $0xffff;
	v2 =	vadd.f32 v3, v2;
	v3 =	vmul.f32 v29, v29  }
0x2b9: {  	v58 =	vld.idx.msk [tilespmem:v6+s30+$0x0], $0xffff;
	v7 =	vor.u32 v43, v51;
	v0 =	vadd.f32 v1, v0;
	v1 =	vmul.f32 v9, v9  }
0x2ba: {  	[tilespmem:$0x1FB60] =	vst v57;
	v57 =	vld.idx.msk [tilespmem:v5+s29+$0x0], $0xffff;
	v2 =	vadd.f32 v3, v2;
	v3 =	vmul.f32 v61, v61  }
0x2bb: {  	v6 =	vor.u32 v11, v51;
	v56 =	vld.idx.msk [tilespmem:v5+s30+$0x0], $0xffff;
	v0 =	vadd.f32 v1, v0;
	v1 =	vmul.f32 v63, v63  }
0x2bc: {  	[tilespmem:$0x1FB00] =	vst v55;
	v55 =	vld.idx.msk [tilespmem:v4+s29+$0x0], $0xffff;
	v2 =	vadd.f32 v3, v2;
	v3 =	vmul.f32 v59, v59  }
0x2bd: {  	v5 =	vor.u32 v12, v51;
	v54 =	vld.idx.msk [tilespmem:v4+s30+$0x0], $0xffff;
	v0 =	vadd.f32 v1, v0;
	v1 =	vmul.f32 v60, v60  }
0x2be: {  	[tilespmem:$0x1FAD0] =	vst v53;
	v53 =	vld.idx.msk [tilespmem:v7+s29+$0x0], $0xffff;
	v2 =	vadd.f32 v3, v2;
	v3 =	vmul.f32 v58, v58  }
0x2bf: {  	v4 =	vor.u32 v13, v51;
	v52 =	vld.idx.msk [tilespmem:v7+s30+$0x0], $0xffff;
	v0 =	vadd.f32 v1, v0;
	v1 =	vmul.f32 v57, v57  }
0x2c0: {  	v50 =	vld.idx.msk [tilespmem:v6+s29+$0x0], $0xffff;
	v2 =	vadd.f32 v3, v2;
	v3 =	vmul.f32 v56, v56  }
0x2c1: {  	v48 =	vld.idx.msk [tilespmem:v6+s30+$0x0], $0xffff;
	v7 =	vor.u32 v14, v51;
	v0 =	vadd.f32 v1, v0;
	v1 =	vmul.f32 v55, v55  }
0x2c2: {  	[tilespmem:$0x1FA70] =	vst v47;
	v49 =	vld.idx.msk [tilespmem:v5+s29+$0x0], $0xffff;
	v2 =	vadd.f32 v3, v2;
	v3 =	vmul.f32 v54, v54  }
0x2c3: {  	v6 =	vor.u32 v15, v51;
	v47 =	vld.idx.msk [tilespmem:v5+s30+$0x0], $0xffff;
	v0 =	vadd.f32 v1, v0;
	v1 =	vmul.f32 v53, v53  }
0x2c4: {  	[tilespmem:$0x1FA40] =	vst v46;
	v46 =	vld.idx.msk [tilespmem:v4+s29+$0x0], $0xffff;
	v2 =	vadd.f32 v3, v2;
	v3 =	vmul.f32 v52, v52  }
0x2c5: {  	v62 =	vld.idx.msk [tilespmem:v4+s30+$0x0], $0xffff;
	v4 =	vmul.f32 v50, v50;
	v0 =	vadd.f32 v1, v0;
	v1 =	vor.u32 v16, v51  }
0x2c6: {  	[tilespmem:$0x1FBF0] =	vst v9;
	v5 =	vmul.f32 v48, v48;
	v2 =	vadd.f32 v3, v2;
	v3 =	vld.idx.msk [tilespmem:v7+s29+$0x0], $0xffff  }
0x2c7: {  	v9 =	vor.u32 v17, v51;
	v51 =	vld.idx.msk [tilespmem:v7+s30+$0x0], $0xffff;
	v7 =	vmul.f32 v49, v49;
	v0 =	vadd.f32 v4, v0  }
0x2c8: {  	[tilespmem:$0x1FBE0] =	vst v8;
	v8 =	vmul.f32 v47, v47;
	v2 =	vadd.f32 v5, v2;
	v4 =	vld.idx.msk [tilespmem:v6+s29+$0x0], $0xffff  }
0x2c9: {  	v5 =	vld.idx.msk [tilespmem:v6+s30+$0x0], $0xffff;
	v0 =	vadd.f32 v7, v0;
	v7 =	vmul.f32 v46, v46  }
0x2ca: {  	[tilespmem:$0x1FBD0] =	vst v10;
	v10 =	vmul.f32 v62, v62;
	v2 =	vadd.f32 v8, v2;
	v6 =	vld.idx.msk [tilespmem:v1+s29+$0x0], $0xffff  }
0x2cb: {  	v8 =	vld.idx.msk [tilespmem:v1+s30+$0x0], $0xffff;
	v1 =	vmul.f32 v3, v3;
	v7 =	vadd.f32 v7, v0  }
0x2cc: {  	v2 =	vadd.f32 v10, v2;
	v0 =	vld.idx.msk [tilespmem:v9+s29+$0x0], $0xffff;
	v10 =	vmul.f32 v51, v51  }
0x2cd: {  	v9 =	vld.idx.msk [tilespmem:v9+s30+$0x0], $0xffff;
	v1 =	vadd.f32 v1, v7;
	v7 =	vmul.f32 v4, v4  }
0x2ce: {  	v2 =	vadd.f32 v10, v2;
	v10 =	vmul.f32 v5, v5  }
0x2cf: {  	v1 =	vadd.f32 v7, v1;
	v7 =	vmul.f32 v6, v6  }
0x2d0: {  	v2 =	vadd.f32 v10, v2;
	v10 =	vmul.f32 v8, v8  }
0x2d1: {  	v1 =	vadd.f32 v7, v1;
	v7 =	vmul.f32 v0, v0  }
0x2d2: {  	v2 =	vadd.f32 v10, v2;
	v10 =	vmul.f32 v9, v9  }
0x2d3: {  	v15 =	vld [tilespmem:$0x1F9A0];
	v1 =	vadd.f32 v7, v1  }
0x2d4: {  	v16 =	vld [tilespmem:$0x1F9B0];
	v2 =	vadd.f32 v10, v2  }
0x2d5: {  	v7 =	vadd.f32 $1.000000000e-30, v1  }
0x2d6: {  	v10 =	vadd.f32 $1.000000000e-30, v2  }
0x2d7: {  	v11 =	vshra.s32 v7, $0x1;
	v7 =	vmul.f32 $5.000000000e-01, v7  }
0x2d8: {  	v17 =	vld [tilespmem:$0x1F9D0];
	v12 =	vshra.s32 v10, $0x1;
	v10 =	vmul.f32 $5.000000000e-01, v10;
	v11 =	vsub.s32 $0x5F3759DF, v11  }
0x2d9: {  	v15 =	vmul.f32 v16, v15;
	v16 =	vld [tilespmem:$0x1F9C0];
	v12 =	vsub.s32 $0x5F3759DF, v12;
	v13 =	vmul.f32 v11, v7  }
0x2da: {  	v14 =	vmul.f32 v12, v10  }
0x2db: {  	v13 =	vmul.f32 v11, v13  }
0x2dc: {  	v14 =	vmul.f32 v12, v14  }
0x2dd: {  	[tilespmem:$0x1FA20] =	vst v45;
	v45 =	vmov v29;
	v29 =	vld [tilespmem:$0x1F9F0];
	v13 =	vsub.f32 $1.500000000e+00, v13  }
0x2de: {  	v16 =	vmul.f32 v17, v16;
	v17 =	vld [tilespmem:$0x1F9E0];
	v14 =	vsub.f32 $1.500000000e+00, v14  }
0x2df: {  	v11 =	vmul.f32 v11, v13;
	v13 =	vld [tilespmem:$0x1FA00]  }
0x2e0: {  	v12 =	vmul.f32 v12, v14;
	v14 =	vld [tilespmem:$0x1FA10]  }
0x2e1: {  	v15 =	vadd.f32 $0.0e+00, v15;
	_ =	sdelay $0x1  }
0x2e2: {  	v15 =	vadd.f32 v16, v15;
	v17 =	vmul.f32 v29, v17  }
0x2e3: {  	v29 =	vld [tilespmem:$0x1FA30]  }
0x2e4: {  	v13 =	vmul.f32 v14, v13;
	v14 =	vadd.f32 v17, v15;
	v15 =	vmul.f32 v11, v7;
	v17 =	vld [tilespmem:$0x1FA20]  }
0x2e5: {  	v16 =	vmul.f32 v12, v10  }
0x2e6: {  	v13 =	vadd.f32 v13, v14;
	v14 =	vmul.f32 v15, v11  }
0x2e7: {  	v15 =	vmul.f32 v16, v12  }
0x2e8: {  	v16 =	vld [tilespmem:$0x1FA40];
	v14 =	vsub.f32 $1.500000000e+00, v14  }
0x2e9: {  	v15 =	vsub.f32 $1.500000000e+00, v15;
	v17 =	vmul.f32 v29, v17;
	v29 =	vld [tilespmem:$0x1FA50]  }
0x2ea: {  	v11 =	vmul.f32 v14, v11;
	v14 =	vld [tilespmem:$0x1FA80]  }
0x2eb: {  	v12 =	vmul.f32 v15, v12;
	v15 =	vld [tilespmem:$0x1FA90];
	_ =	sdelay $0x1  }
0x2ec: {  	v13 =	vadd.f32 v17, v13;
	v17 =	vld [tilespmem:$0x1FA60]  }
0x2ed: {  	v16 =	vmul.f32 v29, v16;
	v29 =	vld [tilespmem:$0x1FA70];
	_ =	sdelay $0x1  }
0x2ee: {  	v14 =	vmul.f32 v15, v14;
	v15 =	vld [tilespmem:$0x1FAA0]  }
0x2ef: {  	v13 =	vadd.f32 v16, v13;
	v16 =	vld [tilespmem:$0x1FAB0];
	_ =	sdelay $0x1  }
0x2f0: {  	v17 =	vmul.f32 v29, v17;
	_ =	sdelay $0x1  }
0x2f1: {  	v13 =	vadd.f32 v17, v13  }
0x2f2: {  	v15 =	vmul.f32 v16, v15;
	v16 =	vld [tilespmem:$0x1FAD0]  }
0x2f3: {  	v7 =	vmul.f32 v11, v7;
	v13 =	vadd.f32 v14, v13;
	v14 =	vld [tilespmem:$0x1FAC0]  }
0x2f4: {  	v10 =	vmul.f32 v12, v10  }
0x2f5: {  	v7 =	vmul.f32 v7, v11  }
0x2f6: {  	v10 =	vmul.f32 v10, v12  }
0x2f7: {  	v7 =	vsub.f32 $1.500000000e+00, v7;
	v13 =	vadd.f32 v15, v13;
	v15 =	vld [tilespmem:$0x1FAE0]  }
0x2f8: {  	v10 =	vsub.f32 $1.500000000e+00, v10;
	v14 =	vmul.f32 v16, v14;
	v16 =	vld [tilespmem:$0x1FAF0]  }
0x2f9: {  	v7 =	vmul.f32 v7, v11;
	v11 =	vld [tilespmem:$0x1FB00]  }
0x2fa: {  	v10 =	vmul.f32 v10, v12;
	v12 =	vld [tilespmem:$0x1FB10];
	_ =	sdelay $0x2  }
0x2fb: {  	v13 =	vadd.f32 v14, v13;
	v15 =	vmul.f32 v16, v15  }
0x2fc: {  	v14 =	vld [tilespmem:$0x1FB30]  }
0x2fd: {  	v11 =	vmul.f32 v12, v11;
	v12 =	vadd.f32 v15, v13;
	v13 =	vld [tilespmem:$0x1FB20];
	_ =	sdelay $0x1  }
0x2fe: {  	v7 =	vmul.f32 v7, v1;
	_ =	sdelay $0x1  }
0x2ff: {  	v16 =	vld [tilespmem:$0x1FB50];
	v11 =	vadd.f32 v11, v12;
	v12 =	vadd.f32 $1.000000000e+00, v7  }
0x300: {  	v15 =	vld [tilespmem:$0x1FB40];
	v13 =	vmul.f32 v14, v13  }
0x301: {  	(erf) = vrcp.f32 v12;
	v12 =	vld [tilespmem:$0x1FB60]  }
0x302: {  	v10 =	vmul.f32 v10, v2;
	v11 =	vadd.f32 v13, v11;
	v13 =	vld [tilespmem:$0x1FB70];
	_ =	sdelay $0x1  }
0x303: {  	v14 =	vadd.f32 $1.000000000e+00, v10;
	_ =	sdelay $0x1  }
0x304: {  	(erf) = vrcp.f32 v14;
	v14 =	vld [tilespmem:$0x1FB90]  }
0x305: {  	v15 =	vmul.f32 v16, v15;
	v12 =	vmul.f32 v13, v12;
	v13 =	vld [tilespmem:$0x1FB80];
	_ =	sdelay $0x1  }
0x306: {  	v11 =	vadd.f32 v15, v11;
	_ =	sdelay $0x1  }
0x307: {  	v11 =	vadd.f32 v12, v11;
	v12 =	vld [tilespmem:$0x1FBA0]  }
0x308: {  	v13 =	vmul.f32 v14, v13;
	v14 =	vld [tilespmem:$0x1FBB0];
	_ =	sdelay $0x3  }
0x309: {  	v11 =	vadd.f32 v13, v11;
	v13 =	vld [tilespmem:$0x1FBC0]  }
0x30a: {  	v12 =	vmul.f32 v14, v12;
	v14 =	vld [tilespmem:$0x1FBD0];
	_ =	sdelay $0x4  }
0x30b: {  	v13 =	vmul.f32 v14, v13;
	v14 =	vld [tilespmem:$0x1FBE0];
	_ =	sdelay $0x1  }
0x30c: {  	v15 =	vld [tilespmem:$0x1FBF0]  }
0x30d: {  	v11 =	vadd.f32 v12, v11  }
0x30e: {  	v12 =	vpop (erf)  }
0x30f: {  	v7 =	vmul.f32 v12, v7;
	v11 =	vadd.f32 v13, v11;
	v13 =	vpop (erf);
	v14 =	vmul.f32 v45, v14  }
0x310: {  	v10 =	vmul.f32 v13, v10  }
0x311: {  	v15 =	vmul.f32 v61, v15;
	v7 =	vadd.f32 $1.000000000e+00, v7;
	v11 =	vadd.f32 v14, v11  }
0x312: {  	v10 =	vadd.f32 $1.000000000e+00, v10  }
0x313: {  	(erf) = vrcp.f32 v7;
	v14 =	vmul.f32 v59, v63;
	v11 =	vadd.f32 v15, v11  }
0x314: {  	(erf) = vrcp.f32 v10  }
0x315: {  	v7 =	vmul.f32 v58, v60;
	v10 =	vadd.f32 v14, v11;
	_ =	sdelay $0x1  }
0x316: {  	v11 =	vmul.f32 v56, v57;
	v7 =	vadd.f32 v7, v10  }
0x317: {  	v10 =	vmul.f32 v54, v55  }
0x318: {  	v7 =	vadd.f32 v11, v7;
	v11 =	vmul.f32 v52, v53;
	_ =	sdelay $0x1  }
0x319: {  	v7 =	vadd.f32 v10, v7  }
0x31a: {  	v10 =	vpop (erf)  }
0x31b: {  	v10 =	vmul.f32 v10, v12;
	v7 =	vadd.f32 v11, v7;
	v11 =	vpop (erf)  }
0x31c: {  	v14 =	vmul.f32 v48, v50;
	v11 =	vmul.f32 v11, v13  }
0x31d: {  	v1 =	vmul.f32 v10, v1  }
0x31e: {  	v12 =	vmul.f32 v47, v49;
	v7 =	vadd.f32 v14, v7;
	v2 =	vmul.f32 v11, v2  }
0x31f: {  	v1 =	vmul.f32 v1, v10  }
0x320: {  	v13 =	vmul.f32 v62, v46;
	v7 =	vadd.f32 v12, v7;
	v2 =	vmul.f32 v2, v11  }
0x321: {  	v12 =	vsub.f32 $1.000000000e+00, v1  }
0x322: {  	v3 =	vmul.f32 v51, v3;
	v7 =	vadd.f32 v13, v7;
	v13 =	vsub.f32 $1.000000000e+00, v2;
	_ =	sdelay $0x1  }
0x323: {  	v4 =	vmul.f32 v5, v4;
	v3 =	vadd.f32 v3, v7;
	v5 =	vmul.f32 v13, v12;
	_ =	sdelay $0x1  }
0x324: {  	v6 =	vmul.f32 v8, v6;
	v3 =	vadd.f32 v4, v3;
	v4 =	vadd.f32 $9.999999960e-13, v5  }
0x325: {  	v0 =	vmul.f32 v9, v0  }
0x326: {  	v5 =	vmul.f32 v11, v10;
	v3 =	vadd.f32 v6, v3;
	(erf) = vrcp.f32 v4;
	_ =	sdelay $0x1  }
0x327: {  	v0 =	vadd.f32 v0, v3;
	v3 =	vadd.f32 v5, v5;
	_ =	sdelay $0x1  }
0x328: {  	v1 =	vadd.f32 v2, v1;
	v0 =	vmul.f32 v3, v0;
	_ =	sdelay $0x1  }
0x329: {  	v0 =	vsub.f32 v1, v0;
	_ =	sdelay $0x1  }
0x32a: {  	v0 =	vadd.f32 v0, v0  }
0x32b: {  	v1 =	vpop (erf)  }
0x32c: {  	v0 =	vmul.f32 v1, v0;
	_ =	sdelay $0x1  }
0x32d: {  	v0 =	vadd.f32 $1.000000000e+00, v0;
	_ =	sdelay $0x1  }
0x32e: {  	v0 =	vmax.f32 v0, $1.000000000e+00  }
0x32f: {  	v1 =	vmul.f32 v0, v0;
	_ =	sdelay $0x1  }
0x330: {  	v1 =	vadd.f32 $-1.000000000e+00, v1;
	_ =	sdelay $0x1  }
0x331: {  	v1 =	vadd.f32 $1.000000000e-30, v1;
	_ =	sdelay $0x1  }
0x332: {  	v2 =	vshra.s32 v1, $0x1;
	v3 =	vmul.f32 $5.000000000e-01, v1  }
0x333: {  	v2 =	vsub.s32 $0x5F3759DF, v2  }
0x334: {  	v4 =	vmul.f32 v2, v3;
	_ =	sdelay $0x1  }
0x335: {  	v4 =	vmul.f32 v2, v4;
	_ =	sdelay $0x1  }
0x336: {  	v4 =	vsub.f32 $1.500000000e+00, v4;
	_ =	sdelay $0x1  }
0x337: {  	v2 =	vmul.f32 v2, v4;
	_ =	sdelay $0x1  }
0x338: {  	v4 =	vmul.f32 v2, v3;
	_ =	sdelay $0x1  }
0x339: {  	v4 =	vmul.f32 v4, v2;
	_ =	sdelay $0x1  }
0x33a: {  	v4 =	vsub.f32 $1.500000000e+00, v4;
	_ =	sdelay $0x1  }
0x33b: {  	v2 =	vmul.f32 v4, v2;
	_ =	sdelay $0x1  }
0x33c: {  	v3 =	vmul.f32 v2, v3;
	_ =	sdelay $0x1  }
0x33d: {  	v3 =	vmul.f32 v3, v2;
	_ =	sdelay $0x1  }
0x33e: {  	v3 =	vsub.f32 $1.500000000e+00, v3;
	_ =	sdelay $0x1  }
0x33f: {  	v2 =	vmul.f32 v3, v2;
	_ =	sdelay $0x1  }
0x340: {  	v1 =	vmul.f32 v2, v1;
	_ =	sdelay $0x1  }
0x341: {  	v0 =	vadd.f32 v1, v0;
	_ =	sdelay $0x1  }
0x342: {  	v1 =	vand.u32 $0x7FFFFF, v0  }
0x343: {  	v1 =	vor.u32 $0x3F800000, v1  }
0x344: {  	v2 =	vmul.f32 $5.000000000e-01, v1  }
0x345: {  	vm0 =	vgt.f32 v1, $1.414213540e+00  }
0x346: {  	v1 =	vsel vm0, v2, v1  }
0x347: {  	v2 =	vadd.f32 $1.000000000e+00, v1;
	_ =	sdelay $0x1  }
0x348: {  	(erf) = vrcp.f32 v2;
	_ =	sdelay $0x7  }
0x349: {  	v1 =	vadd.f32 $-1.000000000e+00, v1  }
0x34a: {  	v2 =	vpop (erf)  }
0x34b: {  	v1 =	vmul.f32 v2, v1;
	_ =	sdelay $0x1  }
0x34c: {  	v2 =	vmul.f32 v1, v1;
	_ =	sdelay $0x1  }
0x34d: {  	v3 =	vmul.f32 $1.428571490e-01, v2;
	_ =	sdelay $0x1  }
0x34e: {  	v3 =	vadd.f32 $2.000000030e-01, v3;
	_ =	sdelay $0x1  }
0x34f: {  	v3 =	vmul.f32 v3, v2;
	_ =	sdelay $0x1  }
0x350: {  	v0 =	vshrl.u32 v0, $0x17;
	v3 =	vadd.f32 $3.333333430e-01, v3  }
0x351: {  	s0 =	sadd.s32 $0x10, s0;
	v0 =	vand.u32 $0xFF, v0;
	v4 =	vsel vm0, $0xFFFFFF82, v44  }
0x352: {  	s1 =	sadd.s32 $0x10, s1;
	v0 =	vadd.s32 v0, v4;
	v4 =	vld [tilespmem:s0+$0x0];
	v2 =	vmul.f32 v3, v2  }
0x353: {  	v3 =	vld [tilespmem:s1+$0x0]  }
0x354: {  	v0 =	vcvt.s32.f32 v0;
	v1 =	vadd.f32 v1, v1;
	v2 =	vadd.f32 $1.000000000e+00, v2;
	_ =	sdelay $0x1  }
0x355: {  	v0 =	vmul.f32 $6.931471820e-01, v0;
	v1 =	vmul.f32 v2, v1;
	_ =	sdelay $0x1  }
0x356: {  	v0 =	vadd.f32 v1, v0;
	v1 =	vadd.f32 v3, v4;
	_ =	sdelay $0x1  }
0x357: {  	v0 =	vadd.f32 v0, v1;
	v1 =	vld [tilespmem:$0x1FEE0];
	_ =	sdelay $0x4  }
0x358: {  	v0 =	vmul.f32 v0, v1;
	v1 =	vld [tilespmem:$0x1FED0];
	_ =	sdelay $0x4  }
0x359: {  	v0 =	vadd.f32 v0, v1;
	_ =	sdelay $0x1  }
0x35a: {  	[tilespmem:s15+$0x0] =	vst v0;
	s15 =	simm.s32 $0x10D00  }
0x35b: {  	[hbm4b:s12+s5] =	stream.linear.scatter [tilespmem:s15], [sflag:$0x3], $0x200, $0x38;
	[tilespmem:$0x10F80] =	vst v63  }
0x35c: {  	_ =	swait.ge [sflag:s14], $0x200  }
0x35d: {  	v2 =	vld [tilespmem:$0x1FF60]  }
0x35e: {  	v7 =	vld [tilespmem:$0x1FF70]  }
0x35f: {  	v8 =	vld [tilespmem:$0x1FF80]  }
0x360: {  	s4 =	sadd.s32 $0x1, s4;
	v9 =	vld [tilespmem:$0x1FF90]  }
0x361: {  	p0 =	sne.s32 s4, s13;
	v10 =	vld [tilespmem:$0x1FFA0]  }
.Ltmp2:
0x362: {  	v11 =	vld [tilespmem:$0x1FFB0];
	(pc) =	sbr.rel @p0 .LBB2_1-.Ltmp2, $4  }
0x363: {  	v12 =	vld [tilespmem:$0x1FFC0]  }
0x364: {  	v13 =	vld [tilespmem:$0x1FFD0]  }
0x365: {  	[sflag:s14] =	ssyncset.done $0x0;
	v14 =	vld [tilespmem:$0x1FFE0]  }
0x366: {  	v1 =	vlaneseq.u32;
	v15 =	vld [tilespmem:$0x1FFF0];
	[sflag:s14] =	ssyncadd.s32 $0xFFFFFE00  }
0x367: {  	_ =	sfence.sel $0x180000  }
0x368: {  	[bflag:$0x0] =	sbarrier.arrive $0xFFFF  }
0x369: {  	_ =	strace $0x90000047  }
0x36a: {  	s0 =	stileid.u32;
	[bflag:$0x2] =	sbarrier.arrive $0xFFFF  }
0x36b: {  	p0 =	sne.s32 s0, $0x0;
	s0 =	rddreg [dreg:$0x6]  }
0x36c: {  	s0 =	sadd.s32 @!p0 $0x100000, s0  }
0x36d: {  	[sflag:s0] =	ssyncadd.tile.s32 @!p0 $0x1;
	_ =	shalt  }
.Lfunc_end2:
_tile_overlayer_lowered:
.L_overlay_start_2:
0x36e: {  	(tag) =	ssettag $0x2  }
0x36f: {  	s0 =	rddreg [dreg:$0x0];
	s2 =	stileid.u32  }
0x370: {  	s1 =	rddreg [dreg:$0x1];
	p0 =	sne.s32 s2, $0x0  }
0x371: {  	s3 =	rddreg [dreg:$0x2];
	[bflag:$0x3] =	sbarrier.arrive $0xFFFF;
	s2 =	simm.s32 @!p0 $0x1C03  }
0x372: {  	[timem:s3], [sflag:s2] =	dma.local @!p0 [hbm:s0], s1  }
0x373: {  	s0 =	simm.s32 @!p0 $0x3  }
0x374: {  	_ =	swait.ge @!p0 [sflag:s0], s1  }
0x375: {  	s1 =	ssub.s32 @!p0 $0x0, s1;
	[sflag:s0] =	ssyncset.done @!p0 $0x0  }
0x376: {  	[sflag:s0] =	ssyncadd.s32 @!p0 s1  }
0x377: {  	[bflag:$0x3] =	sbarrier.arrive $0xFFFF  }
0x378: {  	_ =	shalt  }

</sc_bundles>
